<compile_context>
chip_gen: v7x
topology: tpu7x:2x2x1
jax: 0.10.2.dev20260603
libtpu: 0.0.44.dev20260713+nightly
codegen_flags: <defaults>
</compile_context>

<pallas_src>
import functools

import jax
import jax.numpy as jnp
from jax import lax
from jax.experimental import pallas as pl
from jax.experimental.pallas import tpu as pltpu
from jax.experimental.pallas import tpu_sc as plsc

_T = 2048
_D = 1024
_E = 128
_NE = 64
_CH = 128
_TC = 64
_PAD = _TC
_TA = _T + 8 * _NE

_NC = 2
_NS = 16
_NW = _NC * _NS
_BW = _T // _NW


def _router_body(x_ref, w_ref, pos_ref, off_ref, cnt_ref):
    xv = x_ref[...]
    wv = w_ref[...]
    logits = lax.dot_general(
        xv, wv, (((1,), (1,)), ((), ())),
        preferred_element_type=jnp.float32)
    m = jnp.max(logits, axis=1, keepdims=True)
    iota_e = lax.broadcasted_iota(jnp.int32, (_T, _NE), 1)
    cand = jnp.where(logits >= m, iota_e, _NE)
    eid = jnp.min(cand, axis=1, keepdims=True)
    onehot = (iota_e == eid).astype(jnp.float32)
    counts = jnp.sum(onehot, axis=0, keepdims=True)
    offs = jnp.sum((eid < iota_e).astype(jnp.float32), axis=0, keepdims=True)
    pads = jnp.ceil(counts * 0.125) * 8.0 - counts
    ie = lax.broadcasted_iota(jnp.int32, (_NE, _NE), 0)
    je = lax.broadcasted_iota(jnp.int32, (_NE, _NE), 1)
    ult = (ie < je).astype(jnp.float32)
    pad_excl = lax.dot_general(
        pads, ult, (((1,), (0,)), ((), ())),
        preferred_element_type=jnp.float32)
    offs = offs + pad_excl
    ir = lax.broadcasted_iota(jnp.int32, (_CH, _CH), 0)
    jr = lax.broadcasted_iota(jnp.int32, (_CH, _CH), 1)
    tril = (jr < ir).astype(jnp.float32)
    running = jnp.zeros((1, _NE), jnp.float32)
    for i in range(_T // _CH):
        oh = onehot[i * _CH:(i + 1) * _CH, :]
        ranks = lax.dot_general(
            tril, oh, (((1,), (0,)), ((), ())),
            preferred_element_type=jnp.float32) + running
        posc = jnp.sum(oh * (ranks + offs), axis=1, keepdims=True)
        pos_ref[i * _CH:(i + 1) * _CH, :] = posc.astype(jnp.int32)
        running = running + jnp.sum(oh, axis=0, keepdims=True)
    off_ref[...] = offs.astype(jnp.int32)
    cnt_ref[...] = counts.astype(jnp.int32)


def _ffn_body(offs_ref, cnt_ref, scale_ref, x_hbm, ws_hbm, wl_hbm, wo_hbm,
              out_ref, xv, wsb, wlb, wob, sems, sem_x):
    def start_pair(p, slot):
        pltpu.make_async_copy(
            ws_hbm.at[pl.ds(2 * p, 2)], wsb.at[slot], sems.at[slot, 0]).start()
        pltpu.make_async_copy(
            wl_hbm.at[pl.ds(2 * p, 2)], wlb.at[slot], sems.at[slot, 1]).start()
        pltpu.make_async_copy(
            wo_hbm.at[pl.ds(2 * p, 2)], wob.at[slot], sems.at[slot, 2]).start()

    def wait_pair(p, slot):
        pltpu.make_async_copy(
            ws_hbm.at[pl.ds(2 * p, 2)], wsb.at[slot], sems.at[slot, 0]).wait()
        pltpu.make_async_copy(
            wl_hbm.at[pl.ds(2 * p, 2)], wlb.at[slot], sems.at[slot, 1]).wait()
        pltpu.make_async_copy(
            wo_hbm.at[pl.ds(2 * p, 2)], wob.at[slot], sems.at[slot, 2]).wait()

    pltpu.make_async_copy(x_hbm, xv, sem_x).start()
    for p0 in range(3):
        start_pair(p0, p0)
    pltpu.make_async_copy(x_hbm, xv, sem_x).wait()
    sc = scale_ref[0]
    npairs = _NE // 2

    def compute_expert(e, wsk, wlk, wok):
        start = pl.multiple_of(offs_ref[e], 8)
        n = cnt_ref[e]

        def chunk_body(c, carry):
            base = start + c * _TC
            xs = xv[pl.ds(base, _TC), :]
            a = jnp.dot(xs, wsk, preferred_element_type=jnp.float32)
            g = a * (1.0 / (1.0 + jnp.exp(-a)))
            u = jnp.dot(xs, wlk, preferred_element_type=jnp.float32)
            o = jnp.dot(g * u, wok, preferred_element_type=jnp.float32)
            out_ref[pl.ds(base, _TC), :] = o * sc
            return carry

        lax.fori_loop(0, (n + (_TC - 1)) // _TC, chunk_body, 0)

    def quad_body(q, carry):
        for j in range(4):
            p = 4 * q + j

            @pl.when(p + 3 < npairs)
            def _():
                start_pair(p + 3, (j + 3) % 4)

            wait_pair(p, j)
            for kk in (0, 1):
                compute_expert(2 * p + kk, wsb[j, kk], wlb[j, kk], wob[j, kk])
        return carry

    lax.fori_loop(0, npairs // 4, quad_body, 0)


@functools.lru_cache(maxsize=None)
def _make_sc_permute(n_rows_out, indexed_input):
    mesh = plsc.VectorSubcoreMesh(
        core_axis_name="c", subcore_axis_name="s", num_cores=_NC)

    @functools.partial(
        pl.kernel,
        mesh=mesh,
        out_type=jax.ShapeDtypeStruct((n_rows_out, _D), jnp.float32),
        scratch_types=[
            pltpu.VMEM((_BW,), jnp.int32),
            pltpu.VMEM((_BW, _D), jnp.float32),
            pltpu.SemaphoreType.DMA,
        ],
    )
    def permute_k(src_hbm, pos_hbm, out_hbm, idx_v, rows_v, sem):
        wid = lax.axis_index("s") * _NC + lax.axis_index("c")
        base = wid * _BW
        pltpu.sync_copy(pos_hbm.at[pl.ds(base, _BW)], idx_v)
        if indexed_input:
            pltpu.async_copy(src_hbm.at[idx_v], rows_v, sem).wait()
            pltpu.sync_copy(rows_v, out_hbm.at[pl.ds(base, _BW)])
        else:
            pltpu.sync_copy(src_hbm.at[pl.ds(base, _BW)], rows_v)
            pltpu.async_copy(rows_v, out_hbm.at[idx_v], sem).wait()

    return permute_k


def _sc_scatter(src, pos):
    return _make_sc_permute(_TA + _PAD, indexed_input=False)(src, pos)


def _sc_gather(src, pos):
    return _make_sc_permute(_T, indexed_input=True)(src, pos)


def kernel(x, router_w, expert_down, expert_up, expert_gate, scale):
    b, t, d = x.shape
    x2 = x.reshape(t, d)
    pos2d, off2d, cnt2d = pl.pallas_call(
        _router_body,
        out_shape=(
            jax.ShapeDtypeStruct((_T, 1), jnp.int32),
            jax.ShapeDtypeStruct((1, _NE), jnp.int32),
            jax.ShapeDtypeStruct((1, _NE), jnp.int32),
        ),
    )(x2, router_w)
    pos = pos2d.reshape(_T)
    x_sorted = _sc_scatter(x2, pos)
    out_sorted = pl.pallas_call(
        _ffn_body,
        in_specs=[
            pl.BlockSpec(memory_space=pltpu.SMEM),
            pl.BlockSpec(memory_space=pltpu.SMEM),
            pl.BlockSpec(memory_space=pltpu.SMEM),
            pl.BlockSpec(memory_space=pl.ANY),
            pl.BlockSpec(memory_space=pl.ANY),
            pl.BlockSpec(memory_space=pl.ANY),
            pl.BlockSpec(memory_space=pl.ANY),
        ],
        out_specs=pl.BlockSpec(memory_space=pltpu.VMEM),
        out_shape=jax.ShapeDtypeStruct((_TA + _PAD, _D), jnp.float32),
        scratch_shapes=[
            pltpu.VMEM((_TA + _PAD, _D), jnp.float32),
            pltpu.VMEM((4, 2, _D, _E), jnp.float32),
            pltpu.VMEM((4, 2, _D, _E), jnp.float32),
            pltpu.VMEM((4, 2, _E, _D), jnp.float32),
            pltpu.SemaphoreType.DMA((4, 3)),
            pltpu.SemaphoreType.DMA,
        ],
    )(off2d.reshape(_NE), cnt2d.reshape(_NE), jnp.reshape(scale, (1,)),
      x_sorted, expert_down, expert_gate, expert_up)
    out2 = _sc_gather(out_sorted, pos)
    return out2.reshape(b, t, d)

# --- scband reference (transcript-rebuilt; emitter-appended) ---
"""Pipeline reference for scband-mo-egenome-layer-80994493268350 (READ-ONLY COPY).

The authoritative reference and input builder live on the scoring server;
editing this copy changes nothing except your own understanding.
"""

import jax, jax.numpy as jnp
import numpy as np

BIG_DIM = 1024
EXPERT_DIM = 128
N_EXPERTS = 64
TOP_K = 1
B = 1
T = 2048


def setup_inputs(seed: int = 0) -> dict:
    key = jax.random.key(seed)
    ks = jax.random.split(key, 6)
    x = jax.random.normal(ks[0], (B, T, BIG_DIM), dtype=jnp.float32)
    router_w = jax.random.normal(ks[1], (N_EXPERTS, BIG_DIM), dtype=jnp.float32) * 0.02
    expert_down = jax.random.normal(ks[2], (N_EXPERTS, BIG_DIM, EXPERT_DIM), dtype=jnp.float32) * 0.02
    expert_up = jax.random.normal(ks[3], (N_EXPERTS, EXPERT_DIM, BIG_DIM), dtype=jnp.float32) * 0.02
    expert_gate = jax.random.normal(ks[4], (N_EXPERTS, BIG_DIM, EXPERT_DIM), dtype=jnp.float32) * 0.02
    scale = jnp.array(0.1, dtype=jnp.float32)
    return {"x": x, "router_w": router_w, "expert_down": expert_down,
            "expert_up": expert_up, "expert_gate": expert_gate, "scale": scale}


def reference(x, router_w, expert_down, expert_up, expert_gate, scale):
    Bb, Tt, D = x.shape
    # router: Linear(big_dim, n_experts, bias=False)
    router_logits = jnp.einsum('btd,ed->bte', x, router_w)
    top_k_logits, top_k_indices = jax.lax.top_k(router_logits, TOP_K)
    top_k_weights = jax.nn.softmax(top_k_logits, axis=-1)
    x_flat = x.reshape(-1, D)
    indices_flat = top_k_indices.reshape(-1, TOP_K)
    weights_flat = top_k_weights.reshape(-1, TOP_K)
    output = jnp.zeros_like(x_flat)
    for kk in range(TOP_K):
        expert_idx = indices_flat[:, kk]
        weight = weights_flat[:, kk:kk + 1]
        for e in range(N_EXPERTS):
            mask = (expert_idx == e).astype(x.dtype)[:, None]
            gate = jax.nn.silu(x_flat @ expert_down[e])
            up = x_flat @ expert_gate[e]
            hidden = gate * up
            out_e = hidden @ expert_up[e]
            output = output + out_e * (weight * mask)
    output = output.reshape(Bb, Tt, D)
    return output * scale

if __name__ == "__main__":
    import jax
    _d = setup_inputs()
    print(jax.jit(kernel)(*tuple(_d.values())))

</pallas_src>

<mosaic_0001>
#map = affine_map<(d0, d1) -> (0, 0)>
#map1 = affine_map<(d0, d1) -> (0)>
module attributes {stable_mosaic.version = 14 : i64} {
  func.func @permute_k(%arg0: i32, %arg1: i32, %arg2: memref<2624x1024xf32, #tpu.memory_space<hbm>>, %arg3: memref<2048xi32, #tpu.memory_space<hbm>>, %arg4: memref<2048x1024xf32, #tpu.memory_space<hbm>>, %arg5: memref<64xi32, #tpu.memory_space<vmem>>, %arg6: memref<64x1024xf32, #tpu.memory_space<vmem>>, %arg7: memref<!tpu.dma_semaphore, #tpu.memory_space<semaphore_mem>>) attributes {dimension_semantics = [#tpu.dimension_semantics<core_parallel>, #tpu.dimension_semantics<subcore_parallel>], iteration_bounds = array<i64: 2, 16>, scalar_prefetch = 0 : i64, scratch_operands = 3 : i64, tpu.core_type = #tpu.core_type<sc_vector_subcore>, window_params = [{transform_indices = #map}, {transform_indices = #map1}, {transform_indices = #map}]} {
    %mul3A = arith.constant 2 : i32
    %mul3A_0 = arith.muli %arg1, %mul3A : i32
    %add3A = arith.addi %mul3A_0, %arg0 : i32
    %mul3A_1 = arith.constant 64 : i32
    %mul3A_2 = arith.muli %add3A, %mul3A_1 : i32
    "tpu.region"() ({
      %run_scoped3A = tpu.sem_alloc : memref<!tpu.dma_semaphore, #tpu.memory_space<semaphore_mem>>
      %dma_start3A_7 = tpu.memref_slice %arg3[%mul3A_2] : memref<2048xi32, #tpu.memory_space<hbm>> -> memref<64xi32, #tpu.memory_space<hbm>>
      %dma_start3A_8 = tpu.memref_slice %arg3[%mul3A_2] : memref<2048xi32, #tpu.memory_space<hbm>> -> memref<64xi32, #tpu.memory_space<hbm>>
      tpu.enqueue_dma source(%dma_start3A_8 : memref<64xi32, #tpu.memory_space<hbm>>) target(%arg5 : memref<64xi32, #tpu.memory_space<vmem>>) target_semaphore(%run_scoped3A : memref<!tpu.dma_semaphore, #tpu.memory_space<semaphore_mem>>)
      %dma_wait3A_9 = tpu.memref_slice %arg3[%mul3A_2] : memref<2048xi32, #tpu.memory_space<hbm>> -> memref<64xi32, #tpu.memory_space<hbm>>
      %dma_wait3A_10 = tpu.memref_slice %arg3[%mul3A_2] : memref<2048xi32, #tpu.memory_space<hbm>> -> memref<64xi32, #tpu.memory_space<hbm>>
      tpu.wait_dma2 semaphore(%run_scoped3A : memref<!tpu.dma_semaphore, #tpu.memory_space<semaphore_mem>>) src(%dma_wait3A_10 : memref<64xi32, #tpu.memory_space<hbm>>) dst(%arg5 : memref<64xi32, #tpu.memory_space<vmem>>)
      tpu.yield
    }) : () -> ()
    %dma_start3A = arith.constant 0 : i32
    %dma_start3A_3 = arith.constant 0 : i32
    %dma_start3A_4 = tpu.memref_slice %arg2[%dma_start3A, %dma_start3A_3] : memref<2624x1024xf32, #tpu.memory_space<hbm>> -> memref<2624x1024xf32, #tpu.memory_space<hbm>>
    tpu.enqueue_indirect_dma source(%dma_start3A_4 : memref<2624x1024xf32, #tpu.memory_space<hbm>>) target(%arg6 : memref<64x1024xf32, #tpu.memory_space<vmem>>) offsets(%arg5 : memref<64xi32, #tpu.memory_space<vmem>>) semaphore(%arg7 : memref<!tpu.dma_semaphore, #tpu.memory_space<semaphore_mem>>)
    %dma_wait3A = arith.constant 0 : i32
    %dma_wait3A_5 = arith.constant 0 : i32
    %dma_wait3A_6 = tpu.memref_slice %arg2[%dma_wait3A, %dma_wait3A_5] : memref<2624x1024xf32, #tpu.memory_space<hbm>> -> memref<2624x1024xf32, #tpu.memory_space<hbm>>
    tpu.wait_indirect_dma semaphore(%arg7 : memref<!tpu.dma_semaphore, #tpu.memory_space<semaphore_mem>>) src(%dma_wait3A_6 : memref<2624x1024xf32, #tpu.memory_space<hbm>>) dst(%arg6 : memref<64x1024xf32, #tpu.memory_space<vmem>>)
    "tpu.region"() ({
      %run_scoped3A = tpu.sem_alloc : memref<!tpu.dma_semaphore, #tpu.memory_space<semaphore_mem>>
      %dma_start3A_7 = arith.constant 0 : i32
      %dma_start3A_8 = tpu.memref_slice %arg4[%mul3A_2, %dma_start3A_7] : memref<2048x1024xf32, #tpu.memory_space<hbm>> -> memref<64x1024xf32, #tpu.memory_space<hbm>>
      %dma_start3A_9 = arith.constant 0 : i32
      %dma_start3A_10 = tpu.memref_slice %arg4[%mul3A_2, %dma_start3A_9] : memref<2048x1024xf32, #tpu.memory_space<hbm>> -> memref<64x1024xf32, #tpu.memory_space<hbm>>
      tpu.enqueue_dma source(%arg6 : memref<64x1024xf32, #tpu.memory_space<vmem>>) target(%dma_start3A_10 : memref<64x1024xf32, #tpu.memory_space<hbm>>) target_semaphore(%run_scoped3A : memref<!tpu.dma_semaphore, #tpu.memory_space<semaphore_mem>>)
      %dma_wait3A_11 = arith.constant 0 : i32
      %dma_wait3A_12 = tpu.memref_slice %arg4[%mul3A_2, %dma_wait3A_11] : memref<2048x1024xf32, #tpu.memory_space<hbm>> -> memref<64x1024xf32, #tpu.memory_space<hbm>>
      %dma_wait3A_13 = arith.constant 0 : i32
      %dma_wait3A_14 = tpu.memref_slice %arg4[%mul3A_2, %dma_wait3A_13] : memref<2048x1024xf32, #tpu.memory_space<hbm>> -> memref<64x1024xf32, #tpu.memory_space<hbm>>
      tpu.wait_dma2 semaphore(%run_scoped3A : memref<!tpu.dma_semaphore, #tpu.memory_space<semaphore_mem>>) src(%arg6 : memref<64x1024xf32, #tpu.memory_space<vmem>>) dst(%dma_wait3A_14 : memref<64x1024xf32, #tpu.memory_space<hbm>>)
      tpu.yield
    }) : () -> ()
    return
  }
}

#map = affine_map<(d0, d1) -> (0, 0)>
#map1 = affine_map<(d0, d1) -> (0)>
module attributes {stable_mosaic.version = 14 : i64} {
  func.func @permute_k(%arg0: i32, %arg1: i32, %arg2: memref<2048x1024xf32, #tpu.memory_space<hbm>>, %arg3: memref<2048xi32, #tpu.memory_space<hbm>>, %arg4: memref<2624x1024xf32, #tpu.memory_space<hbm>>, %arg5: memref<64xi32, #tpu.memory_space<vmem>>, %arg6: memref<64x1024xf32, #tpu.memory_space<vmem>>, %arg7: memref<!tpu.dma_semaphore, #tpu.memory_space<semaphore_mem>>) attributes {dimension_semantics = [#tpu.dimension_semantics<core_parallel>, #tpu.dimension_semantics<subcore_parallel>], iteration_bounds = array<i64: 2, 16>, scalar_prefetch = 0 : i64, scratch_operands = 3 : i64, tpu.core_type = #tpu.core_type<sc_vector_subcore>, window_params = [{transform_indices = #map}, {transform_indices = #map1}, {transform_indices = #map}]} {
    %mul3A = arith.constant 2 : i32
    %mul3A_0 = arith.muli %arg1, %mul3A : i32
    %add3A = arith.addi %mul3A_0, %arg0 : i32
    %mul3A_1 = arith.constant 64 : i32
    %mul3A_2 = arith.muli %add3A, %mul3A_1 : i32
    "tpu.region"() ({
      %run_scoped3A = tpu.sem_alloc : memref<!tpu.dma_semaphore, #tpu.memory_space<semaphore_mem>>
      %dma_start3A_7 = tpu.memref_slice %arg3[%mul3A_2] : memref<2048xi32, #tpu.memory_space<hbm>> -> memref<64xi32, #tpu.memory_space<hbm>>
      %dma_start3A_8 = tpu.memref_slice %arg3[%mul3A_2] : memref<2048xi32, #tpu.memory_space<hbm>> -> memref<64xi32, #tpu.memory_space<hbm>>
      tpu.enqueue_dma source(%dma_start3A_8 : memref<64xi32, #tpu.memory_space<hbm>>) target(%arg5 : memref<64xi32, #tpu.memory_space<vmem>>) target_semaphore(%run_scoped3A : memref<!tpu.dma_semaphore, #tpu.memory_space<semaphore_mem>>)
      %dma_wait3A_9 = tpu.memref_slice %arg3[%mul3A_2] : memref<2048xi32, #tpu.memory_space<hbm>> -> memref<64xi32, #tpu.memory_space<hbm>>
      %dma_wait3A_10 = tpu.memref_slice %arg3[%mul3A_2] : memref<2048xi32, #tpu.memory_space<hbm>> -> memref<64xi32, #tpu.memory_space<hbm>>
      tpu.wait_dma2 semaphore(%run_scoped3A : memref<!tpu.dma_semaphore, #tpu.memory_space<semaphore_mem>>) src(%dma_wait3A_10 : memref<64xi32, #tpu.memory_space<hbm>>) dst(%arg5 : memref<64xi32, #tpu.memory_space<vmem>>)
      tpu.yield
    }) : () -> ()
    "tpu.region"() ({
      %run_scoped3A = tpu.sem_alloc : memref<!tpu.dma_semaphore, #tpu.memory_space<semaphore_mem>>
      %dma_start3A_7 = arith.constant 0 : i32
      %dma_start3A_8 = tpu.memref_slice %arg2[%mul3A_2, %dma_start3A_7] : memref<2048x1024xf32, #tpu.memory_space<hbm>> -> memref<64x1024xf32, #tpu.memory_space<hbm>>
      %dma_start3A_9 = arith.constant 0 : i32
      %dma_start3A_10 = tpu.memref_slice %arg2[%mul3A_2, %dma_start3A_9] : memref<2048x1024xf32, #tpu.memory_space<hbm>> -> memref<64x1024xf32, #tpu.memory_space<hbm>>
      tpu.enqueue_dma source(%dma_start3A_10 : memref<64x1024xf32, #tpu.memory_space<hbm>>) target(%arg6 : memref<64x1024xf32, #tpu.memory_space<vmem>>) target_semaphore(%run_scoped3A : memref<!tpu.dma_semaphore, #tpu.memory_space<semaphore_mem>>)
      %dma_wait3A_11 = arith.constant 0 : i32
      %dma_wait3A_12 = tpu.memref_slice %arg2[%mul3A_2, %dma_wait3A_11] : memref<2048x1024xf32, #tpu.memory_space<hbm>> -> memref<64x1024xf32, #tpu.memory_space<hbm>>
      %dma_wait3A_13 = arith.constant 0 : i32
      %dma_wait3A_14 = tpu.memref_slice %arg2[%mul3A_2, %dma_wait3A_13] : memref<2048x1024xf32, #tpu.memory_space<hbm>> -> memref<64x1024xf32, #tpu.memory_space<hbm>>
      tpu.wait_dma2 semaphore(%run_scoped3A : memref<!tpu.dma_semaphore, #tpu.memory_space<semaphore_mem>>) src(%dma_wait3A_14 : memref<64x1024xf32, #tpu.memory_space<hbm>>) dst(%arg6 : memref<64x1024xf32, #tpu.memory_space<vmem>>)
      tpu.yield
    }) : () -> ()
    %dma_start3A = arith.constant 0 : i32
    %dma_start3A_3 = arith.constant 0 : i32
    %dma_start3A_4 = tpu.memref_slice %arg4[%dma_start3A, %dma_start3A_3] : memref<2624x1024xf32, #tpu.memory_space<hbm>> -> memref<2624x1024xf32, #tpu.memory_space<hbm>>
    tpu.enqueue_indirect_dma source(%arg6 : memref<64x1024xf32, #tpu.memory_space<vmem>>) target(%dma_start3A_4 : memref<2624x1024xf32, #tpu.memory_space<hbm>>) offsets(%arg5 : memref<64xi32, #tpu.memory_space<vmem>>) semaphore(%arg7 : memref<!tpu.dma_semaphore, #tpu.memory_space<semaphore_mem>>)
    %dma_wait3A = arith.constant 0 : i32
    %dma_wait3A_5 = arith.constant 0 : i32
    %dma_wait3A_6 = tpu.memref_slice %arg4[%dma_wait3A, %dma_wait3A_5] : memref<2624x1024xf32, #tpu.memory_space<hbm>> -> memref<2624x1024xf32, #tpu.memory_space<hbm>>
    tpu.wait_indirect_dma semaphore(%arg7 : memref<!tpu.dma_semaphore, #tpu.memory_space<semaphore_mem>>) src(%arg6 : memref<64x1024xf32, #tpu.memory_space<vmem>>) dst(%dma_wait3A_6 : memref<2624x1024xf32, #tpu.memory_space<hbm>>)
    return
  }
}

module attributes {stable_mosaic.version = 14 : i64} {
  func.func @_router_body(%arg0: memref<2048x1024xf32, #tpu.memory_space<vmem>>, %arg1: memref<64x1024xf32, #tpu.memory_space<vmem>>, %arg2: memref<2048x1xi32, #tpu.memory_space<vmem>>, %arg3: memref<1x64xi32, #tpu.memory_space<vmem>>, %arg4: memref<1x64xi32, #tpu.memory_space<vmem>>) attributes {dimension_semantics = [], scalar_prefetch = 0 : i64, scratch_operands = 0 : i64, tpu.core_type = #tpu.core_type<tc>} {
    %get3A = arith.constant 0 : index
    %get3A_0 = arith.constant 0 : index
    %get3A_1 = vector.load %arg0[%get3A, %get3A_0] : memref<2048x1024xf32, #tpu.memory_space<vmem>>, vector<2048x1024xf32>
    %get3A_2 = arith.constant 0 : index
    %get3A_3 = arith.constant 0 : index
    %get3A_4 = vector.load %arg1[%get3A_2, %get3A_3] : memref<64x1024xf32, #tpu.memory_space<vmem>>, vector<64x1024xf32>
    %dot_general3A = arith.constant dense<0.000000e+00> : vector<2048x64xf32>
    %dot_general3A_5 = tpu.matmul %get3A_1, %get3A_4, %dot_general3A {dimension_numbers = #tpu.dot_dimension_numbers<[1], [1], [0], [0], [0, 0, 1, 0], [], []>, transpose_lhs_hint = false} : vector<2048x1024xf32>, vector<64x1024xf32>, vector<2048x64xf32> -> vector<2048x64xf32>
    %reduce_max3A = arith.constant dense<0xFF800000> : vector<2048xf32>
    %reduce_max3A_6 = vector.multi_reduction <maximumf>, %dot_general3A_5, %reduce_max3A [1] : vector<2048x64xf32> to vector<2048xf32>
    %broadcast_in_dim3A = vector.shape_cast %reduce_max3A_6 : vector<2048xf32> to vector<2048x1xf32>
    %iota3A = tpu.iota {dimensions = array<i32: 1>} : vector<2048x64xi32>
    %ge3A = vector.broadcast %broadcast_in_dim3A : vector<2048x1xf32> to vector<2048x64xf32>
    %ge3A_7 = arith.cmpf oge, %dot_general3A_5, %ge3A : vector<2048x64xf32>
    %jit3A = arith.constant 64 : i32
    %broadcast_in_dim3A_8 = vector.broadcast %jit3A : i32 to vector<2048x64xi32>
    %select_n3A = arith.select %ge3A_7, %iota3A, %broadcast_in_dim3A_8 : vector<2048x64xi1>, vector<2048x64xi32>
    %reduce_min3A = arith.constant dense<2147483647> : vector<2048xi32>
    %reduce_min3A_9 = vector.multi_reduction <minsi>, %select_n3A, %reduce_min3A [1] : vector<2048x64xi32> to vector<2048xi32>
    %broadcast_in_dim3A_10 = vector.shape_cast %reduce_min3A_9 : vector<2048xi32> to vector<2048x1xi32>
    %eq3A = vector.broadcast %broadcast_in_dim3A_10 : vector<2048x1xi32> to vector<2048x64xi32>
    %eq3A_11 = arith.cmpi eq, %iota3A, %eq3A : vector<2048x64xi32>
    %convert_element_type3A = arith.extui %eq3A_11 : vector<2048x64xi1> to vector<2048x64xi32>
    %convert_element_type3A_12 = arith.sitofp %convert_element_type3A : vector<2048x64xi32> to vector<2048x64xf32>
    %reduce_sum3A = arith.constant dense<0.000000e+00> : vector<64xf32>
    %reduce_sum3A_13 = vector.multi_reduction <add>, %convert_element_type3A_12, %reduce_sum3A [0] : vector<2048x64xf32> to vector<64xf32>
    %broadcast_in_dim3A_14 = vector.shape_cast %reduce_sum3A_13 : vector<64xf32> to vector<1x64xf32>
    %lt3A = vector.broadcast %broadcast_in_dim3A_10 : vector<2048x1xi32> to vector<2048x64xi32>
    %lt3A_15 = arith.cmpi slt, %lt3A, %iota3A : vector<2048x64xi32>
    %convert_element_type3A_16 = arith.extui %lt3A_15 : vector<2048x64xi1> to vector<2048x64xi32>
    %convert_element_type3A_17 = arith.sitofp %convert_element_type3A_16 : vector<2048x64xi32> to vector<2048x64xf32>
    %reduce_sum3A_18 = arith.constant dense<0.000000e+00> : vector<64xf32>
    %reduce_sum3A_19 = vector.multi_reduction <add>, %convert_element_type3A_17, %reduce_sum3A_18 [0] : vector<2048x64xf32> to vector<64xf32>
    %broadcast_in_dim3A_20 = vector.shape_cast %reduce_sum3A_19 : vector<64xf32> to vector<1x64xf32>
    %mul3A = arith.constant 1.250000e-01 : f32
    %mul3A_21 = vector.broadcast %mul3A : f32 to vector<1x64xf32>
    %mul3A_22 = arith.mulf %broadcast_in_dim3A_14, %mul3A_21 : vector<1x64xf32>
    %ceil3A = math.ceil %mul3A_22 : vector<1x64xf32>
    %mul3A_23 = arith.constant 8.000000e+00 : f32
    %mul3A_24 = vector.broadcast %mul3A_23 : f32 to vector<1x64xf32>
    %mul3A_25 = arith.mulf %ceil3A, %mul3A_24 : vector<1x64xf32>
    %sub3A = arith.subf %mul3A_25, %broadcast_in_dim3A_14 : vector<1x64xf32>
    %iota3A_26 = tpu.iota {dimensions = array<i32: 0>} : vector<64x64xi32>
    %iota3A_27 = tpu.iota {dimensions = array<i32: 1>} : vector<64x64xi32>
    %lt3A_28 = arith.cmpi slt, %iota3A_26, %iota3A_27 : vector<64x64xi32>
    %convert_element_type3A_29 = arith.extui %lt3A_28 : vector<64x64xi1> to vector<64x64xi32>
    %convert_element_type3A_30 = arith.sitofp %convert_element_type3A_29 : vector<64x64xi32> to vector<64x64xf32>
    %dot_general3A_31 = arith.constant dense<0.000000e+00> : vector<1x64xf32>
    %dot_general3A_32 = tpu.matmul %sub3A, %convert_element_type3A_30, %dot_general3A_31 {dimension_numbers = #tpu.dot_dimension_numbers<[1], [0], [0], [1], [0, 0, 1, 1], [], []>, transpose_lhs_hint = false} : vector<1x64xf32>, vector<64x64xf32>, vector<1x64xf32> -> vector<1x64xf32>
    %add3A = arith.addf %broadcast_in_dim3A_20, %dot_general3A_32 : vector<1x64xf32>
    %iota3A_33 = tpu.iota {dimensions = array<i32: 0>} : vector<128x128xi32>
    %iota3A_34 = tpu.iota {dimensions = array<i32: 1>} : vector<128x128xi32>
    %lt3A_35 = arith.cmpi slt, %iota3A_34, %iota3A_33 : vector<128x128xi32>
    %convert_element_type3A_36 = arith.extui %lt3A_35 : vector<128x128xi1> to vector<128x128xi32>
    %convert_element_type3A_37 = arith.sitofp %convert_element_type3A_36 : vector<128x128xi32> to vector<128x128xf32>
    %broadcast_in_dim3A_38 = arith.constant 0.000000e+00 : f32
    %broadcast_in_dim3A_39 = vector.broadcast %broadcast_in_dim3A_38 : f32 to vector<1x64xf32>
    %slice3A = vector.extract_strided_slice %convert_element_type3A_12 {offsets = [0, 0], sizes = [128, 64], strides = [1, 1]} : vector<2048x64xf32> to vector<128x64xf32>
    %dot_general3A_40 = arith.constant dense<0.000000e+00> : vector<128x64xf32>
    %dot_general3A_41 = tpu.matmul %convert_element_type3A_37, %slice3A, %dot_general3A_40 {dimension_numbers = #tpu.dot_dimension_numbers<[1], [0], [0], [1], [0, 0, 1, 1], [], []>, transpose_lhs_hint = false} : vector<128x128xf32>, vector<128x64xf32>, vector<128x64xf32> -> vector<128x64xf32>
    %add3A_42 = vector.broadcast %broadcast_in_dim3A_39 : vector<1x64xf32> to vector<128x64xf32>
    %add3A_43 = arith.addf %dot_general3A_41, %add3A_42 : vector<128x64xf32>
    %add3A_44 = vector.broadcast %add3A : vector<1x64xf32> to vector<128x64xf32>
    %add3A_45 = arith.addf %add3A_43, %add3A_44 : vector<128x64xf32>
    %mul3A_46 = arith.mulf %slice3A, %add3A_45 : vector<128x64xf32>
    %reduce_sum3A_47 = arith.constant dense<0.000000e+00> : vector<128xf32>
    %reduce_sum3A_48 = vector.multi_reduction <add>, %mul3A_46, %reduce_sum3A_47 [1] : vector<128x64xf32> to vector<128xf32>
    %broadcast_in_dim3A_49 = vector.shape_cast %reduce_sum3A_48 : vector<128xf32> to vector<128x1xf32>
    %convert_element_type3A_50 = arith.fptosi %broadcast_in_dim3A_49 : vector<128x1xf32> to vector<128x1xi32>
    %swap3A = arith.constant 0 : index
    %swap3A_51 = arith.constant 0 : index
    %swap3A_52 = vector.load %arg2[%swap3A, %swap3A_51] : memref<2048x1xi32, #tpu.memory_space<vmem>>, vector<128x1xi32>
    tpu.vector_store %arg2[%swap3A, %swap3A_51], %convert_element_type3A_50 {strides = array<i32>} : memref<2048x1xi32, #tpu.memory_space<vmem>>, vector<128x1xi32>,
    %reduce_sum3A_53 = arith.constant dense<0.000000e+00> : vector<64xf32>
    %reduce_sum3A_54 = vector.multi_reduction <add>, %slice3A, %reduce_sum3A_53 [0] : vector<128x64xf32> to vector<64xf32>
    %broadcast_in_dim3A_55 = vector.shape_cast %reduce_sum3A_54 : vector<64xf32> to vector<1x64xf32>
    %add3A_56 = arith.addf %broadcast_in_dim3A_39, %broadcast_in_dim3A_55 : vector<1x64xf32>
    %slice3A_57 = vector.extract_strided_slice %convert_element_type3A_12 {offsets = [128, 0], sizes = [128, 64], strides = [1, 1]} : vector<2048x64xf32> to vector<128x64xf32>
    %dot_general3A_58 = arith.constant dense<0.000000e+00> : vector<128x64xf32>
    %dot_general3A_59 = tpu.matmul %convert_element_type3A_37, %slice3A_57, %dot_general3A_58 {dimension_numbers = #tpu.dot_dimension_numbers<[1], [0], [0], [1], [0, 0, 1, 1], [], []>, transpose_lhs_hint = false} : vector<128x128xf32>, vector<128x64xf32>, vector<128x64xf32> -> vector<128x64xf32>
    %add3A_60 = vector.broadcast %add3A_56 : vector<1x64xf32> to vector<128x64xf32>
    %add3A_61 = arith.addf %dot_general3A_59, %add3A_60 : vector<128x64xf32>
    %add3A_62 = vector.broadcast %add3A : vector<1x64xf32> to vector<128x64xf32>
    %add3A_63 = arith.addf %add3A_61, %add3A_62 : vector<128x64xf32>
    %mul3A_64 = arith.mulf %slice3A_57, %add3A_63 : vector<128x64xf32>
    %reduce_sum3A_65 = arith.constant dense<0.000000e+00> : vector<128xf32>
    %reduce_sum3A_66 = vector.multi_reduction <add>, %mul3A_64, %reduce_sum3A_65 [1] : vector<128x64xf32> to vector<128xf32>
    %broadcast_in_dim3A_67 = vector.shape_cast %reduce_sum3A_66 : vector<128xf32> to vector<128x1xf32>
    %convert_element_type3A_68 = arith.fptosi %broadcast_in_dim3A_67 : vector<128x1xf32> to vector<128x1xi32>
    %swap3A_69 = arith.constant 128 : index
    %swap3A_70 = arith.constant 0 : index
    %swap3A_71 = vector.load %arg2[%swap3A_69, %swap3A_70] : memref<2048x1xi32, #tpu.memory_space<vmem>>, vector<128x1xi32>
    tpu.vector_store %arg2[%swap3A_69, %swap3A_70], %convert_element_type3A_68 {strides = array<i32>} : memref<2048x1xi32, #tpu.memory_space<vmem>>, vector<128x1xi32>,
    %reduce_sum3A_72 = arith.constant dense<0.000000e+00> : vector<64xf32>
    %reduce_sum3A_73 = vector.multi_reduction <add>, %slice3A_57, %reduce_sum3A_72 [0] : vector<128x64xf32> to vector<64xf32>
    %broadcast_in_dim3A_74 = vector.shape_cast %reduce_sum3A_73 : vector<64xf32> to vector<1x64xf32>
    %add3A_75 = arith.addf %add3A_56, %broadcast_in_dim3A_74 : vector<1x64xf32>
    %slice3A_76 = vector.extract_strided_slice %convert_element_type3A_12 {offsets = [256, 0], sizes = [128, 64], strides = [1, 1]} : vector<2048x64xf32> to vector<128x64xf32>
    %dot_general3A_77 = arith.constant dense<0.000000e+00> : vector<128x64xf32>
    %dot_general3A_78 = tpu.matmul %convert_element_type3A_37, %slice3A_76, %dot_general3A_77 {dimension_numbers = #tpu.dot_dimension_numbers<[1], [0], [0], [1], [0, 0, 1, 1], [], []>, transpose_lhs_hint = false} : vector<128x128xf32>, vector<128x64xf32>, vector<128x64xf32> -> vector<128x64xf32>
    %add3A_79 = vector.broadcast %add3A_75 : vector<1x64xf32> to vector<128x64xf32>
    %add3A_80 = arith.addf %dot_general3A_78, %add3A_79 : vector<128x64xf32>
    %add3A_81 = vector.broadcast %add3A : vector<1x64xf32> to vector<128x64xf32>
    %add3A_82 = arith.addf %add3A_80, %add3A_81 : vector<128x64xf32>
    %mul3A_83 = arith.mulf %slice3A_76, %add3A_82 : vector<128x64xf32>
    %reduce_sum3A_84 = arith.constant dense<0.000000e+00> : vector<128xf32>
    %reduce_sum3A_85 = vector.multi_reduction <add>, %mul3A_83, %reduce_sum3A_84 [1] : vector<128x64xf32> to vector<128xf32>
    %broadcast_in_dim3A_86 = vector.shape_cast %reduce_sum3A_85 : vector<128xf32> to vector<128x1xf32>
    %convert_element_type3A_87 = arith.fptosi %broadcast_in_dim3A_86 : vector<128x1xf32> to vector<128x1xi32>
    %swap3A_88 = arith.constant 256 : index
    %swap3A_89 = arith.constant 0 : index
    %swap3A_90 = vector.load %arg2[%swap3A_88, %swap3A_89] : memref<2048x1xi32, #tpu.memory_space<vmem>>, vector<128x1xi32>
    tpu.vector_store %arg2[%swap3A_88, %swap3A_89], %convert_element_type3A_87 {strides = array<i32>} : memref<2048x1xi32, #tpu.memory_space<vmem>>, vector<128x1xi32>,
    %reduce_sum3A_91 = arith.constant dense<0.000000e+00> : vector<64xf32>
    %reduce_sum3A_92 = vector.multi_reduction <add>, %slice3A_76, %reduce_sum3A_91 [0] : vector<128x64xf32> to vector<64xf32>
    %broadcast_in_dim3A_93 = vector.shape_cast %reduce_sum3A_92 : vector<64xf32> to vector<1x64xf32>
    %add3A_94 = arith.addf %add3A_75, %broadcast_in_dim3A_93 : vector<1x64xf32>
    %slice3A_95 = vector.extract_strided_slice %convert_element_type3A_12 {offsets = [384, 0], sizes = [128, 64], strides = [1, 1]} : vector<2048x64xf32> to vector<128x64xf32>
    %dot_general3A_96 = arith.constant dense<0.000000e+00> : vector<128x64xf32>
    %dot_general3A_97 = tpu.matmul %convert_element_type3A_37, %slice3A_95, %dot_general3A_96 {dimension_numbers = #tpu.dot_dimension_numbers<[1], [0], [0], [1], [0, 0, 1, 1], [], []>, transpose_lhs_hint = false} : vector<128x128xf32>, vector<128x64xf32>, vector<128x64xf32> -> vector<128x64xf32>
    %add3A_98 = vector.broadcast %add3A_94 : vector<1x64xf32> to vector<128x64xf32>
    %add3A_99 = arith.addf %dot_general3A_97, %add3A_98 : vector<128x64xf32>
    %add3A_100 = vector.broadcast %add3A : vector<1x64xf32> to vector<128x64xf32>
    %add3A_101 = arith.addf %add3A_99, %add3A_100 : vector<128x64xf32>
    %mul3A_102 = arith.mulf %slice3A_95, %add3A_101 : vector<128x64xf32>
    %reduce_sum3A_103 = arith.constant dense<0.000000e+00> : vector<128xf32>
    %reduce_sum3A_104 = vector.multi_reduction <add>, %mul3A_102, %reduce_sum3A_103 [1] : vector<128x64xf32> to vector<128xf32>
    %broadcast_in_dim3A_105 = vector.shape_cast %reduce_sum3A_104 : vector<128xf32> to vector<128x1xf32>
    %convert_element_type3A_106 = arith.fptosi %broadcast_in_dim3A_105 : vector<128x1xf32> to vector<128x1xi32>
    %swap3A_107 = arith.constant 384 : index
    %swap3A_108 = arith.constant 0 : index
    %swap3A_109 = vector.load %arg2[%swap3A_107, %swap3A_108] : memref<2048x1xi32, #tpu.memory_space<vmem>>, vector<128x1xi32>
    tpu.vector_store %arg2[%swap3A_107, %swap3A_108], %convert_element_type3A_106 {strides = array<i32>} : memref<2048x1xi32, #tpu.memory_space<vmem>>, vector<128x1xi32>,
    %reduce_sum3A_110 = arith.constant dense<0.000000e+00> : vector<64xf32>
    %reduce_sum3A_111 = vector.multi_reduction <add>, %slice3A_95, %reduce_sum3A_110 [0] : vector<128x64xf32> to vector<64xf32>
    %broadcast_in_dim3A_112 = vector.shape_cast %reduce_sum3A_111 : vector<64xf32> to vector<1x64xf32>
    %add3A_113 = arith.addf %add3A_94, %broadcast_in_dim3A_112 : vector<1x64xf32>
    %slice3A_114 = vector.extract_strided_slice %convert_element_type3A_12 {offsets = [512, 0], sizes = [128, 64], strides = [1, 1]} : vector<2048x64xf32> to vector<128x64xf32>
    %dot_general3A_115 = arith.constant dense<0.000000e+00> : vector<128x64xf32>
    %dot_general3A_116 = tpu.matmul %convert_element_type3A_37, %slice3A_114, %dot_general3A_115 {dimension_numbers = #tpu.dot_dimension_numbers<[1], [0], [0], [1], [0, 0, 1, 1], [], []>, transpose_lhs_hint = false} : vector<128x128xf32>, vector<128x64xf32>, vector<128x64xf32> -> vector<128x64xf32>
    %add3A_117 = vector.broadcast %add3A_113 : vector<1x64xf32> to vector<128x64xf32>
    %add3A_118 = arith.addf %dot_general3A_116, %add3A_117 : vector<128x64xf32>
    %add3A_119 = vector.broadcast %add3A : vector<1x64xf32> to vector<128x64xf32>
    %add3A_120 = arith.addf %add3A_118, %add3A_119 : vector<128x64xf32>
    %mul3A_121 = arith.mulf %slice3A_114, %add3A_120 : vector<128x64xf32>
    %reduce_sum3A_122 = arith.constant dense<0.000000e+00> : vector<128xf32>
    %reduce_sum3A_123 = vector.multi_reduction <add>, %mul3A_121, %reduce_sum3A_122 [1] : vector<128x64xf32> to vector<128xf32>
    %broadcast_in_dim3A_124 = vector.shape_cast %reduce_sum3A_123 : vector<128xf32> to vector<128x1xf32>
    %convert_element_type3A_125 = arith.fptosi %broadcast_in_dim3A_124 : vector<128x1xf32> to vector<128x1xi32>
    %swap3A_126 = arith.constant 512 : index
    %swap3A_127 = arith.constant 0 : index
    %swap3A_128 = vector.load %arg2[%swap3A_126, %swap3A_127] : memref<2048x1xi32, #tpu.memory_space<vmem>>, vector<128x1xi32>
    tpu.vector_store %arg2[%swap3A_126, %swap3A_127], %convert_element_type3A_125 {strides = array<i32>} : memref<2048x1xi32, #tpu.memory_space<vmem>>, vector<128x1xi32>,
    %reduce_sum3A_129 = arith.constant dense<0.000000e+00> : vector<64xf32>
    %reduce_sum3A_130 = vector.multi_reduction <add>, %slice3A_114, %reduce_sum3A_129 [0] : vector<128x64xf32> to vector<64xf32>
    %broadcast_in_dim3A_131 = vector.shape_cast %reduce_sum3A_130 : vector<64xf32> to vector<1x64xf32>
    %add3A_132 = arith.addf %add3A_113, %broadcast_in_dim3A_131 : vector<1x64xf32>
    %slice3A_133 = vector.extract_strided_slice %convert_element_type3A_12 {offsets = [640, 0], sizes = [128, 64], strides = [1, 1]} : vector<2048x64xf32> to vector<128x64xf32>
    %dot_general3A_134 = arith.constant dense<0.000000e+00> : vector<128x64xf32>
    %dot_general3A_135 = tpu.matmul %convert_element_type3A_37, %slice3A_133, %dot_general3A_134 {dimension_numbers = #tpu.dot_dimension_numbers<[1], [0], [0], [1], [0, 0, 1, 1], [], []>, transpose_lhs_hint = false} : vector<128x128xf32>, vector<128x64xf32>, vector<128x64xf32> -> vector<128x64xf32>
    %add3A_136 = vector.broadcast %add3A_132 : vector<1x64xf32> to vector<128x64xf32>
    %add3A_137 = arith.addf %dot_general3A_135, %add3A_136 : vector<128x64xf32>
    %add3A_138 = vector.broadcast %add3A : vector<1x64xf32> to vector<128x64xf32>
    %add3A_139 = arith.addf %add3A_137, %add3A_138 : vector<128x64xf32>
    %mul3A_140 = arith.mulf %slice3A_133, %add3A_139 : vector<128x64xf32>
    %reduce_sum3A_141 = arith.constant dense<0.000000e+00> : vector<128xf32>
    %reduce_sum3A_142 = vector.multi_reduction <add>, %mul3A_140, %reduce_sum3A_141 [1] : vector<128x64xf32> to vector<128xf32>
    %broadcast_in_dim3A_143 = vector.shape_cast %reduce_sum3A_142 : vector<128xf32> to vector<128x1xf32>
    %convert_element_type3A_144 = arith.fptosi %broadcast_in_dim3A_143 : vector<128x1xf32> to vector<128x1xi32>
    %swap3A_145 = arith.constant 640 : index
    %swap3A_146 = arith.constant 0 : index
    %swap3A_147 = vector.load %arg2[%swap3A_145, %swap3A_146] : memref<2048x1xi32, #tpu.memory_space<vmem>>, vector<128x1xi32>
    tpu.vector_store %arg2[%swap3A_145, %swap3A_146], %convert_element_type3A_144 {strides = array<i32>} : memref<2048x1xi32, #tpu.memory_space<vmem>>, vector<128x1xi32>,
    %reduce_sum3A_148 = arith.constant dense<0.000000e+00> : vector<64xf32>
    %reduce_sum3A_149 = vector.multi_reduction <add>, %slice3A_133, %reduce_sum3A_148 [0] : vector<128x64xf32> to vector<64xf32>
    %broadcast_in_dim3A_150 = vector.shape_cast %reduce_sum3A_149 : vector<64xf32> to vector<1x64xf32>
    %add3A_151 = arith.addf %add3A_132, %broadcast_in_dim3A_150 : vector<1x64xf32>
    %slice3A_152 = vector.extract_strided_slice %convert_element_type3A_12 {offsets = [768, 0], sizes = [128, 64], strides = [1, 1]} : vector<2048x64xf32> to vector<128x64xf32>
    %dot_general3A_153 = arith.constant dense<0.000000e+00> : vector<128x64xf32>
    %dot_general3A_154 = tpu.matmul %convert_element_type3A_37, %slice3A_152, %dot_general3A_153 {dimension_numbers = #tpu.dot_dimension_numbers<[1], [0], [0], [1], [0, 0, 1, 1], [], []>, transpose_lhs_hint = false} : vector<128x128xf32>, vector<128x64xf32>, vector<128x64xf32> -> vector<128x64xf32>
    %add3A_155 = vector.broadcast %add3A_151 : vector<1x64xf32> to vector<128x64xf32>
    %add3A_156 = arith.addf %dot_general3A_154, %add3A_155 : vector<128x64xf32>
    %add3A_157 = vector.broadcast %add3A : vector<1x64xf32> to vector<128x64xf32>
    %add3A_158 = arith.addf %add3A_156, %add3A_157 : vector<128x64xf32>
    %mul3A_159 = arith.mulf %slice3A_152, %add3A_158 : vector<128x64xf32>
    %reduce_sum3A_160 = arith.constant dense<0.000000e+00> : vector<128xf32>
    %reduce_sum3A_161 = vector.multi_reduction <add>, %mul3A_159, %reduce_sum3A_160 [1] : vector<128x64xf32> to vector<128xf32>
    %broadcast_in_dim3A_162 = vector.shape_cast %reduce_sum3A_161 : vector<128xf32> to vector<128x1xf32>
    %convert_element_type3A_163 = arith.fptosi %broadcast_in_dim3A_162 : vector<128x1xf32> to vector<128x1xi32>
    %swap3A_164 = arith.constant 768 : index
    %swap3A_165 = arith.constant 0 : index
    %swap3A_166 = vector.load %arg2[%swap3A_164, %swap3A_165] : memref<2048x1xi32, #tpu.memory_space<vmem>>, vector<128x1xi32>
    tpu.vector_store %arg2[%swap3A_164, %swap3A_165], %convert_element_type3A_163 {strides = array<i32>} : memref<2048x1xi32, #tpu.memory_space<vmem>>, vector<128x1xi32>,
    %reduce_sum3A_167 = arith.constant dense<0.000000e+00> : vector<64xf32>
    %reduce_sum3A_168 = vector.multi_reduction <add>, %slice3A_152, %reduce_sum3A_167 [0] : vector<128x64xf32> to vector<64xf32>
    %broadcast_in_dim3A_169 = vector.shape_cast %reduce_sum3A_168 : vector<64xf32> to vector<1x64xf32>
    %add3A_170 = arith.addf %add3A_151, %broadcast_in_dim3A_169 : vector<1x64xf32>
    %slice3A_171 = vector.extract_strided_slice %convert_element_type3A_12 {offsets = [896, 0], sizes = [128, 64], strides = [1, 1]} : vector<2048x64xf32> to vector<128x64xf32>
    %dot_general3A_172 = arith.constant dense<0.000000e+00> : vector<128x64xf32>
    %dot_general3A_173 = tpu.matmul %convert_element_type3A_37, %slice3A_171, %dot_general3A_172 {dimension_numbers = #tpu.dot_dimension_numbers<[1], [0], [0], [1], [0, 0, 1, 1], [], []>, transpose_lhs_hint = false} : vector<128x128xf32>, vector<128x64xf32>, vector<128x64xf32> -> vector<128x64xf32>
    %add3A_174 = vector.broadcast %add3A_170 : vector<1x64xf32> to vector<128x64xf32>
    %add3A_175 = arith.addf %dot_general3A_173, %add3A_174 : vector<128x64xf32>
    %add3A_176 = vector.broadcast %add3A : vector<1x64xf32> to vector<128x64xf32>
    %add3A_177 = arith.addf %add3A_175, %add3A_176 : vector<128x64xf32>
    %mul3A_178 = arith.mulf %slice3A_171, %add3A_177 : vector<128x64xf32>
    %reduce_sum3A_179 = arith.constant dense<0.000000e+00> : vector<128xf32>
    %reduce_sum3A_180 = vector.multi_reduction <add>, %mul3A_178, %reduce_sum3A_179 [1] : vector<128x64xf32> to vector<128xf32>
    %broadcast_in_dim3A_181 = vector.shape_cast %reduce_sum3A_180 : vector<128xf32> to vector<128x1xf32>
    %convert_element_type3A_182 = arith.fptosi %broadcast_in_dim3A_181 : vector<128x1xf32> to vector<128x1xi32>
    %swap3A_183 = arith.constant 896 : index
    %swap3A_184 = arith.constant 0 : index
    %swap3A_185 = vector.load %arg2[%swap3A_183, %swap3A_184] : memref<2048x1xi32, #tpu.memory_space<vmem>>, vector<128x1xi32>
    tpu.vector_store %arg2[%swap3A_183, %swap3A_184], %convert_element_type3A_182 {strides = array<i32>} : memref<2048x1xi32, #tpu.memory_space<vmem>>, vector<128x1xi32>,
    %reduce_sum3A_186 = arith.constant dense<0.000000e+00> : vector<64xf32>
    %reduce_sum3A_187 = vector.multi_reduction <add>, %slice3A_171, %reduce_sum3A_186 [0] : vector<128x64xf32> to vector<64xf32>
    %broadcast_in_dim3A_188 = vector.shape_cast %reduce_sum3A_187 : vector<64xf32> to vector<1x64xf32>
    %add3A_189 = arith.addf %add3A_170, %broadcast_in_dim3A_188 : vector<1x64xf32>
    %slice3A_190 = vector.extract_strided_slice %convert_element_type3A_12 {offsets = [1024, 0], sizes = [128, 64], strides = [1, 1]} : vector<2048x64xf32> to vector<128x64xf32>
    %dot_general3A_191 = arith.constant dense<0.000000e+00> : vector<128x64xf32>
    %dot_general3A_192 = tpu.matmul %convert_element_type3A_37, %slice3A_190, %dot_general3A_191 {dimension_numbers = #tpu.dot_dimension_numbers<[1], [0], [0], [1], [0, 0, 1, 1], [], []>, transpose_lhs_hint = false} : vector<128x128xf32>, vector<128x64xf32>, vector<128x64xf32> -> vector<128x64xf32>
    %add3A_193 = vector.broadcast %add3A_189 : vector<1x64xf32> to vector<128x64xf32>
    %add3A_194 = arith.addf %dot_general3A_192, %add3A_193 : vector<128x64xf32>
    %add3A_195 = vector.broadcast %add3A : vector<1x64xf32> to vector<128x64xf32>
    %add3A_196 = arith.addf %add3A_194, %add3A_195 : vector<128x64xf32>
    %mul3A_197 = arith.mulf %slice3A_190, %add3A_196 : vector<128x64xf32>
    %reduce_sum3A_198 = arith.constant dense<0.000000e+00> : vector<128xf32>
    %reduce_sum3A_199 = vector.multi_reduction <add>, %mul3A_197, %reduce_sum3A_198 [1] : vector<128x64xf32> to vector<128xf32>
    %broadcast_in_dim3A_200 = vector.shape_cast %reduce_sum3A_199 : vector<128xf32> to vector<128x1xf32>
    %convert_element_type3A_201 = arith.fptosi %broadcast_in_dim3A_200 : vector<128x1xf32> to vector<128x1xi32>
    %swap3A_202 = arith.constant 1024 : index
    %swap3A_203 = arith.constant 0 : index
    %swap3A_204 = vector.load %arg2[%swap3A_202, %swap3A_203] : memref<2048x1xi32, #tpu.memory_space<vmem>>, vector<128x1xi32>
    tpu.vector_store %arg2[%swap3A_202, %swap3A_203], %convert_element_type3A_201 {strides = array<i32>} : memref<2048x1xi32, #tpu.memory_space<vmem>>, vector<128x1xi32>,
    %reduce_sum3A_205 = arith.constant dense<0.000000e+00> : vector<64xf32>
    %reduce_sum3A_206 = vector.multi_reduction <add>, %slice3A_190, %reduce_sum3A_205 [0] : vector<128x64xf32> to vector<64xf32>
    %broadcast_in_dim3A_207 = vector.shape_cast %reduce_sum3A_206 : vector<64xf32> to vector<1x64xf32>
    %add3A_208 = arith.addf %add3A_189, %broadcast_in_dim3A_207 : vector<1x64xf32>
    %slice3A_209 = vector.extract_strided_slice %convert_element_type3A_12 {offsets = [1152, 0], sizes = [128, 64], strides = [1, 1]} : vector<2048x64xf32> to vector<128x64xf32>
    %dot_general3A_210 = arith.constant dense<0.000000e+00> : vector<128x64xf32>
    %dot_general3A_211 = tpu.matmul %convert_element_type3A_37, %slice3A_209, %dot_general3A_210 {dimension_numbers = #tpu.dot_dimension_numbers<[1], [0], [0], [1], [0, 0, 1, 1], [], []>, transpose_lhs_hint = false} : vector<128x128xf32>, vector<128x64xf32>, vector<128x64xf32> -> vector<128x64xf32>
    %add3A_212 = vector.broadcast %add3A_208 : vector<1x64xf32> to vector<128x64xf32>
    %add3A_213 = arith.addf %dot_general3A_211, %add3A_212 : vector<128x64xf32>
    %add3A_214 = vector.broadcast %add3A : vector<1x64xf32> to vector<128x64xf32>
    %add3A_215 = arith.addf %add3A_213, %add3A_214 : vector<128x64xf32>
    %mul3A_216 = arith.mulf %slice3A_209, %add3A_215 : vector<128x64xf32>
    %reduce_sum3A_217 = arith.constant dense<0.000000e+00> : vector<128xf32>
    %reduce_sum3A_218 = vector.multi_reduction <add>, %mul3A_216, %reduce_sum3A_217 [1] : vector<128x64xf32> to vector<128xf32>
    %broadcast_in_dim3A_219 = vector.shape_cast %reduce_sum3A_218 : vector<128xf32> to vector<128x1xf32>
    %convert_element_type3A_220 = arith.fptosi %broadcast_in_dim3A_219 : vector<128x1xf32> to vector<128x1xi32>
    %swap3A_221 = arith.constant 1152 : index
    %swap3A_222 = arith.constant 0 : index
    %swap3A_223 = vector.load %arg2[%swap3A_221, %swap3A_222] : memref<2048x1xi32, #tpu.memory_space<vmem>>, vector<128x1xi32>
    tpu.vector_store %arg2[%swap3A_221, %swap3A_222], %convert_element_type3A_220 {strides = array<i32>} : memref<2048x1xi32, #tpu.memory_space<vmem>>, vector<128x1xi32>,
    %reduce_sum3A_224 = arith.constant dense<0.000000e+00> : vector<64xf32>
    %reduce_sum3A_225 = vector.multi_reduction <add>, %slice3A_209, %reduce_sum3A_224 [0] : vector<128x64xf32> to vector<64xf32>
    %broadcast_in_dim3A_226 = vector.shape_cast %reduce_sum3A_225 : vector<64xf32> to vector<1x64xf32>
    %add3A_227 = arith.addf %add3A_208, %broadcast_in_dim3A_226 : vector<1x64xf32>
    %slice3A_228 = vector.extract_strided_slice %convert_element_type3A_12 {offsets = [1280, 0], sizes = [128, 64], strides = [1, 1]} : vector<2048x64xf32> to vector<128x64xf32>
    %dot_general3A_229 = arith.constant dense<0.000000e+00> : vector<128x64xf32>
    %dot_general3A_230 = tpu.matmul %convert_element_type3A_37, %slice3A_228, %dot_general3A_229 {dimension_numbers = #tpu.dot_dimension_numbers<[1], [0], [0], [1], [0, 0, 1, 1], [], []>, transpose_lhs_hint = false} : vector<128x128xf32>, vector<128x64xf32>, vector<128x64xf32> -> vector<128x64xf32>
    %add3A_231 = vector.broadcast %add3A_227 : vector<1x64xf32> to vector<128x64xf32>
    %add3A_232 = arith.addf %dot_general3A_230, %add3A_231 : vector<128x64xf32>
    %add3A_233 = vector.broadcast %add3A : vector<1x64xf32> to vector<128x64xf32>
    %add3A_234 = arith.addf %add3A_232, %add3A_233 : vector<128x64xf32>
    %mul3A_235 = arith.mulf %slice3A_228, %add3A_234 : vector<128x64xf32>
    %reduce_sum3A_236 = arith.constant dense<0.000000e+00> : vector<128xf32>
    %reduce_sum3A_237 = vector.multi_reduction <add>, %mul3A_235, %reduce_sum3A_236 [1] : vector<128x64xf32> to vector<128xf32>
    %broadcast_in_dim3A_238 = vector.shape_cast %reduce_sum3A_237 : vector<128xf32> to vector<128x1xf32>
    %convert_element_type3A_239 = arith.fptosi %broadcast_in_dim3A_238 : vector<128x1xf32> to vector<128x1xi32>
    %swap3A_240 = arith.constant 1280 : index
    %swap3A_241 = arith.constant 0 : index
    %swap3A_242 = vector.load %arg2[%swap3A_240, %swap3A_241] : memref<2048x1xi32, #tpu.memory_space<vmem>>, vector<128x1xi32>
    tpu.vector_store %arg2[%swap3A_240, %swap3A_241], %convert_element_type3A_239 {strides = array<i32>} : memref<2048x1xi32, #tpu.memory_space<vmem>>, vector<128x1xi32>,
    %reduce_sum3A_243 = arith.constant dense<0.000000e+00> : vector<64xf32>
    %reduce_sum3A_244 = vector.multi_reduction <add>, %slice3A_228, %reduce_sum3A_243 [0] : vector<128x64xf32> to vector<64xf32>
    %broadcast_in_dim3A_245 = vector.shape_cast %reduce_sum3A_244 : vector<64xf32> to vector<1x64xf32>
    %add3A_246 = arith.addf %add3A_227, %broadcast_in_dim3A_245 : vector<1x64xf32>
    %slice3A_247 = vector.extract_strided_slice %convert_element_type3A_12 {offsets = [1408, 0], sizes = [128, 64], strides = [1, 1]} : vector<2048x64xf32> to vector<128x64xf32>
    %dot_general3A_248 = arith.constant dense<0.000000e+00> : vector<128x64xf32>
    %dot_general3A_249 = tpu.matmul %convert_element_type3A_37, %slice3A_247, %dot_general3A_248 {dimension_numbers = #tpu.dot_dimension_numbers<[1], [0], [0], [1], [0, 0, 1, 1], [], []>, transpose_lhs_hint = false} : vector<128x128xf32>, vector<128x64xf32>, vector<128x64xf32> -> vector<128x64xf32>
    %add3A_250 = vector.broadcast %add3A_246 : vector<1x64xf32> to vector<128x64xf32>
    %add3A_251 = arith.addf %dot_general3A_249, %add3A_250 : vector<128x64xf32>
    %add3A_252 = vector.broadcast %add3A : vector<1x64xf32> to vector<128x64xf32>
    %add3A_253 = arith.addf %add3A_251, %add3A_252 : vector<128x64xf32>
    %mul3A_254 = arith.mulf %slice3A_247, %add3A_253 : vector<128x64xf32>
    %reduce_sum3A_255 = arith.constant dense<0.000000e+00> : vector<128xf32>
    %reduce_sum3A_256 = vector.multi_reduction <add>, %mul3A_254, %reduce_sum3A_255 [1] : vector<128x64xf32> to vector<128xf32>
    %broadcast_in_dim3A_257 = vector.shape_cast %reduce_sum3A_256 : vector<128xf32> to vector<128x1xf32>
    %convert_element_type3A_258 = arith.fptosi %broadcast_in_dim3A_257 : vector<128x1xf32> to vector<128x1xi32>
    %swap3A_259 = arith.constant 1408 : index
    %swap3A_260 = arith.constant 0 : index
    %swap3A_261 = vector.load %arg2[%swap3A_259, %swap3A_260] : memref<2048x1xi32, #tpu.memory_space<vmem>>, vector<128x1xi32>
    tpu.vector_store %arg2[%swap3A_259, %swap3A_260], %convert_element_type3A_258 {strides = array<i32>} : memref<2048x1xi32, #tpu.memory_space<vmem>>, vector<128x1xi32>,
    %reduce_sum3A_262 = arith.constant dense<0.000000e+00> : vector<64xf32>
    %reduce_sum3A_263 = vector.multi_reduction <add>, %slice3A_247, %reduce_sum3A_262 [0] : vector<128x64xf32> to vector<64xf32>
    %broadcast_in_dim3A_264 = vector.shape_cast %reduce_sum3A_263 : vector<64xf32> to vector<1x64xf32>
    %add3A_265 = arith.addf %add3A_246, %broadcast_in_dim3A_264 : vector<1x64xf32>
    %slice3A_266 = vector.extract_strided_slice %convert_element_type3A_12 {offsets = [1536, 0], sizes = [128, 64], strides = [1, 1]} : vector<2048x64xf32> to vector<128x64xf32>
    %dot_general3A_267 = arith.constant dense<0.000000e+00> : vector<128x64xf32>
    %dot_general3A_268 = tpu.matmul %convert_element_type3A_37, %slice3A_266, %dot_general3A_267 {dimension_numbers = #tpu.dot_dimension_numbers<[1], [0], [0], [1], [0, 0, 1, 1], [], []>, transpose_lhs_hint = false} : vector<128x128xf32>, vector<128x64xf32>, vector<128x64xf32> -> vector<128x64xf32>
    %add3A_269 = vector.broadcast %add3A_265 : vector<1x64xf32> to vector<128x64xf32>
    %add3A_270 = arith.addf %dot_general3A_268, %add3A_269 : vector<128x64xf32>
    %add3A_271 = vector.broadcast %add3A : vector<1x64xf32> to vector<128x64xf32>
    %add3A_272 = arith.addf %add3A_270, %add3A_271 : vector<128x64xf32>
    %mul3A_273 = arith.mulf %slice3A_266, %add3A_272 : vector<128x64xf32>
    %reduce_sum3A_274 = arith.constant dense<0.000000e+00> : vector<128xf32>
    %reduce_sum3A_275 = vector.multi_reduction <add>, %mul3A_273, %reduce_sum3A_274 [1] : vector<128x64xf32> to vector<128xf32>
    %broadcast_in_dim3A_276 = vector.shape_cast %reduce_sum3A_275 : vector<128xf32> to vector<128x1xf32>
    %convert_element_type3A_277 = arith.fptosi %broadcast_in_dim3A_276 : vector<128x1xf32> to vector<128x1xi32>
    %swap3A_278 = arith.constant 1536 : index
    %swap3A_279 = arith.constant 0 : index
    %swap3A_280 = vector.load %arg2[%swap3A_278, %swap3A_279] : memref<2048x1xi32, #tpu.memory_space<vmem>>, vector<128x1xi32>
    tpu.vector_store %arg2[%swap3A_278, %swap3A_279], %convert_element_type3A_277 {strides = array<i32>} : memref<2048x1xi32, #tpu.memory_space<vmem>>, vector<128x1xi32>,
    %reduce_sum3A_281 = arith.constant dense<0.000000e+00> : vector<64xf32>
    %reduce_sum3A_282 = vector.multi_reduction <add>, %slice3A_266, %reduce_sum3A_281 [0] : vector<128x64xf32> to vector<64xf32>
    %broadcast_in_dim3A_283 = vector.shape_cast %reduce_sum3A_282 : vector<64xf32> to vector<1x64xf32>
    %add3A_284 = arith.addf %add3A_265, %broadcast_in_dim3A_283 : vector<1x64xf32>
    %slice3A_285 = vector.extract_strided_slice %convert_element_type3A_12 {offsets = [1664, 0], sizes = [128, 64], strides = [1, 1]} : vector<2048x64xf32> to vector<128x64xf32>
    %dot_general3A_286 = arith.constant dense<0.000000e+00> : vector<128x64xf32>
    %dot_general3A_287 = tpu.matmul %convert_element_type3A_37, %slice3A_285, %dot_general3A_286 {dimension_numbers = #tpu.dot_dimension_numbers<[1], [0], [0], [1], [0, 0, 1, 1], [], []>, transpose_lhs_hint = false} : vector<128x128xf32>, vector<128x64xf32>, vector<128x64xf32> -> vector<128x64xf32>
    %add3A_288 = vector.broadcast %add3A_284 : vector<1x64xf32> to vector<128x64xf32>
    %add3A_289 = arith.addf %dot_general3A_287, %add3A_288 : vector<128x64xf32>
    %add3A_290 = vector.broadcast %add3A : vector<1x64xf32> to vector<128x64xf32>
    %add3A_291 = arith.addf %add3A_289, %add3A_290 : vector<128x64xf32>
    %mul3A_292 = arith.mulf %slice3A_285, %add3A_291 : vector<128x64xf32>
    %reduce_sum3A_293 = arith.constant dense<0.000000e+00> : vector<128xf32>
    %reduce_sum3A_294 = vector.multi_reduction <add>, %mul3A_292, %reduce_sum3A_293 [1] : vector<128x64xf32> to vector<128xf32>
    %broadcast_in_dim3A_295 = vector.shape_cast %reduce_sum3A_294 : vector<128xf32> to vector<128x1xf32>
    %convert_element_type3A_296 = arith.fptosi %broadcast_in_dim3A_295 : vector<128x1xf32> to vector<128x1xi32>
    %swap3A_297 = arith.constant 1664 : index
    %swap3A_298 = arith.constant 0 : index
    %swap3A_299 = vector.load %arg2[%swap3A_297, %swap3A_298] : memref<2048x1xi32, #tpu.memory_space<vmem>>, vector<128x1xi32>
    tpu.vector_store %arg2[%swap3A_297, %swap3A_298], %convert_element_type3A_296 {strides = array<i32>} : memref<2048x1xi32, #tpu.memory_space<vmem>>, vector<128x1xi32>,
    %reduce_sum3A_300 = arith.constant dense<0.000000e+00> : vector<64xf32>
    %reduce_sum3A_301 = vector.multi_reduction <add>, %slice3A_285, %reduce_sum3A_300 [0] : vector<128x64xf32> to vector<64xf32>
    %broadcast_in_dim3A_302 = vector.shape_cast %reduce_sum3A_301 : vector<64xf32> to vector<1x64xf32>
    %add3A_303 = arith.addf %add3A_284, %broadcast_in_dim3A_302 : vector<1x64xf32>
    %slice3A_304 = vector.extract_strided_slice %convert_element_type3A_12 {offsets = [1792, 0], sizes = [128, 64], strides = [1, 1]} : vector<2048x64xf32> to vector<128x64xf32>
    %dot_general3A_305 = arith.constant dense<0.000000e+00> : vector<128x64xf32>
    %dot_general3A_306 = tpu.matmul %convert_element_type3A_37, %slice3A_304, %dot_general3A_305 {dimension_numbers = #tpu.dot_dimension_numbers<[1], [0], [0], [1], [0, 0, 1, 1], [], []>, transpose_lhs_hint = false} : vector<128x128xf32>, vector<128x64xf32>, vector<128x64xf32> -> vector<128x64xf32>
    %add3A_307 = vector.broadcast %add3A_303 : vector<1x64xf32> to vector<128x64xf32>
    %add3A_308 = arith.addf %dot_general3A_306, %add3A_307 : vector<128x64xf32>
    %add3A_309 = vector.broadcast %add3A : vector<1x64xf32> to vector<128x64xf32>
    %add3A_310 = arith.addf %add3A_308, %add3A_309 : vector<128x64xf32>
    %mul3A_311 = arith.mulf %slice3A_304, %add3A_310 : vector<128x64xf32>
    %reduce_sum3A_312 = arith.constant dense<0.000000e+00> : vector<128xf32>
    %reduce_sum3A_313 = vector.multi_reduction <add>, %mul3A_311, %reduce_sum3A_312 [1] : vector<128x64xf32> to vector<128xf32>
    %broadcast_in_dim3A_314 = vector.shape_cast %reduce_sum3A_313 : vector<128xf32> to vector<128x1xf32>
    %convert_element_type3A_315 = arith.fptosi %broadcast_in_dim3A_314 : vector<128x1xf32> to vector<128x1xi32>
    %swap3A_316 = arith.constant 1792 : index
    %swap3A_317 = arith.constant 0 : index
    %swap3A_318 = vector.load %arg2[%swap3A_316, %swap3A_317] : memref<2048x1xi32, #tpu.memory_space<vmem>>, vector<128x1xi32>
    tpu.vector_store %arg2[%swap3A_316, %swap3A_317], %convert_element_type3A_315 {strides = array<i32>} : memref<2048x1xi32, #tpu.memory_space<vmem>>, vector<128x1xi32>,
    %reduce_sum3A_319 = arith.constant dense<0.000000e+00> : vector<64xf32>
    %reduce_sum3A_320 = vector.multi_reduction <add>, %slice3A_304, %reduce_sum3A_319 [0] : vector<128x64xf32> to vector<64xf32>
    %broadcast_in_dim3A_321 = vector.shape_cast %reduce_sum3A_320 : vector<64xf32> to vector<1x64xf32>
    %add3A_322 = arith.addf %add3A_303, %broadcast_in_dim3A_321 : vector<1x64xf32>
    %slice3A_323 = vector.extract_strided_slice %convert_element_type3A_12 {offsets = [1920, 0], sizes = [128, 64], strides = [1, 1]} : vector<2048x64xf32> to vector<128x64xf32>
    %dot_general3A_324 = arith.constant dense<0.000000e+00> : vector<128x64xf32>
    %dot_general3A_325 = tpu.matmul %convert_element_type3A_37, %slice3A_323, %dot_general3A_324 {dimension_numbers = #tpu.dot_dimension_numbers<[1], [0], [0], [1], [0, 0, 1, 1], [], []>, transpose_lhs_hint = false} : vector<128x128xf32>, vector<128x64xf32>, vector<128x64xf32> -> vector<128x64xf32>
    %add3A_326 = vector.broadcast %add3A_322 : vector<1x64xf32> to vector<128x64xf32>
    %add3A_327 = arith.addf %dot_general3A_325, %add3A_326 : vector<128x64xf32>
    %add3A_328 = vector.broadcast %add3A : vector<1x64xf32> to vector<128x64xf32>
    %add3A_329 = arith.addf %add3A_327, %add3A_328 : vector<128x64xf32>
    %mul3A_330 = arith.mulf %slice3A_323, %add3A_329 : vector<128x64xf32>
    %reduce_sum3A_331 = arith.constant dense<0.000000e+00> : vector<128xf32>
    %reduce_sum3A_332 = vector.multi_reduction <add>, %mul3A_330, %reduce_sum3A_331 [1] : vector<128x64xf32> to vector<128xf32>
    %broadcast_in_dim3A_333 = vector.shape_cast %reduce_sum3A_332 : vector<128xf32> to vector<128x1xf32>
    %convert_element_type3A_334 = arith.fptosi %broadcast_in_dim3A_333 : vector<128x1xf32> to vector<128x1xi32>
    %swap3A_335 = arith.constant 1920 : index
    %swap3A_336 = arith.constant 0 : index
    %swap3A_337 = vector.load %arg2[%swap3A_335, %swap3A_336] : memref<2048x1xi32, #tpu.memory_space<vmem>>, vector<128x1xi32>
    tpu.vector_store %arg2[%swap3A_335, %swap3A_336], %convert_element_type3A_334 {strides = array<i32>} : memref<2048x1xi32, #tpu.memory_space<vmem>>, vector<128x1xi32>,
    %convert_element_type3A_338 = arith.fptosi %add3A : vector<1x64xf32> to vector<1x64xi32>
    %swap3A_339 = arith.constant 0 : index
    %swap3A_340 = arith.constant 0 : index
    %swap3A_341 = vector.load %arg3[%swap3A_339, %swap3A_340] : memref<1x64xi32, #tpu.memory_space<vmem>>, vector<1x64xi32>
    tpu.vector_store %arg3[%swap3A_339, %swap3A_340], %convert_element_type3A_338 {strides = array<i32>} : memref<1x64xi32, #tpu.memory_space<vmem>>, vector<1x64xi32>,
    %convert_element_type3A_342 = arith.fptosi %broadcast_in_dim3A_14 : vector<1x64xf32> to vector<1x64xi32>
    %swap3A_343 = arith.constant 0 : index
    %swap3A_344 = arith.constant 0 : index
    %swap3A_345 = vector.load %arg4[%swap3A_343, %swap3A_344] : memref<1x64xi32, #tpu.memory_space<vmem>>, vector<1x64xi32>
    tpu.vector_store %arg4[%swap3A_343, %swap3A_344], %convert_element_type3A_342 {strides = array<i32>} : memref<1x64xi32, #tpu.memory_space<vmem>>, vector<1x64xi32>,
    return
  }
}

module attributes {stable_mosaic.version = 14 : i64} {
  func.func @_ffn_body(%arg0: memref<64xi32, #tpu.memory_space<smem>>, %arg1: memref<64xi32, #tpu.memory_space<smem>>, %arg2: memref<1xf32, #tpu.memory_space<smem>>, %arg3: memref<2624x1024xf32, #tpu.memory_space<any>>, %arg4: memref<64x1024x128xf32, #tpu.memory_space<any>>, %arg5: memref<64x1024x128xf32, #tpu.memory_space<any>>, %arg6: memref<64x128x1024xf32, #tpu.memory_space<any>>, %arg7: memref<2624x1024xf32, #tpu.memory_space<vmem>>, %arg8: memref<2624x1024xf32, #tpu.memory_space<vmem>>, %arg9: memref<4x2x1024x128xf32, #tpu.memory_space<vmem>>, %arg10: memref<4x2x1024x128xf32, #tpu.memory_space<vmem>>, %arg11: memref<4x2x128x1024xf32, #tpu.memory_space<vmem>>, %arg12: memref<4x3x!tpu.dma_semaphore, #tpu.memory_space<semaphore_mem>>, %arg13: memref<!tpu.dma_semaphore, #tpu.memory_space<semaphore_mem>>) attributes {dimension_semantics = [], scalar_prefetch = 0 : i64, scratch_operands = 6 : i64, tpu.core_type = #tpu.core_type<tc>} {
    tpu.enqueue_dma source(%arg3 : memref<2624x1024xf32, #tpu.memory_space<any>>) target(%arg8 : memref<2624x1024xf32, #tpu.memory_space<vmem>>) target_semaphore(%arg13 : memref<!tpu.dma_semaphore, #tpu.memory_space<semaphore_mem>>)
    %dma_start3A = arith.constant 0 : i32
    %dma_start3A_0 = arith.constant 0 : i32
    %dma_start3A_1 = arith.constant 0 : i32
    %dma_start3A_2 = tpu.memref_slice %arg12[%dma_start3A_0, %dma_start3A_1] : memref<4x3x!tpu.dma_semaphore, #tpu.memory_space<semaphore_mem>> -> memref<1x1x!tpu.dma_semaphore, #tpu.memory_space<semaphore_mem>>
    %dma_start3A_3 = tpu.memref_squeeze %dma_start3A_2 : memref<1x1x!tpu.dma_semaphore, #tpu.memory_space<semaphore_mem>> -> memref<!tpu.dma_semaphore, #tpu.memory_space<semaphore_mem>>
    %dma_start3A_4 = arith.constant 0 : i32
    %dma_start3A_5 = arith.constant 0 : i32
    %dma_start3A_6 = arith.constant 0 : i32
    %dma_start3A_7 = tpu.memref_slice %arg9[%dma_start3A, %dma_start3A_4, %dma_start3A_5, %dma_start3A_6] : memref<4x2x1024x128xf32, #tpu.memory_space<vmem>> -> memref<1x2x1024x128xf32, #tpu.memory_space<vmem>>
    %dma_start3A_8 = tpu.memref_squeeze %dma_start3A_7 : memref<1x2x1024x128xf32, #tpu.memory_space<vmem>> -> memref<2x1024x128xf32, #tpu.memory_space<vmem>>
    %dma_start3A_9 = arith.constant 0 : i32
    %dma_start3A_10 = arith.constant 0 : i32
    %dma_start3A_11 = arith.constant 0 : i32
    %dma_start3A_12 = tpu.memref_slice %arg4[%dma_start3A_9, %dma_start3A_10, %dma_start3A_11] : memref<64x1024x128xf32, #tpu.memory_space<any>> -> memref<2x1024x128xf32, #tpu.memory_space<any>>
    tpu.enqueue_dma source(%dma_start3A_12 : memref<2x1024x128xf32, #tpu.memory_space<any>>) target(%dma_start3A_8 : memref<2x1024x128xf32, #tpu.memory_space<vmem>>) target_semaphore(%dma_start3A_3 : memref<!tpu.dma_semaphore, #tpu.memory_space<semaphore_mem>>)
    %dma_start3A_13 = arith.constant 0 : i32
    %dma_start3A_14 = arith.constant 0 : i32
    %dma_start3A_15 = arith.constant 1 : i32
    %dma_start3A_16 = tpu.memref_slice %arg12[%dma_start3A_14, %dma_start3A_15] : memref<4x3x!tpu.dma_semaphore, #tpu.memory_space<semaphore_mem>> -> memref<1x1x!tpu.dma_semaphore, #tpu.memory_space<semaphore_mem>>
    %dma_start3A_17 = tpu.memref_squeeze %dma_start3A_16 : memref<1x1x!tpu.dma_semaphore, #tpu.memory_space<semaphore_mem>> -> memref<!tpu.dma_semaphore, #tpu.memory_space<semaphore_mem>>
    %dma_start3A_18 = arith.constant 0 : i32
    %dma_start3A_19 = arith.constant 0 : i32
    %dma_start3A_20 = arith.constant 0 : i32
    %dma_start3A_21 = tpu.memref_slice %arg10[%dma_start3A_13, %dma_start3A_18, %dma_start3A_19, %dma_start3A_20] : memref<4x2x1024x128xf32, #tpu.memory_space<vmem>> -> memref<1x2x1024x128xf32, #tpu.memory_space<vmem>>
    %dma_start3A_22 = tpu.memref_squeeze %dma_start3A_21 : memref<1x2x1024x128xf32, #tpu.memory_space<vmem>> -> memref<2x1024x128xf32, #tpu.memory_space<vmem>>
    %dma_start3A_23 = arith.constant 0 : i32
    %dma_start3A_24 = arith.constant 0 : i32
    %dma_start3A_25 = arith.constant 0 : i32
    %dma_start3A_26 = tpu.memref_slice %arg5[%dma_start3A_23, %dma_start3A_24, %dma_start3A_25] : memref<64x1024x128xf32, #tpu.memory_space<any>> -> memref<2x1024x128xf32, #tpu.memory_space<any>>
    tpu.enqueue_dma source(%dma_start3A_26 : memref<2x1024x128xf32, #tpu.memory_space<any>>) target(%dma_start3A_22 : memref<2x1024x128xf32, #tpu.memory_space<vmem>>) target_semaphore(%dma_start3A_17 : memref<!tpu.dma_semaphore, #tpu.memory_space<semaphore_mem>>)
    %dma_start3A_27 = arith.constant 0 : i32
    %dma_start3A_28 = arith.constant 0 : i32
    %dma_start3A_29 = arith.constant 2 : i32
    %dma_start3A_30 = tpu.memref_slice %arg12[%dma_start3A_28, %dma_start3A_29] : memref<4x3x!tpu.dma_semaphore, #tpu.memory_space<semaphore_mem>> -> memref<1x1x!tpu.dma_semaphore, #tpu.memory_space<semaphore_mem>>
    %dma_start3A_31 = tpu.memref_squeeze %dma_start3A_30 : memref<1x1x!tpu.dma_semaphore, #tpu.memory_space<semaphore_mem>> -> memref<!tpu.dma_semaphore, #tpu.memory_space<semaphore_mem>>
    %dma_start3A_32 = arith.constant 0 : i32
    %dma_start3A_33 = arith.constant 0 : i32
    %dma_start3A_34 = arith.constant 0 : i32
    %dma_start3A_35 = tpu.memref_slice %arg11[%dma_start3A_27, %dma_start3A_32, %dma_start3A_33, %dma_start3A_34] : memref<4x2x128x1024xf32, #tpu.memory_space<vmem>> -> memref<1x2x128x1024xf32, #tpu.memory_space<vmem>>
    %dma_start3A_36 = tpu.memref_squeeze %dma_start3A_35 : memref<1x2x128x1024xf32, #tpu.memory_space<vmem>> -> memref<2x128x1024xf32, #tpu.memory_space<vmem>>
    %dma_start3A_37 = arith.constant 0 : i32
    %dma_start3A_38 = arith.constant 0 : i32
    %dma_start3A_39 = arith.constant 0 : i32
    %dma_start3A_40 = tpu.memref_slice %arg6[%dma_start3A_37, %dma_start3A_38, %dma_start3A_39] : memref<64x128x1024xf32, #tpu.memory_space<any>> -> memref<2x128x1024xf32, #tpu.memory_space<any>>
    tpu.enqueue_dma source(%dma_start3A_40 : memref<2x128x1024xf32, #tpu.memory_space<any>>) target(%dma_start3A_36 : memref<2x128x1024xf32, #tpu.memory_space<vmem>>) target_semaphore(%dma_start3A_31 : memref<!tpu.dma_semaphore, #tpu.memory_space<semaphore_mem>>)
    %dma_start3A_41 = arith.constant 1 : i32
    %dma_start3A_42 = arith.constant 1 : i32
    %dma_start3A_43 = arith.constant 0 : i32
    %dma_start3A_44 = tpu.memref_slice %arg12[%dma_start3A_42, %dma_start3A_43] : memref<4x3x!tpu.dma_semaphore, #tpu.memory_space<semaphore_mem>> -> memref<1x1x!tpu.dma_semaphore, #tpu.memory_space<semaphore_mem>>
    %dma_start3A_45 = tpu.memref_squeeze %dma_start3A_44 : memref<1x1x!tpu.dma_semaphore, #tpu.memory_space<semaphore_mem>> -> memref<!tpu.dma_semaphore, #tpu.memory_space<semaphore_mem>>
    %dma_start3A_46 = arith.constant 0 : i32
    %dma_start3A_47 = arith.constant 0 : i32
    %dma_start3A_48 = arith.constant 0 : i32
    %dma_start3A_49 = tpu.memref_slice %arg9[%dma_start3A_41, %dma_start3A_46, %dma_start3A_47, %dma_start3A_48] : memref<4x2x1024x128xf32, #tpu.memory_space<vmem>> -> memref<1x2x1024x128xf32, #tpu.memory_space<vmem>>
    %dma_start3A_50 = tpu.memref_squeeze %dma_start3A_49 : memref<1x2x1024x128xf32, #tpu.memory_space<vmem>> -> memref<2x1024x128xf32, #tpu.memory_space<vmem>>
    %dma_start3A_51 = arith.constant 2 : i32
    %dma_start3A_52 = arith.constant 0 : i32
    %dma_start3A_53 = arith.constant 0 : i32
    %dma_start3A_54 = tpu.memref_slice %arg4[%dma_start3A_51, %dma_start3A_52, %dma_start3A_53] : memref<64x1024x128xf32, #tpu.memory_space<any>> -> memref<2x1024x128xf32, #tpu.memory_space<any>>
    tpu.enqueue_dma source(%dma_start3A_54 : memref<2x1024x128xf32, #tpu.memory_space<any>>) target(%dma_start3A_50 : memref<2x1024x128xf32, #tpu.memory_space<vmem>>) target_semaphore(%dma_start3A_45 : memref<!tpu.dma_semaphore, #tpu.memory_space<semaphore_mem>>)
    %dma_start3A_55 = arith.constant 1 : i32
    %dma_start3A_56 = arith.constant 1 : i32
    %dma_start3A_57 = arith.constant 1 : i32
    %dma_start3A_58 = tpu.memref_slice %arg12[%dma_start3A_56, %dma_start3A_57] : memref<4x3x!tpu.dma_semaphore, #tpu.memory_space<semaphore_mem>> -> memref<1x1x!tpu.dma_semaphore, #tpu.memory_space<semaphore_mem>>
    %dma_start3A_59 = tpu.memref_squeeze %dma_start3A_58 : memref<1x1x!tpu.dma_semaphore, #tpu.memory_space<semaphore_mem>> -> memref<!tpu.dma_semaphore, #tpu.memory_space<semaphore_mem>>
    %dma_start3A_60 = arith.constant 0 : i32
    %dma_start3A_61 = arith.constant 0 : i32
    %dma_start3A_62 = arith.constant 0 : i32
    %dma_start3A_63 = tpu.memref_slice %arg10[%dma_start3A_55, %dma_start3A_60, %dma_start3A_61, %dma_start3A_62] : memref<4x2x1024x128xf32, #tpu.memory_space<vmem>> -> memref<1x2x1024x128xf32, #tpu.memory_space<vmem>>
    %dma_start3A_64 = tpu.memref_squeeze %dma_start3A_63 : memref<1x2x1024x128xf32, #tpu.memory_space<vmem>> -> memref<2x1024x128xf32, #tpu.memory_space<vmem>>
    %dma_start3A_65 = arith.constant 2 : i32
    %dma_start3A_66 = arith.constant 0 : i32
    %dma_start3A_67 = arith.constant 0 : i32
    %dma_start3A_68 = tpu.memref_slice %arg5[%dma_start3A_65, %dma_start3A_66, %dma_start3A_67] : memref<64x1024x128xf32, #tpu.memory_space<any>> -> memref<2x1024x128xf32, #tpu.memory_space<any>>
    tpu.enqueue_dma source(%dma_start3A_68 : memref<2x1024x128xf32, #tpu.memory_space<any>>) target(%dma_start3A_64 : memref<2x1024x128xf32, #tpu.memory_space<vmem>>) target_semaphore(%dma_start3A_59 : memref<!tpu.dma_semaphore, #tpu.memory_space<semaphore_mem>>)
    %dma_start3A_69 = arith.constant 1 : i32
    %dma_start3A_70 = arith.constant 1 : i32
    %dma_start3A_71 = arith.constant 2 : i32
    %dma_start3A_72 = tpu.memref_slice %arg12[%dma_start3A_70, %dma_start3A_71] : memref<4x3x!tpu.dma_semaphore, #tpu.memory_space<semaphore_mem>> -> memref<1x1x!tpu.dma_semaphore, #tpu.memory_space<semaphore_mem>>
    %dma_start3A_73 = tpu.memref_squeeze %dma_start3A_72 : memref<1x1x!tpu.dma_semaphore, #tpu.memory_space<semaphore_mem>> -> memref<!tpu.dma_semaphore, #tpu.memory_space<semaphore_mem>>
    %dma_start3A_74 = arith.constant 0 : i32
    %dma_start3A_75 = arith.constant 0 : i32
    %dma_start3A_76 = arith.constant 0 : i32
    %dma_start3A_77 = tpu.memref_slice %arg11[%dma_start3A_69, %dma_start3A_74, %dma_start3A_75, %dma_start3A_76] : memref<4x2x128x1024xf32, #tpu.memory_space<vmem>> -> memref<1x2x128x1024xf32, #tpu.memory_space<vmem>>
    %dma_start3A_78 = tpu.memref_squeeze %dma_start3A_77 : memref<1x2x128x1024xf32, #tpu.memory_space<vmem>> -> memref<2x128x1024xf32, #tpu.memory_space<vmem>>
    %dma_start3A_79 = arith.constant 2 : i32
    %dma_start3A_80 = arith.constant 0 : i32
    %dma_start3A_81 = arith.constant 0 : i32
    %dma_start3A_82 = tpu.memref_slice %arg6[%dma_start3A_79, %dma_start3A_80, %dma_start3A_81] : memref<64x128x1024xf32, #tpu.memory_space<any>> -> memref<2x128x1024xf32, #tpu.memory_space<any>>
    tpu.enqueue_dma source(%dma_start3A_82 : memref<2x128x1024xf32, #tpu.memory_space<any>>) target(%dma_start3A_78 : memref<2x128x1024xf32, #tpu.memory_space<vmem>>) target_semaphore(%dma_start3A_73 : memref<!tpu.dma_semaphore, #tpu.memory_space<semaphore_mem>>)
    %dma_start3A_83 = arith.constant 2 : i32
    %dma_start3A_84 = arith.constant 2 : i32
    %dma_start3A_85 = arith.constant 0 : i32
    %dma_start3A_86 = tpu.memref_slice %arg12[%dma_start3A_84, %dma_start3A_85] : memref<4x3x!tpu.dma_semaphore, #tpu.memory_space<semaphore_mem>> -> memref<1x1x!tpu.dma_semaphore, #tpu.memory_space<semaphore_mem>>
    %dma_start3A_87 = tpu.memref_squeeze %dma_start3A_86 : memref<1x1x!tpu.dma_semaphore, #tpu.memory_space<semaphore_mem>> -> memref<!tpu.dma_semaphore, #tpu.memory_space<semaphore_mem>>
    %dma_start3A_88 = arith.constant 0 : i32
    %dma_start3A_89 = arith.constant 0 : i32
    %dma_start3A_90 = arith.constant 0 : i32
    %dma_start3A_91 = tpu.memref_slice %arg9[%dma_start3A_83, %dma_start3A_88, %dma_start3A_89, %dma_start3A_90] : memref<4x2x1024x128xf32, #tpu.memory_space<vmem>> -> memref<1x2x1024x128xf32, #tpu.memory_space<vmem>>
    %dma_start3A_92 = tpu.memref_squeeze %dma_start3A_91 : memref<1x2x1024x128xf32, #tpu.memory_space<vmem>> -> memref<2x1024x128xf32, #tpu.memory_space<vmem>>
    %dma_start3A_93 = arith.constant 4 : i32
    %dma_start3A_94 = arith.constant 0 : i32
    %dma_start3A_95 = arith.constant 0 : i32
    %dma_start3A_96 = tpu.memref_slice %arg4[%dma_start3A_93, %dma_start3A_94, %dma_start3A_95] : memref<64x1024x128xf32, #tpu.memory_space<any>> -> memref<2x1024x128xf32, #tpu.memory_space<any>>
    tpu.enqueue_dma source(%dma_start3A_96 : memref<2x1024x128xf32, #tpu.memory_space<any>>) target(%dma_start3A_92 : memref<2x1024x128xf32, #tpu.memory_space<vmem>>) target_semaphore(%dma_start3A_87 : memref<!tpu.dma_semaphore, #tpu.memory_space<semaphore_mem>>)
    %dma_start3A_97 = arith.constant 2 : i32
    %dma_start3A_98 = arith.constant 2 : i32
    %dma_start3A_99 = arith.constant 1 : i32
    %dma_start3A_100 = tpu.memref_slice %arg12[%dma_start3A_98, %dma_start3A_99] : memref<4x3x!tpu.dma_semaphore, #tpu.memory_space<semaphore_mem>> -> memref<1x1x!tpu.dma_semaphore, #tpu.memory_space<semaphore_mem>>
    %dma_start3A_101 = tpu.memref_squeeze %dma_start3A_100 : memref<1x1x!tpu.dma_semaphore, #tpu.memory_space<semaphore_mem>> -> memref<!tpu.dma_semaphore, #tpu.memory_space<semaphore_mem>>
    %dma_start3A_102 = arith.constant 0 : i32
    %dma_start3A_103 = arith.constant 0 : i32
    %dma_start3A_104 = arith.constant 0 : i32
    %dma_start3A_105 = tpu.memref_slice %arg10[%dma_start3A_97, %dma_start3A_102, %dma_start3A_103, %dma_start3A_104] : memref<4x2x1024x128xf32, #tpu.memory_space<vmem>> -> memref<1x2x1024x128xf32, #tpu.memory_space<vmem>>
    %dma_start3A_106 = tpu.memref_squeeze %dma_start3A_105 : memref<1x2x1024x128xf32, #tpu.memory_space<vmem>> -> memref<2x1024x128xf32, #tpu.memory_space<vmem>>
    %dma_start3A_107 = arith.constant 4 : i32
    %dma_start3A_108 = arith.constant 0 : i32
    %dma_start3A_109 = arith.constant 0 : i32
    %dma_start3A_110 = tpu.memref_slice %arg5[%dma_start3A_107, %dma_start3A_108, %dma_start3A_109] : memref<64x1024x128xf32, #tpu.memory_space<any>> -> memref<2x1024x128xf32, #tpu.memory_space<any>>
    tpu.enqueue_dma source(%dma_start3A_110 : memref<2x1024x128xf32, #tpu.memory_space<any>>) target(%dma_start3A_106 : memref<2x1024x128xf32, #tpu.memory_space<vmem>>) target_semaphore(%dma_start3A_101 : memref<!tpu.dma_semaphore, #tpu.memory_space<semaphore_mem>>)
    %dma_start3A_111 = arith.constant 2 : i32
    %dma_start3A_112 = arith.constant 2 : i32
    %dma_start3A_113 = arith.constant 2 : i32
    %dma_start3A_114 = tpu.memref_slice %arg12[%dma_start3A_112, %dma_start3A_113] : memref<4x3x!tpu.dma_semaphore, #tpu.memory_space<semaphore_mem>> -> memref<1x1x!tpu.dma_semaphore, #tpu.memory_space<semaphore_mem>>
    %dma_start3A_115 = tpu.memref_squeeze %dma_start3A_114 : memref<1x1x!tpu.dma_semaphore, #tpu.memory_space<semaphore_mem>> -> memref<!tpu.dma_semaphore, #tpu.memory_space<semaphore_mem>>
    %dma_start3A_116 = arith.constant 0 : i32
    %dma_start3A_117 = arith.constant 0 : i32
    %dma_start3A_118 = arith.constant 0 : i32
    %dma_start3A_119 = tpu.memref_slice %arg11[%dma_start3A_111, %dma_start3A_116, %dma_start3A_117, %dma_start3A_118] : memref<4x2x128x1024xf32, #tpu.memory_space<vmem>> -> memref<1x2x128x1024xf32, #tpu.memory_space<vmem>>
    %dma_start3A_120 = tpu.memref_squeeze %dma_start3A_119 : memref<1x2x128x1024xf32, #tpu.memory_space<vmem>> -> memref<2x128x1024xf32, #tpu.memory_space<vmem>>
    %dma_start3A_121 = arith.constant 4 : i32
    %dma_start3A_122 = arith.constant 0 : i32
    %dma_start3A_123 = arith.constant 0 : i32
    %dma_start3A_124 = tpu.memref_slice %arg6[%dma_start3A_121, %dma_start3A_122, %dma_start3A_123] : memref<64x128x1024xf32, #tpu.memory_space<any>> -> memref<2x128x1024xf32, #tpu.memory_space<any>>
    tpu.enqueue_dma source(%dma_start3A_124 : memref<2x128x1024xf32, #tpu.memory_space<any>>) target(%dma_start3A_120 : memref<2x128x1024xf32, #tpu.memory_space<vmem>>) target_semaphore(%dma_start3A_115 : memref<!tpu.dma_semaphore, #tpu.memory_space<semaphore_mem>>)
    tpu.wait_dma2 semaphore(%arg13 : memref<!tpu.dma_semaphore, #tpu.memory_space<semaphore_mem>>) src(%arg3 : memref<2624x1024xf32, #tpu.memory_space<any>>) dst(%arg8 : memref<2624x1024xf32, #tpu.memory_space<vmem>>)
    %get3A = arith.constant 0 : index
    %get3A_125 = memref.load %arg2[%get3A] : memref<1xf32, #tpu.memory_space<smem>>
    %scan3A = arith.constant 0 : i32
    %scan3A_126 = arith.constant 8 : i32
    %scan3A_127 = arith.addi %scan3A, %scan3A_126 : i32
    %scan3A_128 = arith.constant 1 : i32
    scf.for %scan3A_130 = %scan3A to %scan3A_127 step %scan3A_128  : i32 {
      %mul3A = arith.constant 4 : i32
      %mul3A_131 = arith.muli %mul3A, %scan3A_130 : i32
      %add3A = arith.constant 0 : i32
      %add3A_132 = arith.addi %mul3A_131, %add3A : i32
      %add3A_133 = arith.constant 3 : i32
      %add3A_134 = arith.addi %add3A_132, %add3A_133 : i32
      %lt3A = arith.constant 32 : i32
      %lt3A_135 = arith.cmpi slt, %add3A_134, %lt3A : i32
      %convert_element_type3A = arith.extui %lt3A_135 : i1 to i32
      %cond3A = arith.constant 0 : i32
      %cond3A_136 = arith.cmpi ne, %convert_element_type3A, %cond3A : i32
      scf.if %cond3A_136 {
        %add3A_843 = arith.constant 3 : i32
        %add3A_844 = arith.addi %add3A_132, %add3A_843 : i32
        %mul3A_845 = arith.constant 2 : i32
        %mul3A_846 = arith.muli %mul3A_845, %add3A_844 : i32
        %dma_start3A_847 = arith.constant 3 : i32
        %dma_start3A_848 = arith.constant 3 : i32
        %dma_start3A_849 = arith.constant 0 : i32
        %dma_start3A_850 = tpu.memref_slice %arg12[%dma_start3A_848, %dma_start3A_849] : memref<4x3x!tpu.dma_semaphore, #tpu.memory_space<semaphore_mem>> -> memref<1x1x!tpu.dma_semaphore, #tpu.memory_space<semaphore_mem>>
        %dma_start3A_851 = tpu.memref_squeeze %dma_start3A_850 : memref<1x1x!tpu.dma_semaphore, #tpu.memory_space<semaphore_mem>> -> memref<!tpu.dma_semaphore, #tpu.memory_space<semaphore_mem>>
        %dma_start3A_852 = arith.constant 0 : i32
        %dma_start3A_853 = arith.constant 0 : i32
        %dma_start3A_854 = arith.constant 0 : i32
        %dma_start3A_855 = tpu.memref_slice %arg9[%dma_start3A_847, %dma_start3A_852, %dma_start3A_853, %dma_start3A_854] : memref<4x2x1024x128xf32, #tpu.memory_space<vmem>> -> memref<1x2x1024x128xf32, #tpu.memory_space<vmem>>
        %dma_start3A_856 = tpu.memref_squeeze %dma_start3A_855 : memref<1x2x1024x128xf32, #tpu.memory_space<vmem>> -> memref<2x1024x128xf32, #tpu.memory_space<vmem>>
        %dma_start3A_857 = arith.constant 0 : i32
        %dma_start3A_858 = arith.constant 0 : i32
        %dma_start3A_859 = tpu.memref_slice %arg4[%mul3A_846, %dma_start3A_857, %dma_start3A_858] : memref<64x1024x128xf32, #tpu.memory_space<any>> -> memref<2x1024x128xf32, #tpu.memory_space<any>>
        tpu.enqueue_dma source(%dma_start3A_859 : memref<2x1024x128xf32, #tpu.memory_space<any>>) target(%dma_start3A_856 : memref<2x1024x128xf32, #tpu.memory_space<vmem>>) target_semaphore(%dma_start3A_851 : memref<!tpu.dma_semaphore, #tpu.memory_space<semaphore_mem>>)
        %mul3A_860 = arith.constant 2 : i32
        %mul3A_861 = arith.muli %mul3A_860, %add3A_844 : i32
        %dma_start3A_862 = arith.constant 3 : i32
        %dma_start3A_863 = arith.constant 3 : i32
        %dma_start3A_864 = arith.constant 1 : i32
        %dma_start3A_865 = tpu.memref_slice %arg12[%dma_start3A_863, %dma_start3A_864] : memref<4x3x!tpu.dma_semaphore, #tpu.memory_space<semaphore_mem>> -> memref<1x1x!tpu.dma_semaphore, #tpu.memory_space<semaphore_mem>>
        %dma_start3A_866 = tpu.memref_squeeze %dma_start3A_865 : memref<1x1x!tpu.dma_semaphore, #tpu.memory_space<semaphore_mem>> -> memref<!tpu.dma_semaphore, #tpu.memory_space<semaphore_mem>>
        %dma_start3A_867 = arith.constant 0 : i32
        %dma_start3A_868 = arith.constant 0 : i32
        %dma_start3A_869 = arith.constant 0 : i32
        %dma_start3A_870 = tpu.memref_slice %arg10[%dma_start3A_862, %dma_start3A_867, %dma_start3A_868, %dma_start3A_869] : memref<4x2x1024x128xf32, #tpu.memory_space<vmem>> -> memref<1x2x1024x128xf32, #tpu.memory_space<vmem>>
        %dma_start3A_871 = tpu.memref_squeeze %dma_start3A_870 : memref<1x2x1024x128xf32, #tpu.memory_space<vmem>> -> memref<2x1024x128xf32, #tpu.memory_space<vmem>>
        %dma_start3A_872 = arith.constant 0 : i32
        %dma_start3A_873 = arith.constant 0 : i32
        %dma_start3A_874 = tpu.memref_slice %arg5[%mul3A_861, %dma_start3A_872, %dma_start3A_873] : memref<64x1024x128xf32, #tpu.memory_space<any>> -> memref<2x1024x128xf32, #tpu.memory_space<any>>
        tpu.enqueue_dma source(%dma_start3A_874 : memref<2x1024x128xf32, #tpu.memory_space<any>>) target(%dma_start3A_871 : memref<2x1024x128xf32, #tpu.memory_space<vmem>>) target_semaphore(%dma_start3A_866 : memref<!tpu.dma_semaphore, #tpu.memory_space<semaphore_mem>>)
        %mul3A_875 = arith.constant 2 : i32
        %mul3A_876 = arith.muli %mul3A_875, %add3A_844 : i32
        %dma_start3A_877 = arith.constant 3 : i32
        %dma_start3A_878 = arith.constant 3 : i32
        %dma_start3A_879 = arith.constant 2 : i32
        %dma_start3A_880 = tpu.memref_slice %arg12[%dma_start3A_878, %dma_start3A_879] : memref<4x3x!tpu.dma_semaphore, #tpu.memory_space<semaphore_mem>> -> memref<1x1x!tpu.dma_semaphore, #tpu.memory_space<semaphore_mem>>
        %dma_start3A_881 = tpu.memref_squeeze %dma_start3A_880 : memref<1x1x!tpu.dma_semaphore, #tpu.memory_space<semaphore_mem>> -> memref<!tpu.dma_semaphore, #tpu.memory_space<semaphore_mem>>
        %dma_start3A_882 = arith.constant 0 : i32
        %dma_start3A_883 = arith.constant 0 : i32
        %dma_start3A_884 = arith.constant 0 : i32
        %dma_start3A_885 = tpu.memref_slice %arg11[%dma_start3A_877, %dma_start3A_882, %dma_start3A_883, %dma_start3A_884] : memref<4x2x128x1024xf32, #tpu.memory_space<vmem>> -> memref<1x2x128x1024xf32, #tpu.memory_space<vmem>>
        %dma_start3A_886 = tpu.memref_squeeze %dma_start3A_885 : memref<1x2x128x1024xf32, #tpu.memory_space<vmem>> -> memref<2x128x1024xf32, #tpu.memory_space<vmem>>
        %dma_start3A_887 = arith.constant 0 : i32
        %dma_start3A_888 = arith.constant 0 : i32
        %dma_start3A_889 = tpu.memref_slice %arg6[%mul3A_876, %dma_start3A_887, %dma_start3A_888] : memref<64x128x1024xf32, #tpu.memory_space<any>> -> memref<2x128x1024xf32, #tpu.memory_space<any>>
        tpu.enqueue_dma source(%dma_start3A_889 : memref<2x128x1024xf32, #tpu.memory_space<any>>) target(%dma_start3A_886 : memref<2x128x1024xf32, #tpu.memory_space<vmem>>) target_semaphore(%dma_start3A_881 : memref<!tpu.dma_semaphore, #tpu.memory_space<semaphore_mem>>)
      } else {
      }
      %mul3A_137 = arith.constant 2 : i32
      %mul3A_138 = arith.muli %mul3A_137, %add3A_132 : i32
      %dma_wait3A = arith.constant 0 : i32
      %dma_wait3A_139 = arith.constant 0 : i32
      %dma_wait3A_140 = arith.constant 0 : i32
      %dma_wait3A_141 = tpu.memref_slice %arg12[%dma_wait3A_139, %dma_wait3A_140] : memref<4x3x!tpu.dma_semaphore, #tpu.memory_space<semaphore_mem>> -> memref<1x1x!tpu.dma_semaphore, #tpu.memory_space<semaphore_mem>>
      %dma_wait3A_142 = tpu.memref_squeeze %dma_wait3A_141 : memref<1x1x!tpu.dma_semaphore, #tpu.memory_space<semaphore_mem>> -> memref<!tpu.dma_semaphore, #tpu.memory_space<semaphore_mem>>
      %dma_wait3A_143 = arith.constant 0 : i32
      %dma_wait3A_144 = arith.constant 0 : i32
      %dma_wait3A_145 = arith.constant 0 : i32
      %dma_wait3A_146 = tpu.memref_slice %arg9[%dma_wait3A, %dma_wait3A_143, %dma_wait3A_144, %dma_wait3A_145] : memref<4x2x1024x128xf32, #tpu.memory_space<vmem>> -> memref<1x2x1024x128xf32, #tpu.memory_space<vmem>>
      %dma_wait3A_147 = tpu.memref_squeeze %dma_wait3A_146 : memref<1x2x1024x128xf32, #tpu.memory_space<vmem>> -> memref<2x1024x128xf32, #tpu.memory_space<vmem>>
      %dma_wait3A_148 = arith.constant 0 : i32
      %dma_wait3A_149 = arith.constant 0 : i32
      %dma_wait3A_150 = tpu.memref_slice %arg4[%mul3A_138, %dma_wait3A_148, %dma_wait3A_149] : memref<64x1024x128xf32, #tpu.memory_space<any>> -> memref<2x1024x128xf32, #tpu.memory_space<any>>
      tpu.wait_dma2 semaphore(%dma_wait3A_142 : memref<!tpu.dma_semaphore, #tpu.memory_space<semaphore_mem>>) src(%dma_wait3A_150 : memref<2x1024x128xf32, #tpu.memory_space<any>>) dst(%dma_wait3A_147 : memref<2x1024x128xf32, #tpu.memory_space<vmem>>)
      %mul3A_151 = arith.constant 2 : i32
      %mul3A_152 = arith.muli %mul3A_151, %add3A_132 : i32
      %dma_wait3A_153 = arith.constant 0 : i32
      %dma_wait3A_154 = arith.constant 0 : i32
      %dma_wait3A_155 = arith.constant 1 : i32
      %dma_wait3A_156 = tpu.memref_slice %arg12[%dma_wait3A_154, %dma_wait3A_155] : memref<4x3x!tpu.dma_semaphore, #tpu.memory_space<semaphore_mem>> -> memref<1x1x!tpu.dma_semaphore, #tpu.memory_space<semaphore_mem>>
      %dma_wait3A_157 = tpu.memref_squeeze %dma_wait3A_156 : memref<1x1x!tpu.dma_semaphore, #tpu.memory_space<semaphore_mem>> -> memref<!tpu.dma_semaphore, #tpu.memory_space<semaphore_mem>>
      %dma_wait3A_158 = arith.constant 0 : i32
      %dma_wait3A_159 = arith.constant 0 : i32
      %dma_wait3A_160 = arith.constant 0 : i32
      %dma_wait3A_161 = tpu.memref_slice %arg10[%dma_wait3A_153, %dma_wait3A_158, %dma_wait3A_159, %dma_wait3A_160] : memref<4x2x1024x128xf32, #tpu.memory_space<vmem>> -> memref<1x2x1024x128xf32, #tpu.memory_space<vmem>>
      %dma_wait3A_162 = tpu.memref_squeeze %dma_wait3A_161 : memref<1x2x1024x128xf32, #tpu.memory_space<vmem>> -> memref<2x1024x128xf32, #tpu.memory_space<vmem>>
      %dma_wait3A_163 = arith.constant 0 : i32
      %dma_wait3A_164 = arith.constant 0 : i32
      %dma_wait3A_165 = tpu.memref_slice %arg5[%mul3A_152, %dma_wait3A_163, %dma_wait3A_164] : memref<64x1024x128xf32, #tpu.memory_space<any>> -> memref<2x1024x128xf32, #tpu.memory_space<any>>
      tpu.wait_dma2 semaphore(%dma_wait3A_157 : memref<!tpu.dma_semaphore, #tpu.memory_space<semaphore_mem>>) src(%dma_wait3A_165 : memref<2x1024x128xf32, #tpu.memory_space<any>>) dst(%dma_wait3A_162 : memref<2x1024x128xf32, #tpu.memory_space<vmem>>)
      %mul3A_166 = arith.constant 2 : i32
      %mul3A_167 = arith.muli %mul3A_166, %add3A_132 : i32
      %dma_wait3A_168 = arith.constant 0 : i32
      %dma_wait3A_169 = arith.constant 0 : i32
      %dma_wait3A_170 = arith.constant 2 : i32
      %dma_wait3A_171 = tpu.memref_slice %arg12[%dma_wait3A_169, %dma_wait3A_170] : memref<4x3x!tpu.dma_semaphore, #tpu.memory_space<semaphore_mem>> -> memref<1x1x!tpu.dma_semaphore, #tpu.memory_space<semaphore_mem>>
      %dma_wait3A_172 = tpu.memref_squeeze %dma_wait3A_171 : memref<1x1x!tpu.dma_semaphore, #tpu.memory_space<semaphore_mem>> -> memref<!tpu.dma_semaphore, #tpu.memory_space<semaphore_mem>>
      %dma_wait3A_173 = arith.constant 0 : i32
      %dma_wait3A_174 = arith.constant 0 : i32
      %dma_wait3A_175 = arith.constant 0 : i32
      %dma_wait3A_176 = tpu.memref_slice %arg11[%dma_wait3A_168, %dma_wait3A_173, %dma_wait3A_174, %dma_wait3A_175] : memref<4x2x128x1024xf32, #tpu.memory_space<vmem>> -> memref<1x2x128x1024xf32, #tpu.memory_space<vmem>>
      %dma_wait3A_177 = tpu.memref_squeeze %dma_wait3A_176 : memref<1x2x128x1024xf32, #tpu.memory_space<vmem>> -> memref<2x128x1024xf32, #tpu.memory_space<vmem>>
      %dma_wait3A_178 = arith.constant 0 : i32
      %dma_wait3A_179 = arith.constant 0 : i32
      %dma_wait3A_180 = tpu.memref_slice %arg6[%mul3A_167, %dma_wait3A_178, %dma_wait3A_179] : memref<64x128x1024xf32, #tpu.memory_space<any>> -> memref<2x128x1024xf32, #tpu.memory_space<any>>
      tpu.wait_dma2 semaphore(%dma_wait3A_172 : memref<!tpu.dma_semaphore, #tpu.memory_space<semaphore_mem>>) src(%dma_wait3A_180 : memref<2x128x1024xf32, #tpu.memory_space<any>>) dst(%dma_wait3A_177 : memref<2x128x1024xf32, #tpu.memory_space<vmem>>)
      %mul3A_181 = arith.constant 2 : i32
      %mul3A_182 = arith.muli %mul3A_181, %add3A_132 : i32
      %add3A_183 = arith.constant 0 : i32
      %add3A_184 = arith.addi %mul3A_182, %add3A_183 : i32
      %get3A_185 = arith.constant 0 : index
      %get3A_186 = arith.constant 0 : index
      %get3A_187 = arith.constant 0 : index
      %get3A_188 = arith.constant 0 : index
      %get3A_189 = vector.load %arg9[%get3A_185, %get3A_186, %get3A_187, %get3A_188] : memref<4x2x1024x128xf32, #tpu.memory_space<vmem>>, vector<1x1x1024x128xf32>
      %get3A_190 = vector.shape_cast %get3A_189 : vector<1x1x1024x128xf32> to vector<1024x128xf32>
      %get3A_191 = arith.constant 0 : index
      %get3A_192 = arith.constant 0 : index
      %get3A_193 = arith.constant 0 : index
      %get3A_194 = arith.constant 0 : index
      %get3A_195 = vector.load %arg10[%get3A_191, %get3A_192, %get3A_193, %get3A_194] : memref<4x2x1024x128xf32, #tpu.memory_space<vmem>>, vector<1x1x1024x128xf32>
      %get3A_196 = vector.shape_cast %get3A_195 : vector<1x1x1024x128xf32> to vector<1024x128xf32>
      %get3A_197 = arith.constant 0 : index
      %get3A_198 = arith.constant 0 : index
      %get3A_199 = arith.constant 0 : index
      %get3A_200 = arith.constant 0 : index
      %get3A_201 = vector.load %arg11[%get3A_197, %get3A_198, %get3A_199, %get3A_200] : memref<4x2x128x1024xf32, #tpu.memory_space<vmem>>, vector<1x1x128x1024xf32>
      %get3A_202 = vector.shape_cast %get3A_201 : vector<1x1x128x1024xf32> to vector<128x1024xf32>
      %get3A_203 = arith.index_cast %add3A_184 : i32 to index
      %get3A_204 = memref.load %arg0[%get3A_203] : memref<64xi32, #tpu.memory_space<smem>>
      %multiple_of3A = tpu.assume_multiple %get3A_204, 8 : i32
      %get3A_205 = arith.index_cast %add3A_184 : i32 to index
      %get3A_206 = memref.load %arg1[%get3A_205] : memref<64xi32, #tpu.memory_space<smem>>
      %add3A_207 = arith.constant 63 : i32
      %add3A_208 = arith.addi %get3A_206, %add3A_207 : i32
      %jit3A = arith.constant 64 : i32
      %div3A = arith.divsi %add3A_208, %jit3A : i32
      %sign3A = arith.constant 0 : i32
      %sign3A_209 = arith.cmpi sgt, %add3A_208, %sign3A : i32
      %sign3A_210 = arith.extui %sign3A_209 : i1 to i32
      %sign3A_211 = arith.constant 0 : i32
      %sign3A_212 = arith.cmpi slt, %add3A_208, %sign3A_211 : i32
      %sign3A_213 = arith.extui %sign3A_212 : i1 to i32
      %sign3A_214 = arith.subi %sign3A_210, %sign3A_213 : i32
      %sign3A_215 = arith.constant 0 : i32
      %sign3A_216 = arith.cmpi sgt, %jit3A, %sign3A_215 : i32
      %sign3A_217 = arith.extui %sign3A_216 : i1 to i32
      %sign3A_218 = arith.constant 0 : i32
      %sign3A_219 = arith.cmpi slt, %jit3A, %sign3A_218 : i32
      %sign3A_220 = arith.extui %sign3A_219 : i1 to i32
      %sign3A_221 = arith.subi %sign3A_217, %sign3A_220 : i32
      %ne3A = arith.cmpi ne, %sign3A_214, %sign3A_221 : i32
      %rem3A = arith.remsi %add3A_208, %jit3A : i32
      %ne3A_222 = arith.constant 0 : i32
      %ne3A_223 = arith.cmpi ne, %rem3A, %ne3A_222 : i32
      %and3A = arith.andi %ne3A, %ne3A_223 : i1
      %sub3A = arith.constant 1 : i32
      %sub3A_224 = arith.subi %div3A, %sub3A : i32
      %select_n3A = arith.select %and3A, %sub3A_224, %div3A : i32
      %while3A = arith.constant 0 : i32
      %while3A_225 = arith.constant 0 : i32
      %while3A_226 = arith.subi %select_n3A, %while3A_225 : i32
      %while3A_227 = arith.addi %while3A_225, %while3A_226 : i32
      %while3A_228 = arith.constant 1 : i32
      %while3A_229 = arith.divsi %while3A_226, %while3A_228 : i32
      %while3A_230 = arith.muli %while3A_229, %while3A_228 : i32
      %while3A_231 = arith.addi %while3A_225, %while3A_230 : i32
      %while3A_232 = arith.constant 1 : i32
      scf.for %while3A_843 = %while3A_225 to %while3A_231 step %while3A_232  : i32 {
        %mul3A_844 = arith.constant 64 : i32
        %mul3A_845 = arith.muli %while3A_843, %mul3A_844 : i32
        %add3A_846 = arith.addi %multiple_of3A, %mul3A_845 : i32
        %get3A_847 = arith.index_cast %add3A_846 : i32 to index
        %get3A_848 = arith.constant 0 : index
        %get3A_849 = vector.load %arg8[%get3A_847, %get3A_848] : memref<2624x1024xf32, #tpu.memory_space<vmem>>, vector<64x1024xf32>
        %dot_general3A = arith.constant dense<0.000000e+00> : vector<64x128xf32>
        %dot_general3A_850 = tpu.matmul %get3A_849, %get3A_190, %dot_general3A {dimension_numbers = #tpu.dot_dimension_numbers<[1], [0], [0], [1], [0, 0, 1, 1], [], []>, transpose_lhs_hint = false} : vector<64x1024xf32>, vector<1024x128xf32>, vector<64x128xf32> -> vector<64x128xf32>
        %neg3A = arith.constant 0.000000e+00 : f32
        %neg3A_851 = vector.broadcast %neg3A : f32 to vector<64x128xf32>
        %neg3A_852 = arith.subf %neg3A_851, %dot_general3A_850 : vector<64x128xf32>
        %exp3A = math.exp %neg3A_852 : vector<64x128xf32>
        %add3A_853 = arith.constant 1.000000e+00 : f32
        %add3A_854 = vector.broadcast %add3A_853 : f32 to vector<64x128xf32>
        %add3A_855 = arith.addf %add3A_854, %exp3A : vector<64x128xf32>
        %div3A_856 = arith.constant 1.000000e+00 : f32
        %div3A_857 = vector.broadcast %div3A_856 : f32 to vector<64x128xf32>
        %div3A_858 = arith.divf %div3A_857, %add3A_855 : vector<64x128xf32>
        %mul3A_859 = arith.mulf %dot_general3A_850, %div3A_858 : vector<64x128xf32>
        %dot_general3A_860 = arith.constant dense<0.000000e+00> : vector<64x128xf32>
        %dot_general3A_861 = tpu.matmul %get3A_849, %get3A_196, %dot_general3A_860 {dimension_numbers = #tpu.dot_dimension_numbers<[1], [0], [0], [1], [0, 0, 1, 1], [], []>, transpose_lhs_hint = false} : vector<64x1024xf32>, vector<1024x128xf32>, vector<64x128xf32> -> vector<64x128xf32>
        %mul3A_862 = arith.mulf %mul3A_859, %dot_general3A_861 : vector<64x128xf32>
        %dot_general3A_863 = arith.constant dense<0.000000e+00> : vector<64x1024xf32>
        %dot_general3A_864 = tpu.matmul %mul3A_862, %get3A_202, %dot_general3A_863 {dimension_numbers = #tpu.dot_dimension_numbers<[1], [0], [0], [1], [0, 0, 1, 1], [], []>, transpose_lhs_hint = false} : vector<64x128xf32>, vector<128x1024xf32>, vector<64x1024xf32> -> vector<64x1024xf32>
        %mul3A_865 = vector.broadcast %get3A_125 : f32 to vector<64x1024xf32>
        %mul3A_866 = arith.mulf %dot_general3A_864, %mul3A_865 : vector<64x1024xf32>
        %swap3A = arith.index_cast %add3A_846 : i32 to index
        %swap3A_867 = arith.constant 0 : index
        %swap3A_868 = vector.load %arg7[%swap3A, %swap3A_867] : memref<2624x1024xf32, #tpu.memory_space<vmem>>, vector<64x1024xf32>
        tpu.vector_store %arg7[%swap3A, %swap3A_867], %mul3A_866 {strides = array<i32>} : memref<2624x1024xf32, #tpu.memory_space<vmem>>, vector<64x1024xf32>,
      }
      %while3A_233 = arith.constant 1 : i32
      scf.for %while3A_843 = %while3A_231 to %while3A_227 step %while3A_233  : i32 {
        %mul3A_844 = arith.constant 64 : i32
        %mul3A_845 = arith.muli %while3A_843, %mul3A_844 : i32
        %add3A_846 = arith.addi %multiple_of3A, %mul3A_845 : i32
        %get3A_847 = arith.index_cast %add3A_846 : i32 to index
        %get3A_848 = arith.constant 0 : index
        %get3A_849 = vector.load %arg8[%get3A_847, %get3A_848] : memref<2624x1024xf32, #tpu.memory_space<vmem>>, vector<64x1024xf32>
        %dot_general3A = arith.constant dense<0.000000e+00> : vector<64x128xf32>
        %dot_general3A_850 = tpu.matmul %get3A_849, %get3A_190, %dot_general3A {dimension_numbers = #tpu.dot_dimension_numbers<[1], [0], [0], [1], [0, 0, 1, 1], [], []>, transpose_lhs_hint = false} : vector<64x1024xf32>, vector<1024x128xf32>, vector<64x128xf32> -> vector<64x128xf32>
        %neg3A = arith.constant 0.000000e+00 : f32
        %neg3A_851 = vector.broadcast %neg3A : f32 to vector<64x128xf32>
        %neg3A_852 = arith.subf %neg3A_851, %dot_general3A_850 : vector<64x128xf32>
        %exp3A = math.exp %neg3A_852 : vector<64x128xf32>
        %add3A_853 = arith.constant 1.000000e+00 : f32
        %add3A_854 = vector.broadcast %add3A_853 : f32 to vector<64x128xf32>
        %add3A_855 = arith.addf %add3A_854, %exp3A : vector<64x128xf32>
        %div3A_856 = arith.constant 1.000000e+00 : f32
        %div3A_857 = vector.broadcast %div3A_856 : f32 to vector<64x128xf32>
        %div3A_858 = arith.divf %div3A_857, %add3A_855 : vector<64x128xf32>
        %mul3A_859 = arith.mulf %dot_general3A_850, %div3A_858 : vector<64x128xf32>
        %dot_general3A_860 = arith.constant dense<0.000000e+00> : vector<64x128xf32>
        %dot_general3A_861 = tpu.matmul %get3A_849, %get3A_196, %dot_general3A_860 {dimension_numbers = #tpu.dot_dimension_numbers<[1], [0], [0], [1], [0, 0, 1, 1], [], []>, transpose_lhs_hint = false} : vector<64x1024xf32>, vector<1024x128xf32>, vector<64x128xf32> -> vector<64x128xf32>
        %mul3A_862 = arith.mulf %mul3A_859, %dot_general3A_861 : vector<64x128xf32>
        %dot_general3A_863 = arith.constant dense<0.000000e+00> : vector<64x1024xf32>
        %dot_general3A_864 = tpu.matmul %mul3A_862, %get3A_202, %dot_general3A_863 {dimension_numbers = #tpu.dot_dimension_numbers<[1], [0], [0], [1], [0, 0, 1, 1], [], []>, transpose_lhs_hint = false} : vector<64x128xf32>, vector<128x1024xf32>, vector<64x1024xf32> -> vector<64x1024xf32>
        %mul3A_865 = vector.broadcast %get3A_125 : f32 to vector<64x1024xf32>
        %mul3A_866 = arith.mulf %dot_general3A_864, %mul3A_865 : vector<64x1024xf32>
        %swap3A = arith.index_cast %add3A_846 : i32 to index
        %swap3A_867 = arith.constant 0 : index
        %swap3A_868 = vector.load %arg7[%swap3A, %swap3A_867] : memref<2624x1024xf32, #tpu.memory_space<vmem>>, vector<64x1024xf32>
        tpu.vector_store %arg7[%swap3A, %swap3A_867], %mul3A_866 {strides = array<i32>} : memref<2624x1024xf32, #tpu.memory_space<vmem>>, vector<64x1024xf32>,
      }
      %mul3A_234 = arith.constant 2 : i32
      %mul3A_235 = arith.muli %mul3A_234, %add3A_132 : i32
      %add3A_236 = arith.constant 1 : i32
      %add3A_237 = arith.addi %mul3A_235, %add3A_236 : i32
      %get3A_238 = arith.constant 0 : index
      %get3A_239 = arith.constant 1 : index
      %get3A_240 = arith.constant 0 : index
      %get3A_241 = arith.constant 0 : index
      %get3A_242 = vector.load %arg9[%get3A_238, %get3A_239, %get3A_240, %get3A_241] : memref<4x2x1024x128xf32, #tpu.memory_space<vmem>>, vector<1x1x1024x128xf32>
      %get3A_243 = vector.shape_cast %get3A_242 : vector<1x1x1024x128xf32> to vector<1024x128xf32>
      %get3A_244 = arith.constant 0 : index
      %get3A_245 = arith.constant 1 : index
      %get3A_246 = arith.constant 0 : index
      %get3A_247 = arith.constant 0 : index
      %get3A_248 = vector.load %arg10[%get3A_244, %get3A_245, %get3A_246, %get3A_247] : memref<4x2x1024x128xf32, #tpu.memory_space<vmem>>, vector<1x1x1024x128xf32>
      %get3A_249 = vector.shape_cast %get3A_248 : vector<1x1x1024x128xf32> to vector<1024x128xf32>
      %get3A_250 = arith.constant 0 : index
      %get3A_251 = arith.constant 1 : index
      %get3A_252 = arith.constant 0 : index
      %get3A_253 = arith.constant 0 : index
      %get3A_254 = vector.load %arg11[%get3A_250, %get3A_251, %get3A_252, %get3A_253] : memref<4x2x128x1024xf32, #tpu.memory_space<vmem>>, vector<1x1x128x1024xf32>
      %get3A_255 = vector.shape_cast %get3A_254 : vector<1x1x128x1024xf32> to vector<128x1024xf32>
      %get3A_256 = arith.index_cast %add3A_237 : i32 to index
      %get3A_257 = memref.load %arg0[%get3A_256] : memref<64xi32, #tpu.memory_space<smem>>
      %multiple_of3A_258 = tpu.assume_multiple %get3A_257, 8 : i32
      %get3A_259 = arith.index_cast %add3A_237 : i32 to index
      %get3A_260 = memref.load %arg1[%get3A_259] : memref<64xi32, #tpu.memory_space<smem>>
      %add3A_261 = arith.constant 63 : i32
      %add3A_262 = arith.addi %get3A_260, %add3A_261 : i32
      %jit3A_263 = arith.constant 64 : i32
      %div3A_264 = arith.divsi %add3A_262, %jit3A_263 : i32
      %sign3A_265 = arith.constant 0 : i32
      %sign3A_266 = arith.cmpi sgt, %add3A_262, %sign3A_265 : i32
      %sign3A_267 = arith.extui %sign3A_266 : i1 to i32
      %sign3A_268 = arith.constant 0 : i32
      %sign3A_269 = arith.cmpi slt, %add3A_262, %sign3A_268 : i32
      %sign3A_270 = arith.extui %sign3A_269 : i1 to i32
      %sign3A_271 = arith.subi %sign3A_267, %sign3A_270 : i32
      %sign3A_272 = arith.constant 0 : i32
      %sign3A_273 = arith.cmpi sgt, %jit3A_263, %sign3A_272 : i32
      %sign3A_274 = arith.extui %sign3A_273 : i1 to i32
      %sign3A_275 = arith.constant 0 : i32
      %sign3A_276 = arith.cmpi slt, %jit3A_263, %sign3A_275 : i32
      %sign3A_277 = arith.extui %sign3A_276 : i1 to i32
      %sign3A_278 = arith.subi %sign3A_274, %sign3A_277 : i32
      %ne3A_279 = arith.cmpi ne, %sign3A_271, %sign3A_278 : i32
      %rem3A_280 = arith.remsi %add3A_262, %jit3A_263 : i32
      %ne3A_281 = arith.constant 0 : i32
      %ne3A_282 = arith.cmpi ne, %rem3A_280, %ne3A_281 : i32
      %and3A_283 = arith.andi %ne3A_279, %ne3A_282 : i1
      %sub3A_284 = arith.constant 1 : i32
      %sub3A_285 = arith.subi %div3A_264, %sub3A_284 : i32
      %select_n3A_286 = arith.select %and3A_283, %sub3A_285, %div3A_264 : i32
      %while3A_287 = arith.constant 0 : i32
      %while3A_288 = arith.constant 0 : i32
      %while3A_289 = arith.subi %select_n3A_286, %while3A_288 : i32
      %while3A_290 = arith.addi %while3A_288, %while3A_289 : i32
      %while3A_291 = arith.constant 1 : i32
      %while3A_292 = arith.divsi %while3A_289, %while3A_291 : i32
      %while3A_293 = arith.muli %while3A_292, %while3A_291 : i32
      %while3A_294 = arith.addi %while3A_288, %while3A_293 : i32
      %while3A_295 = arith.constant 1 : i32
      scf.for %while3A_843 = %while3A_288 to %while3A_294 step %while3A_295  : i32 {
        %mul3A_844 = arith.constant 64 : i32
        %mul3A_845 = arith.muli %while3A_843, %mul3A_844 : i32
        %add3A_846 = arith.addi %multiple_of3A_258, %mul3A_845 : i32
        %get3A_847 = arith.index_cast %add3A_846 : i32 to index
        %get3A_848 = arith.constant 0 : index
        %get3A_849 = vector.load %arg8[%get3A_847, %get3A_848] : memref<2624x1024xf32, #tpu.memory_space<vmem>>, vector<64x1024xf32>
        %dot_general3A = arith.constant dense<0.000000e+00> : vector<64x128xf32>
        %dot_general3A_850 = tpu.matmul %get3A_849, %get3A_243, %dot_general3A {dimension_numbers = #tpu.dot_dimension_numbers<[1], [0], [0], [1], [0, 0, 1, 1], [], []>, transpose_lhs_hint = false} : vector<64x1024xf32>, vector<1024x128xf32>, vector<64x128xf32> -> vector<64x128xf32>
        %neg3A = arith.constant 0.000000e+00 : f32
        %neg3A_851 = vector.broadcast %neg3A : f32 to vector<64x128xf32>
        %neg3A_852 = arith.subf %neg3A_851, %dot_general3A_850 : vector<64x128xf32>
        %exp3A = math.exp %neg3A_852 : vector<64x128xf32>
        %add3A_853 = arith.constant 1.000000e+00 : f32
        %add3A_854 = vector.broadcast %add3A_853 : f32 to vector<64x128xf32>
        %add3A_855 = arith.addf %add3A_854, %exp3A : vector<64x128xf32>
        %div3A_856 = arith.constant 1.000000e+00 : f32
        %div3A_857 = vector.broadcast %div3A_856 : f32 to vector<64x128xf32>
        %div3A_858 = arith.divf %div3A_857, %add3A_855 : vector<64x128xf32>
        %mul3A_859 = arith.mulf %dot_general3A_850, %div3A_858 : vector<64x128xf32>
        %dot_general3A_860 = arith.constant dense<0.000000e+00> : vector<64x128xf32>
        %dot_general3A_861 = tpu.matmul %get3A_849, %get3A_249, %dot_general3A_860 {dimension_numbers = #tpu.dot_dimension_numbers<[1], [0], [0], [1], [0, 0, 1, 1], [], []>, transpose_lhs_hint = false} : vector<64x1024xf32>, vector<1024x128xf32>, vector<64x128xf32> -> vector<64x128xf32>
        %mul3A_862 = arith.mulf %mul3A_859, %dot_general3A_861 : vector<64x128xf32>
        %dot_general3A_863 = arith.constant dense<0.000000e+00> : vector<64x1024xf32>
        %dot_general3A_864 = tpu.matmul %mul3A_862, %get3A_255, %dot_general3A_863 {dimension_numbers = #tpu.dot_dimension_numbers<[1], [0], [0], [1], [0, 0, 1, 1], [], []>, transpose_lhs_hint = false} : vector<64x128xf32>, vector<128x1024xf32>, vector<64x1024xf32> -> vector<64x1024xf32>
        %mul3A_865 = vector.broadcast %get3A_125 : f32 to vector<64x1024xf32>
        %mul3A_866 = arith.mulf %dot_general3A_864, %mul3A_865 : vector<64x1024xf32>
        %swap3A = arith.index_cast %add3A_846 : i32 to index
        %swap3A_867 = arith.constant 0 : index
        %swap3A_868 = vector.load %arg7[%swap3A, %swap3A_867] : memref<2624x1024xf32, #tpu.memory_space<vmem>>, vector<64x1024xf32>
        tpu.vector_store %arg7[%swap3A, %swap3A_867], %mul3A_866 {strides = array<i32>} : memref<2624x1024xf32, #tpu.memory_space<vmem>>, vector<64x1024xf32>,
      }
      %while3A_296 = arith.constant 1 : i32
      scf.for %while3A_843 = %while3A_294 to %while3A_290 step %while3A_296  : i32 {
        %mul3A_844 = arith.constant 64 : i32
        %mul3A_845 = arith.muli %while3A_843, %mul3A_844 : i32
        %add3A_846 = arith.addi %multiple_of3A_258, %mul3A_845 : i32
        %get3A_847 = arith.index_cast %add3A_846 : i32 to index
        %get3A_848 = arith.constant 0 : index
        %get3A_849 = vector.load %arg8[%get3A_847, %get3A_848] : memref<2624x1024xf32, #tpu.memory_space<vmem>>, vector<64x1024xf32>
        %dot_general3A = arith.constant dense<0.000000e+00> : vector<64x128xf32>
        %dot_general3A_850 = tpu.matmul %get3A_849, %get3A_243, %dot_general3A {dimension_numbers = #tpu.dot_dimension_numbers<[1], [0], [0], [1], [0, 0, 1, 1], [], []>, transpose_lhs_hint = false} : vector<64x1024xf32>, vector<1024x128xf32>, vector<64x128xf32> -> vector<64x128xf32>
        %neg3A = arith.constant 0.000000e+00 : f32
        %neg3A_851 = vector.broadcast %neg3A : f32 to vector<64x128xf32>
        %neg3A_852 = arith.subf %neg3A_851, %dot_general3A_850 : vector<64x128xf32>
        %exp3A = math.exp %neg3A_852 : vector<64x128xf32>
        %add3A_853 = arith.constant 1.000000e+00 : f32
        %add3A_854 = vector.broadcast %add3A_853 : f32 to vector<64x128xf32>
        %add3A_855 = arith.addf %add3A_854, %exp3A : vector<64x128xf32>
        %div3A_856 = arith.constant 1.000000e+00 : f32
        %div3A_857 = vector.broadcast %div3A_856 : f32 to vector<64x128xf32>
        %div3A_858 = arith.divf %div3A_857, %add3A_855 : vector<64x128xf32>
        %mul3A_859 = arith.mulf %dot_general3A_850, %div3A_858 : vector<64x128xf32>
        %dot_general3A_860 = arith.constant dense<0.000000e+00> : vector<64x128xf32>
        %dot_general3A_861 = tpu.matmul %get3A_849, %get3A_249, %dot_general3A_860 {dimension_numbers = #tpu.dot_dimension_numbers<[1], [0], [0], [1], [0, 0, 1, 1], [], []>, transpose_lhs_hint = false} : vector<64x1024xf32>, vector<1024x128xf32>, vector<64x128xf32> -> vector<64x128xf32>
        %mul3A_862 = arith.mulf %mul3A_859, %dot_general3A_861 : vector<64x128xf32>
        %dot_general3A_863 = arith.constant dense<0.000000e+00> : vector<64x1024xf32>
        %dot_general3A_864 = tpu.matmul %mul3A_862, %get3A_255, %dot_general3A_863 {dimension_numbers = #tpu.dot_dimension_numbers<[1], [0], [0], [1], [0, 0, 1, 1], [], []>, transpose_lhs_hint = false} : vector<64x128xf32>, vector<128x1024xf32>, vector<64x1024xf32> -> vector<64x1024xf32>
        %mul3A_865 = vector.broadcast %get3A_125 : f32 to vector<64x1024xf32>
        %mul3A_866 = arith.mulf %dot_general3A_864, %mul3A_865 : vector<64x1024xf32>
        %swap3A = arith.index_cast %add3A_846 : i32 to index
        %swap3A_867 = arith.constant 0 : index
        %swap3A_868 = vector.load %arg7[%swap3A, %swap3A_867] : memref<2624x1024xf32, #tpu.memory_space<vmem>>, vector<64x1024xf32>
        tpu.vector_store %arg7[%swap3A, %swap3A_867], %mul3A_866 {strides = array<i32>} : memref<2624x1024xf32, #tpu.memory_space<vmem>>, vector<64x1024xf32>,
      }
      %mul3A_297 = arith.constant 4 : i32
      %mul3A_298 = arith.muli %mul3A_297, %scan3A_130 : i32
      %add3A_299 = arith.constant 1 : i32
      %add3A_300 = arith.addi %mul3A_298, %add3A_299 : i32
      %add3A_301 = arith.constant 3 : i32
      %add3A_302 = arith.addi %add3A_300, %add3A_301 : i32
      %lt3A_303 = arith.constant 32 : i32
      %lt3A_304 = arith.cmpi slt, %add3A_302, %lt3A_303 : i32
      %convert_element_type3A_305 = arith.extui %lt3A_304 : i1 to i32
      %cond3A_306 = arith.constant 0 : i32
      %cond3A_307 = arith.cmpi ne, %convert_element_type3A_305, %cond3A_306 : i32
      scf.if %cond3A_307 {
        %add3A_843 = arith.constant 3 : i32
        %add3A_844 = arith.addi %add3A_300, %add3A_843 : i32
        %mul3A_845 = arith.constant 2 : i32
        %mul3A_846 = arith.muli %mul3A_845, %add3A_844 : i32
        %dma_start3A_847 = arith.constant 0 : i32
        %dma_start3A_848 = arith.constant 0 : i32
        %dma_start3A_849 = arith.constant 0 : i32
        %dma_start3A_850 = tpu.memref_slice %arg12[%dma_start3A_848, %dma_start3A_849] : memref<4x3x!tpu.dma_semaphore, #tpu.memory_space<semaphore_mem>> -> memref<1x1x!tpu.dma_semaphore, #tpu.memory_space<semaphore_mem>>
        %dma_start3A_851 = tpu.memref_squeeze %dma_start3A_850 : memref<1x1x!tpu.dma_semaphore, #tpu.memory_space<semaphore_mem>> -> memref<!tpu.dma_semaphore, #tpu.memory_space<semaphore_mem>>
        %dma_start3A_852 = arith.constant 0 : i32
        %dma_start3A_853 = arith.constant 0 : i32
        %dma_start3A_854 = arith.constant 0 : i32
        %dma_start3A_855 = tpu.memref_slice %arg9[%dma_start3A_847, %dma_start3A_852, %dma_start3A_853, %dma_start3A_854] : memref<4x2x1024x128xf32, #tpu.memory_space<vmem>> -> memref<1x2x1024x128xf32, #tpu.memory_space<vmem>>
        %dma_start3A_856 = tpu.memref_squeeze %dma_start3A_855 : memref<1x2x1024x128xf32, #tpu.memory_space<vmem>> -> memref<2x1024x128xf32, #tpu.memory_space<vmem>>
        %dma_start3A_857 = arith.constant 0 : i32
        %dma_start3A_858 = arith.constant 0 : i32
        %dma_start3A_859 = tpu.memref_slice %arg4[%mul3A_846, %dma_start3A_857, %dma_start3A_858] : memref<64x1024x128xf32, #tpu.memory_space<any>> -> memref<2x1024x128xf32, #tpu.memory_space<any>>
        tpu.enqueue_dma source(%dma_start3A_859 : memref<2x1024x128xf32, #tpu.memory_space<any>>) target(%dma_start3A_856 : memref<2x1024x128xf32, #tpu.memory_space<vmem>>) target_semaphore(%dma_start3A_851 : memref<!tpu.dma_semaphore, #tpu.memory_space<semaphore_mem>>)
        %mul3A_860 = arith.constant 2 : i32
        %mul3A_861 = arith.muli %mul3A_860, %add3A_844 : i32
        %dma_start3A_862 = arith.constant 0 : i32
        %dma_start3A_863 = arith.constant 0 : i32
        %dma_start3A_864 = arith.constant 1 : i32
        %dma_start3A_865 = tpu.memref_slice %arg12[%dma_start3A_863, %dma_start3A_864] : memref<4x3x!tpu.dma_semaphore, #tpu.memory_space<semaphore_mem>> -> memref<1x1x!tpu.dma_semaphore, #tpu.memory_space<semaphore_mem>>
        %dma_start3A_866 = tpu.memref_squeeze %dma_start3A_865 : memref<1x1x!tpu.dma_semaphore, #tpu.memory_space<semaphore_mem>> -> memref<!tpu.dma_semaphore, #tpu.memory_space<semaphore_mem>>
        %dma_start3A_867 = arith.constant 0 : i32
        %dma_start3A_868 = arith.constant 0 : i32
        %dma_start3A_869 = arith.constant 0 : i32
        %dma_start3A_870 = tpu.memref_slice %arg10[%dma_start3A_862, %dma_start3A_867, %dma_start3A_868, %dma_start3A_869] : memref<4x2x1024x128xf32, #tpu.memory_space<vmem>> -> memref<1x2x1024x128xf32, #tpu.memory_space<vmem>>
        %dma_start3A_871 = tpu.memref_squeeze %dma_start3A_870 : memref<1x2x1024x128xf32, #tpu.memory_space<vmem>> -> memref<2x1024x128xf32, #tpu.memory_space<vmem>>
        %dma_start3A_872 = arith.constant 0 : i32
        %dma_start3A_873 = arith.constant 0 : i32
        %dma_start3A_874 = tpu.memref_slice %arg5[%mul3A_861, %dma_start3A_872, %dma_start3A_873] : memref<64x1024x128xf32, #tpu.memory_space<any>> -> memref<2x1024x128xf32, #tpu.memory_space<any>>
        tpu.enqueue_dma source(%dma_start3A_874 : memref<2x1024x128xf32, #tpu.memory_space<any>>) target(%dma_start3A_871 : memref<2x1024x128xf32, #tpu.memory_space<vmem>>) target_semaphore(%dma_start3A_866 : memref<!tpu.dma_semaphore, #tpu.memory_space<semaphore_mem>>)
        %mul3A_875 = arith.constant 2 : i32
        %mul3A_876 = arith.muli %mul3A_875, %add3A_844 : i32
        %dma_start3A_877 = arith.constant 0 : i32
        %dma_start3A_878 = arith.constant 0 : i32
        %dma_start3A_879 = arith.constant 2 : i32
        %dma_start3A_880 = tpu.memref_slice %arg12[%dma_start3A_878, %dma_start3A_879] : memref<4x3x!tpu.dma_semaphore, #tpu.memory_space<semaphore_mem>> -> memref<1x1x!tpu.dma_semaphore, #tpu.memory_space<semaphore_mem>>
        %dma_start3A_881 = tpu.memref_squeeze %dma_start3A_880 : memref<1x1x!tpu.dma_semaphore, #tpu.memory_space<semaphore_mem>> -> memref<!tpu.dma_semaphore, #tpu.memory_space<semaphore_mem>>
        %dma_start3A_882 = arith.constant 0 : i32
        %dma_start3A_883 = arith.constant 0 : i32
        %dma_start3A_884 = arith.constant 0 : i32
        %dma_start3A_885 = tpu.memref_slice %arg11[%dma_start3A_877, %dma_start3A_882, %dma_start3A_883, %dma_start3A_884] : memref<4x2x128x1024xf32, #tpu.memory_space<vmem>> -> memref<1x2x128x1024xf32, #tpu.memory_space<vmem>>
        %dma_start3A_886 = tpu.memref_squeeze %dma_start3A_885 : memref<1x2x128x1024xf32, #tpu.memory_space<vmem>> -> memref<2x128x1024xf32, #tpu.memory_space<vmem>>
        %dma_start3A_887 = arith.constant 0 : i32
        %dma_start3A_888 = arith.constant 0 : i32
        %dma_start3A_889 = tpu.memref_slice %arg6[%mul3A_876, %dma_start3A_887, %dma_start3A_888] : memref<64x128x1024xf32, #tpu.memory_space<any>> -> memref<2x128x1024xf32, #tpu.memory_space<any>>
        tpu.enqueue_dma source(%dma_start3A_889 : memref<2x128x1024xf32, #tpu.memory_space<any>>) target(%dma_start3A_886 : memref<2x128x1024xf32, #tpu.memory_space<vmem>>) target_semaphore(%dma_start3A_881 : memref<!tpu.dma_semaphore, #tpu.memory_space<semaphore_mem>>)
      } else {
      }
      %mul3A_308 = arith.constant 2 : i32
      %mul3A_309 = arith.muli %mul3A_308, %add3A_300 : i32
      %dma_wait3A_310 = arith.constant 1 : i32
      %dma_wait3A_311 = arith.constant 1 : i32
      %dma_wait3A_312 = arith.constant 0 : i32
      %dma_wait3A_313 = tpu.memref_slice %arg12[%dma_wait3A_311, %dma_wait3A_312] : memref<4x3x!tpu.dma_semaphore, #tpu.memory_space<semaphore_mem>> -> memref<1x1x!tpu.dma_semaphore, #tpu.memory_space<semaphore_mem>>
      %dma_wait3A_314 = tpu.memref_squeeze %dma_wait3A_313 : memref<1x1x!tpu.dma_semaphore, #tpu.memory_space<semaphore_mem>> -> memref<!tpu.dma_semaphore, #tpu.memory_space<semaphore_mem>>
      %dma_wait3A_315 = arith.constant 0 : i32
      %dma_wait3A_316 = arith.constant 0 : i32
      %dma_wait3A_317 = arith.constant 0 : i32
      %dma_wait3A_318 = tpu.memref_slice %arg9[%dma_wait3A_310, %dma_wait3A_315, %dma_wait3A_316, %dma_wait3A_317] : memref<4x2x1024x128xf32, #tpu.memory_space<vmem>> -> memref<1x2x1024x128xf32, #tpu.memory_space<vmem>>
      %dma_wait3A_319 = tpu.memref_squeeze %dma_wait3A_318 : memref<1x2x1024x128xf32, #tpu.memory_space<vmem>> -> memref<2x1024x128xf32, #tpu.memory_space<vmem>>
      %dma_wait3A_320 = arith.constant 0 : i32
      %dma_wait3A_321 = arith.constant 0 : i32
      %dma_wait3A_322 = tpu.memref_slice %arg4[%mul3A_309, %dma_wait3A_320, %dma_wait3A_321] : memref<64x1024x128xf32, #tpu.memory_space<any>> -> memref<2x1024x128xf32, #tpu.memory_space<any>>
      tpu.wait_dma2 semaphore(%dma_wait3A_314 : memref<!tpu.dma_semaphore, #tpu.memory_space<semaphore_mem>>) src(%dma_wait3A_322 : memref<2x1024x128xf32, #tpu.memory_space<any>>) dst(%dma_wait3A_319 : memref<2x1024x128xf32, #tpu.memory_space<vmem>>)
      %mul3A_323 = arith.constant 2 : i32
      %mul3A_324 = arith.muli %mul3A_323, %add3A_300 : i32
      %dma_wait3A_325 = arith.constant 1 : i32
      %dma_wait3A_326 = arith.constant 1 : i32
      %dma_wait3A_327 = arith.constant 1 : i32
      %dma_wait3A_328 = tpu.memref_slice %arg12[%dma_wait3A_326, %dma_wait3A_327] : memref<4x3x!tpu.dma_semaphore, #tpu.memory_space<semaphore_mem>> -> memref<1x1x!tpu.dma_semaphore, #tpu.memory_space<semaphore_mem>>
      %dma_wait3A_329 = tpu.memref_squeeze %dma_wait3A_328 : memref<1x1x!tpu.dma_semaphore, #tpu.memory_space<semaphore_mem>> -> memref<!tpu.dma_semaphore, #tpu.memory_space<semaphore_mem>>
      %dma_wait3A_330 = arith.constant 0 : i32
      %dma_wait3A_331 = arith.constant 0 : i32
      %dma_wait3A_332 = arith.constant 0 : i32
      %dma_wait3A_333 = tpu.memref_slice %arg10[%dma_wait3A_325, %dma_wait3A_330, %dma_wait3A_331, %dma_wait3A_332] : memref<4x2x1024x128xf32, #tpu.memory_space<vmem>> -> memref<1x2x1024x128xf32, #tpu.memory_space<vmem>>
      %dma_wait3A_334 = tpu.memref_squeeze %dma_wait3A_333 : memref<1x2x1024x128xf32, #tpu.memory_space<vmem>> -> memref<2x1024x128xf32, #tpu.memory_space<vmem>>
      %dma_wait3A_335 = arith.constant 0 : i32
      %dma_wait3A_336 = arith.constant 0 : i32
      %dma_wait3A_337 = tpu.memref_slice %arg5[%mul3A_324, %dma_wait3A_335, %dma_wait3A_336] : memref<64x1024x128xf32, #tpu.memory_space<any>> -> memref<2x1024x128xf32, #tpu.memory_space<any>>
      tpu.wait_dma2 semaphore(%dma_wait3A_329 : memref<!tpu.dma_semaphore, #tpu.memory_space<semaphore_mem>>) src(%dma_wait3A_337 : memref<2x1024x128xf32, #tpu.memory_space<any>>) dst(%dma_wait3A_334 : memref<2x1024x128xf32, #tpu.memory_space<vmem>>)
      %mul3A_338 = arith.constant 2 : i32
      %mul3A_339 = arith.muli %mul3A_338, %add3A_300 : i32
      %dma_wait3A_340 = arith.constant 1 : i32
      %dma_wait3A_341 = arith.constant 1 : i32
      %dma_wait3A_342 = arith.constant 2 : i32
      %dma_wait3A_343 = tpu.memref_slice %arg12[%dma_wait3A_341, %dma_wait3A_342] : memref<4x3x!tpu.dma_semaphore, #tpu.memory_space<semaphore_mem>> -> memref<1x1x!tpu.dma_semaphore, #tpu.memory_space<semaphore_mem>>
      %dma_wait3A_344 = tpu.memref_squeeze %dma_wait3A_343 : memref<1x1x!tpu.dma_semaphore, #tpu.memory_space<semaphore_mem>> -> memref<!tpu.dma_semaphore, #tpu.memory_space<semaphore_mem>>
      %dma_wait3A_345 = arith.constant 0 : i32
      %dma_wait3A_346 = arith.constant 0 : i32
      %dma_wait3A_347 = arith.constant 0 : i32
      %dma_wait3A_348 = tpu.memref_slice %arg11[%dma_wait3A_340, %dma_wait3A_345, %dma_wait3A_346, %dma_wait3A_347] : memref<4x2x128x1024xf32, #tpu.memory_space<vmem>> -> memref<1x2x128x1024xf32, #tpu.memory_space<vmem>>
      %dma_wait3A_349 = tpu.memref_squeeze %dma_wait3A_348 : memref<1x2x128x1024xf32, #tpu.memory_space<vmem>> -> memref<2x128x1024xf32, #tpu.memory_space<vmem>>
      %dma_wait3A_350 = arith.constant 0 : i32
      %dma_wait3A_351 = arith.constant 0 : i32
      %dma_wait3A_352 = tpu.memref_slice %arg6[%mul3A_339, %dma_wait3A_350, %dma_wait3A_351] : memref<64x128x1024xf32, #tpu.memory_space<any>> -> memref<2x128x1024xf32, #tpu.memory_space<any>>
      tpu.wait_dma2 semaphore(%dma_wait3A_344 : memref<!tpu.dma_semaphore, #tpu.memory_space<semaphore_mem>>) src(%dma_wait3A_352 : memref<2x128x1024xf32, #tpu.memory_space<any>>) dst(%dma_wait3A_349 : memref<2x128x1024xf32, #tpu.memory_space<vmem>>)
      %mul3A_353 = arith.constant 2 : i32
      %mul3A_354 = arith.muli %mul3A_353, %add3A_300 : i32
      %add3A_355 = arith.constant 0 : i32
      %add3A_356 = arith.addi %mul3A_354, %add3A_355 : i32
      %get3A_357 = arith.constant 1 : index
      %get3A_358 = arith.constant 0 : index
      %get3A_359 = arith.constant 0 : index
      %get3A_360 = arith.constant 0 : index
      %get3A_361 = vector.load %arg9[%get3A_357, %get3A_358, %get3A_359, %get3A_360] : memref<4x2x1024x128xf32, #tpu.memory_space<vmem>>, vector<1x1x1024x128xf32>
      %get3A_362 = vector.shape_cast %get3A_361 : vector<1x1x1024x128xf32> to vector<1024x128xf32>
      %get3A_363 = arith.constant 1 : index
      %get3A_364 = arith.constant 0 : index
      %get3A_365 = arith.constant 0 : index
      %get3A_366 = arith.constant 0 : index
      %get3A_367 = vector.load %arg10[%get3A_363, %get3A_364, %get3A_365, %get3A_366] : memref<4x2x1024x128xf32, #tpu.memory_space<vmem>>, vector<1x1x1024x128xf32>
      %get3A_368 = vector.shape_cast %get3A_367 : vector<1x1x1024x128xf32> to vector<1024x128xf32>
      %get3A_369 = arith.constant 1 : index
      %get3A_370 = arith.constant 0 : index
      %get3A_371 = arith.constant 0 : index
      %get3A_372 = arith.constant 0 : index
      %get3A_373 = vector.load %arg11[%get3A_369, %get3A_370, %get3A_371, %get3A_372] : memref<4x2x128x1024xf32, #tpu.memory_space<vmem>>, vector<1x1x128x1024xf32>
      %get3A_374 = vector.shape_cast %get3A_373 : vector<1x1x128x1024xf32> to vector<128x1024xf32>
      %get3A_375 = arith.index_cast %add3A_356 : i32 to index
      %get3A_376 = memref.load %arg0[%get3A_375] : memref<64xi32, #tpu.memory_space<smem>>
      %multiple_of3A_377 = tpu.assume_multiple %get3A_376, 8 : i32
      %get3A_378 = arith.index_cast %add3A_356 : i32 to index
      %get3A_379 = memref.load %arg1[%get3A_378] : memref<64xi32, #tpu.memory_space<smem>>
      %add3A_380 = arith.constant 63 : i32
      %add3A_381 = arith.addi %get3A_379, %add3A_380 : i32
      %jit3A_382 = arith.constant 64 : i32
      %div3A_383 = arith.divsi %add3A_381, %jit3A_382 : i32
      %sign3A_384 = arith.constant 0 : i32
      %sign3A_385 = arith.cmpi sgt, %add3A_381, %sign3A_384 : i32
      %sign3A_386 = arith.extui %sign3A_385 : i1 to i32
      %sign3A_387 = arith.constant 0 : i32
      %sign3A_388 = arith.cmpi slt, %add3A_381, %sign3A_387 : i32
      %sign3A_389 = arith.extui %sign3A_388 : i1 to i32
      %sign3A_390 = arith.subi %sign3A_386, %sign3A_389 : i32
      %sign3A_391 = arith.constant 0 : i32
      %sign3A_392 = arith.cmpi sgt, %jit3A_382, %sign3A_391 : i32
      %sign3A_393 = arith.extui %sign3A_392 : i1 to i32
      %sign3A_394 = arith.constant 0 : i32
      %sign3A_395 = arith.cmpi slt, %jit3A_382, %sign3A_394 : i32
      %sign3A_396 = arith.extui %sign3A_395 : i1 to i32
      %sign3A_397 = arith.subi %sign3A_393, %sign3A_396 : i32
      %ne3A_398 = arith.cmpi ne, %sign3A_390, %sign3A_397 : i32
      %rem3A_399 = arith.remsi %add3A_381, %jit3A_382 : i32
      %ne3A_400 = arith.constant 0 : i32
      %ne3A_401 = arith.cmpi ne, %rem3A_399, %ne3A_400 : i32
      %and3A_402 = arith.andi %ne3A_398, %ne3A_401 : i1
      %sub3A_403 = arith.constant 1 : i32
      %sub3A_404 = arith.subi %div3A_383, %sub3A_403 : i32
      %select_n3A_405 = arith.select %and3A_402, %sub3A_404, %div3A_383 : i32
      %while3A_406 = arith.constant 0 : i32
      %while3A_407 = arith.constant 0 : i32
      %while3A_408 = arith.subi %select_n3A_405, %while3A_407 : i32
      %while3A_409 = arith.addi %while3A_407, %while3A_408 : i32
      %while3A_410 = arith.constant 1 : i32
      %while3A_411 = arith.divsi %while3A_408, %while3A_410 : i32
      %while3A_412 = arith.muli %while3A_411, %while3A_410 : i32
      %while3A_413 = arith.addi %while3A_407, %while3A_412 : i32
      %while3A_414 = arith.constant 1 : i32
      scf.for %while3A_843 = %while3A_407 to %while3A_413 step %while3A_414  : i32 {
        %mul3A_844 = arith.constant 64 : i32
        %mul3A_845 = arith.muli %while3A_843, %mul3A_844 : i32
        %add3A_846 = arith.addi %multiple_of3A_377, %mul3A_845 : i32
        %get3A_847 = arith.index_cast %add3A_846 : i32 to index
        %get3A_848 = arith.constant 0 : index
        %get3A_849 = vector.load %arg8[%get3A_847, %get3A_848] : memref<2624x1024xf32, #tpu.memory_space<vmem>>, vector<64x1024xf32>
        %dot_general3A = arith.constant dense<0.000000e+00> : vector<64x128xf32>
        %dot_general3A_850 = tpu.matmul %get3A_849, %get3A_362, %dot_general3A {dimension_numbers = #tpu.dot_dimension_numbers<[1], [0], [0], [1], [0, 0, 1, 1], [], []>, transpose_lhs_hint = false} : vector<64x1024xf32>, vector<1024x128xf32>, vector<64x128xf32> -> vector<64x128xf32>
        %neg3A = arith.constant 0.000000e+00 : f32
        %neg3A_851 = vector.broadcast %neg3A : f32 to vector<64x128xf32>
        %neg3A_852 = arith.subf %neg3A_851, %dot_general3A_850 : vector<64x128xf32>
        %exp3A = math.exp %neg3A_852 : vector<64x128xf32>
        %add3A_853 = arith.constant 1.000000e+00 : f32
        %add3A_854 = vector.broadcast %add3A_853 : f32 to vector<64x128xf32>
        %add3A_855 = arith.addf %add3A_854, %exp3A : vector<64x128xf32>
        %div3A_856 = arith.constant 1.000000e+00 : f32
        %div3A_857 = vector.broadcast %div3A_856 : f32 to vector<64x128xf32>
        %div3A_858 = arith.divf %div3A_857, %add3A_855 : vector<64x128xf32>
        %mul3A_859 = arith.mulf %dot_general3A_850, %div3A_858 : vector<64x128xf32>
        %dot_general3A_860 = arith.constant dense<0.000000e+00> : vector<64x128xf32>
        %dot_general3A_861 = tpu.matmul %get3A_849, %get3A_368, %dot_general3A_860 {dimension_numbers = #tpu.dot_dimension_numbers<[1], [0], [0], [1], [0, 0, 1, 1], [], []>, transpose_lhs_hint = false} : vector<64x1024xf32>, vector<1024x128xf32>, vector<64x128xf32> -> vector<64x128xf32>
        %mul3A_862 = arith.mulf %mul3A_859, %dot_general3A_861 : vector<64x128xf32>
        %dot_general3A_863 = arith.constant dense<0.000000e+00> : vector<64x1024xf32>
        %dot_general3A_864 = tpu.matmul %mul3A_862, %get3A_374, %dot_general3A_863 {dimension_numbers = #tpu.dot_dimension_numbers<[1], [0], [0], [1], [0, 0, 1, 1], [], []>, transpose_lhs_hint = false} : vector<64x128xf32>, vector<128x1024xf32>, vector<64x1024xf32> -> vector<64x1024xf32>
        %mul3A_865 = vector.broadcast %get3A_125 : f32 to vector<64x1024xf32>
        %mul3A_866 = arith.mulf %dot_general3A_864, %mul3A_865 : vector<64x1024xf32>
        %swap3A = arith.index_cast %add3A_846 : i32 to index
        %swap3A_867 = arith.constant 0 : index
        %swap3A_868 = vector.load %arg7[%swap3A, %swap3A_867] : memref<2624x1024xf32, #tpu.memory_space<vmem>>, vector<64x1024xf32>
        tpu.vector_store %arg7[%swap3A, %swap3A_867], %mul3A_866 {strides = array<i32>} : memref<2624x1024xf32, #tpu.memory_space<vmem>>, vector<64x1024xf32>,
      }
      %while3A_415 = arith.constant 1 : i32
      scf.for %while3A_843 = %while3A_413 to %while3A_409 step %while3A_415  : i32 {
        %mul3A_844 = arith.constant 64 : i32
        %mul3A_845 = arith.muli %while3A_843, %mul3A_844 : i32
        %add3A_846 = arith.addi %multiple_of3A_377, %mul3A_845 : i32
        %get3A_847 = arith.index_cast %add3A_846 : i32 to index
        %get3A_848 = arith.constant 0 : index
        %get3A_849 = vector.load %arg8[%get3A_847, %get3A_848] : memref<2624x1024xf32, #tpu.memory_space<vmem>>, vector<64x1024xf32>
        %dot_general3A = arith.constant dense<0.000000e+00> : vector<64x128xf32>
        %dot_general3A_850 = tpu.matmul %get3A_849, %get3A_362, %dot_general3A {dimension_numbers = #tpu.dot_dimension_numbers<[1], [0], [0], [1], [0, 0, 1, 1], [], []>, transpose_lhs_hint = false} : vector<64x1024xf32>, vector<1024x128xf32>, vector<64x128xf32> -> vector<64x128xf32>
        %neg3A = arith.constant 0.000000e+00 : f32
        %neg3A_851 = vector.broadcast %neg3A : f32 to vector<64x128xf32>
        %neg3A_852 = arith.subf %neg3A_851, %dot_general3A_850 : vector<64x128xf32>
        %exp3A = math.exp %neg3A_852 : vector<64x128xf32>
        %add3A_853 = arith.constant 1.000000e+00 : f32
        %add3A_854 = vector.broadcast %add3A_853 : f32 to vector<64x128xf32>
        %add3A_855 = arith.addf %add3A_854, %exp3A : vector<64x128xf32>
        %div3A_856 = arith.constant 1.000000e+00 : f32
        %div3A_857 = vector.broadcast %div3A_856 : f32 to vector<64x128xf32>
        %div3A_858 = arith.divf %div3A_857, %add3A_855 : vector<64x128xf32>
        %mul3A_859 = arith.mulf %dot_general3A_850, %div3A_858 : vector<64x128xf32>
        %dot_general3A_860 = arith.constant dense<0.000000e+00> : vector<64x128xf32>
        %dot_general3A_861 = tpu.matmul %get3A_849, %get3A_368, %dot_general3A_860 {dimension_numbers = #tpu.dot_dimension_numbers<[1], [0], [0], [1], [0, 0, 1, 1], [], []>, transpose_lhs_hint = false} : vector<64x1024xf32>, vector<1024x128xf32>, vector<64x128xf32> -> vector<64x128xf32>
        %mul3A_862 = arith.mulf %mul3A_859, %dot_general3A_861 : vector<64x128xf32>
        %dot_general3A_863 = arith.constant dense<0.000000e+00> : vector<64x1024xf32>
        %dot_general3A_864 = tpu.matmul %mul3A_862, %get3A_374, %dot_general3A_863 {dimension_numbers = #tpu.dot_dimension_numbers<[1], [0], [0], [1], [0, 0, 1, 1], [], []>, transpose_lhs_hint = false} : vector<64x128xf32>, vector<128x1024xf32>, vector<64x1024xf32> -> vector<64x1024xf32>
        %mul3A_865 = vector.broadcast %get3A_125 : f32 to vector<64x1024xf32>
        %mul3A_866 = arith.mulf %dot_general3A_864, %mul3A_865 : vector<64x1024xf32>
        %swap3A = arith.index_cast %add3A_846 : i32 to index
        %swap3A_867 = arith.constant 0 : index
        %swap3A_868 = vector.load %arg7[%swap3A, %swap3A_867] : memref<2624x1024xf32, #tpu.memory_space<vmem>>, vector<64x1024xf32>
        tpu.vector_store %arg7[%swap3A, %swap3A_867], %mul3A_866 {strides = array<i32>} : memref<2624x1024xf32, #tpu.memory_space<vmem>>, vector<64x1024xf32>,
      }
      %mul3A_416 = arith.constant 2 : i32
      %mul3A_417 = arith.muli %mul3A_416, %add3A_300 : i32
      %add3A_418 = arith.constant 1 : i32
      %add3A_419 = arith.addi %mul3A_417, %add3A_418 : i32
      %get3A_420 = arith.constant 1 : index
      %get3A_421 = arith.constant 1 : index
      %get3A_422 = arith.constant 0 : index
      %get3A_423 = arith.constant 0 : index
      %get3A_424 = vector.load %arg9[%get3A_420, %get3A_421, %get3A_422, %get3A_423] : memref<4x2x1024x128xf32, #tpu.memory_space<vmem>>, vector<1x1x1024x128xf32>
      %get3A_425 = vector.shape_cast %get3A_424 : vector<1x1x1024x128xf32> to vector<1024x128xf32>
      %get3A_426 = arith.constant 1 : index
      %get3A_427 = arith.constant 1 : index
      %get3A_428 = arith.constant 0 : index
      %get3A_429 = arith.constant 0 : index
      %get3A_430 = vector.load %arg10[%get3A_426, %get3A_427, %get3A_428, %get3A_429] : memref<4x2x1024x128xf32, #tpu.memory_space<vmem>>, vector<1x1x1024x128xf32>
      %get3A_431 = vector.shape_cast %get3A_430 : vector<1x1x1024x128xf32> to vector<1024x128xf32>
      %get3A_432 = arith.constant 1 : index
      %get3A_433 = arith.constant 1 : index
      %get3A_434 = arith.constant 0 : index
      %get3A_435 = arith.constant 0 : index
      %get3A_436 = vector.load %arg11[%get3A_432, %get3A_433, %get3A_434, %get3A_435] : memref<4x2x128x1024xf32, #tpu.memory_space<vmem>>, vector<1x1x128x1024xf32>
      %get3A_437 = vector.shape_cast %get3A_436 : vector<1x1x128x1024xf32> to vector<128x1024xf32>
      %get3A_438 = arith.index_cast %add3A_419 : i32 to index
      %get3A_439 = memref.load %arg0[%get3A_438] : memref<64xi32, #tpu.memory_space<smem>>
      %multiple_of3A_440 = tpu.assume_multiple %get3A_439, 8 : i32
      %get3A_441 = arith.index_cast %add3A_419 : i32 to index
      %get3A_442 = memref.load %arg1[%get3A_441] : memref<64xi32, #tpu.memory_space<smem>>
      %add3A_443 = arith.constant 63 : i32
      %add3A_444 = arith.addi %get3A_442, %add3A_443 : i32
      %jit3A_445 = arith.constant 64 : i32
      %div3A_446 = arith.divsi %add3A_444, %jit3A_445 : i32
      %sign3A_447 = arith.constant 0 : i32
      %sign3A_448 = arith.cmpi sgt, %add3A_444, %sign3A_447 : i32
      %sign3A_449 = arith.extui %sign3A_448 : i1 to i32
      %sign3A_450 = arith.constant 0 : i32
      %sign3A_451 = arith.cmpi slt, %add3A_444, %sign3A_450 : i32
      %sign3A_452 = arith.extui %sign3A_451 : i1 to i32
      %sign3A_453 = arith.subi %sign3A_449, %sign3A_452 : i32
      %sign3A_454 = arith.constant 0 : i32
      %sign3A_455 = arith.cmpi sgt, %jit3A_445, %sign3A_454 : i32
      %sign3A_456 = arith.extui %sign3A_455 : i1 to i32
      %sign3A_457 = arith.constant 0 : i32
      %sign3A_458 = arith.cmpi slt, %jit3A_445, %sign3A_457 : i32
      %sign3A_459 = arith.extui %sign3A_458 : i1 to i32
      %sign3A_460 = arith.subi %sign3A_456, %sign3A_459 : i32
      %ne3A_461 = arith.cmpi ne, %sign3A_453, %sign3A_460 : i32
      %rem3A_462 = arith.remsi %add3A_444, %jit3A_445 : i32
      %ne3A_463 = arith.constant 0 : i32
      %ne3A_464 = arith.cmpi ne, %rem3A_462, %ne3A_463 : i32
      %and3A_465 = arith.andi %ne3A_461, %ne3A_464 : i1
      %sub3A_466 = arith.constant 1 : i32
      %sub3A_467 = arith.subi %div3A_446, %sub3A_466 : i32
      %select_n3A_468 = arith.select %and3A_465, %sub3A_467, %div3A_446 : i32
      %while3A_469 = arith.constant 0 : i32
      %while3A_470 = arith.constant 0 : i32
      %while3A_471 = arith.subi %select_n3A_468, %while3A_470 : i32
      %while3A_472 = arith.addi %while3A_470, %while3A_471 : i32
      %while3A_473 = arith.constant 1 : i32
      %while3A_474 = arith.divsi %while3A_471, %while3A_473 : i32
      %while3A_475 = arith.muli %while3A_474, %while3A_473 : i32
      %while3A_476 = arith.addi %while3A_470, %while3A_475 : i32
      %while3A_477 = arith.constant 1 : i32
      scf.for %while3A_843 = %while3A_470 to %while3A_476 step %while3A_477  : i32 {
        %mul3A_844 = arith.constant 64 : i32
        %mul3A_845 = arith.muli %while3A_843, %mul3A_844 : i32
        %add3A_846 = arith.addi %multiple_of3A_440, %mul3A_845 : i32
        %get3A_847 = arith.index_cast %add3A_846 : i32 to index
        %get3A_848 = arith.constant 0 : index
        %get3A_849 = vector.load %arg8[%get3A_847, %get3A_848] : memref<2624x1024xf32, #tpu.memory_space<vmem>>, vector<64x1024xf32>
        %dot_general3A = arith.constant dense<0.000000e+00> : vector<64x128xf32>
        %dot_general3A_850 = tpu.matmul %get3A_849, %get3A_425, %dot_general3A {dimension_numbers = #tpu.dot_dimension_numbers<[1], [0], [0], [1], [0, 0, 1, 1], [], []>, transpose_lhs_hint = false} : vector<64x1024xf32>, vector<1024x128xf32>, vector<64x128xf32> -> vector<64x128xf32>
        %neg3A = arith.constant 0.000000e+00 : f32
        %neg3A_851 = vector.broadcast %neg3A : f32 to vector<64x128xf32>
        %neg3A_852 = arith.subf %neg3A_851, %dot_general3A_850 : vector<64x128xf32>
        %exp3A = math.exp %neg3A_852 : vector<64x128xf32>
        %add3A_853 = arith.constant 1.000000e+00 : f32
        %add3A_854 = vector.broadcast %add3A_853 : f32 to vector<64x128xf32>
        %add3A_855 = arith.addf %add3A_854, %exp3A : vector<64x128xf32>
        %div3A_856 = arith.constant 1.000000e+00 : f32
        %div3A_857 = vector.broadcast %div3A_856 : f32 to vector<64x128xf32>
        %div3A_858 = arith.divf %div3A_857, %add3A_855 : vector<64x128xf32>
        %mul3A_859 = arith.mulf %dot_general3A_850, %div3A_858 : vector<64x128xf32>
        %dot_general3A_860 = arith.constant dense<0.000000e+00> : vector<64x128xf32>
        %dot_general3A_861 = tpu.matmul %get3A_849, %get3A_431, %dot_general3A_860 {dimension_numbers = #tpu.dot_dimension_numbers<[1], [0], [0], [1], [0, 0, 1, 1], [], []>, transpose_lhs_hint = false} : vector<64x1024xf32>, vector<1024x128xf32>, vector<64x128xf32> -> vector<64x128xf32>
        %mul3A_862 = arith.mulf %mul3A_859, %dot_general3A_861 : vector<64x128xf32>
        %dot_general3A_863 = arith.constant dense<0.000000e+00> : vector<64x1024xf32>
        %dot_general3A_864 = tpu.matmul %mul3A_862, %get3A_437, %dot_general3A_863 {dimension_numbers = #tpu.dot_dimension_numbers<[1], [0], [0], [1], [0, 0, 1, 1], [], []>, transpose_lhs_hint = false} : vector<64x128xf32>, vector<128x1024xf32>, vector<64x1024xf32> -> vector<64x1024xf32>
        %mul3A_865 = vector.broadcast %get3A_125 : f32 to vector<64x1024xf32>
        %mul3A_866 = arith.mulf %dot_general3A_864, %mul3A_865 : vector<64x1024xf32>
        %swap3A = arith.index_cast %add3A_846 : i32 to index
        %swap3A_867 = arith.constant 0 : index
        %swap3A_868 = vector.load %arg7[%swap3A, %swap3A_867] : memref<2624x1024xf32, #tpu.memory_space<vmem>>, vector<64x1024xf32>
        tpu.vector_store %arg7[%swap3A, %swap3A_867], %mul3A_866 {strides = array<i32>} : memref<2624x1024xf32, #tpu.memory_space<vmem>>, vector<64x1024xf32>,
      }
      %while3A_478 = arith.constant 1 : i32
      scf.for %while3A_843 = %while3A_476 to %while3A_472 step %while3A_478  : i32 {
        %mul3A_844 = arith.constant 64 : i32
        %mul3A_845 = arith.muli %while3A_843, %mul3A_844 : i32
        %add3A_846 = arith.addi %multiple_of3A_440, %mul3A_845 : i32
        %get3A_847 = arith.index_cast %add3A_846 : i32 to index
        %get3A_848 = arith.constant 0 : index
        %get3A_849 = vector.load %arg8[%get3A_847, %get3A_848] : memref<2624x1024xf32, #tpu.memory_space<vmem>>, vector<64x1024xf32>
        %dot_general3A = arith.constant dense<0.000000e+00> : vector<64x128xf32>
        %dot_general3A_850 = tpu.matmul %get3A_849, %get3A_425, %dot_general3A {dimension_numbers = #tpu.dot_dimension_numbers<[1], [0], [0], [1], [0, 0, 1, 1], [], []>, transpose_lhs_hint = false} : vector<64x1024xf32>, vector<1024x128xf32>, vector<64x128xf32> -> vector<64x128xf32>
        %neg3A = arith.constant 0.000000e+00 : f32
        %neg3A_851 = vector.broadcast %neg3A : f32 to vector<64x128xf32>
        %neg3A_852 = arith.subf %neg3A_851, %dot_general3A_850 : vector<64x128xf32>
        %exp3A = math.exp %neg3A_852 : vector<64x128xf32>
        %add3A_853 = arith.constant 1.000000e+00 : f32
        %add3A_854 = vector.broadcast %add3A_853 : f32 to vector<64x128xf32>
        %add3A_855 = arith.addf %add3A_854, %exp3A : vector<64x128xf32>
        %div3A_856 = arith.constant 1.000000e+00 : f32
        %div3A_857 = vector.broadcast %div3A_856 : f32 to vector<64x128xf32>
        %div3A_858 = arith.divf %div3A_857, %add3A_855 : vector<64x128xf32>
        %mul3A_859 = arith.mulf %dot_general3A_850, %div3A_858 : vector<64x128xf32>
        %dot_general3A_860 = arith.constant dense<0.000000e+00> : vector<64x128xf32>
        %dot_general3A_861 = tpu.matmul %get3A_849, %get3A_431, %dot_general3A_860 {dimension_numbers = #tpu.dot_dimension_numbers<[1], [0], [0], [1], [0, 0, 1, 1], [], []>, transpose_lhs_hint = false} : vector<64x1024xf32>, vector<1024x128xf32>, vector<64x128xf32> -> vector<64x128xf32>
        %mul3A_862 = arith.mulf %mul3A_859, %dot_general3A_861 : vector<64x128xf32>
        %dot_general3A_863 = arith.constant dense<0.000000e+00> : vector<64x1024xf32>
        %dot_general3A_864 = tpu.matmul %mul3A_862, %get3A_437, %dot_general3A_863 {dimension_numbers = #tpu.dot_dimension_numbers<[1], [0], [0], [1], [0, 0, 1, 1], [], []>, transpose_lhs_hint = false} : vector<64x128xf32>, vector<128x1024xf32>, vector<64x1024xf32> -> vector<64x1024xf32>
        %mul3A_865 = vector.broadcast %get3A_125 : f32 to vector<64x1024xf32>
        %mul3A_866 = arith.mulf %dot_general3A_864, %mul3A_865 : vector<64x1024xf32>
        %swap3A = arith.index_cast %add3A_846 : i32 to index
        %swap3A_867 = arith.constant 0 : index
        %swap3A_868 = vector.load %arg7[%swap3A, %swap3A_867] : memref<2624x1024xf32, #tpu.memory_space<vmem>>, vector<64x1024xf32>
        tpu.vector_store %arg7[%swap3A, %swap3A_867], %mul3A_866 {strides = array<i32>} : memref<2624x1024xf32, #tpu.memory_space<vmem>>, vector<64x1024xf32>,
      }
      %mul3A_479 = arith.constant 4 : i32
      %mul3A_480 = arith.muli %mul3A_479, %scan3A_130 : i32
      %add3A_481 = arith.constant 2 : i32
      %add3A_482 = arith.addi %mul3A_480, %add3A_481 : i32
      %add3A_483 = arith.constant 3 : i32
      %add3A_484 = arith.addi %add3A_482, %add3A_483 : i32
      %lt3A_485 = arith.constant 32 : i32
      %lt3A_486 = arith.cmpi slt, %add3A_484, %lt3A_485 : i32
      %convert_element_type3A_487 = arith.extui %lt3A_486 : i1 to i32
      %cond3A_488 = arith.constant 0 : i32
      %cond3A_489 = arith.cmpi ne, %convert_element_type3A_487, %cond3A_488 : i32
      scf.if %cond3A_489 {
        %add3A_843 = arith.constant 3 : i32
        %add3A_844 = arith.addi %add3A_482, %add3A_843 : i32
        %mul3A_845 = arith.constant 2 : i32
        %mul3A_846 = arith.muli %mul3A_845, %add3A_844 : i32
        %dma_start3A_847 = arith.constant 1 : i32
        %dma_start3A_848 = arith.constant 1 : i32
        %dma_start3A_849 = arith.constant 0 : i32
        %dma_start3A_850 = tpu.memref_slice %arg12[%dma_start3A_848, %dma_start3A_849] : memref<4x3x!tpu.dma_semaphore, #tpu.memory_space<semaphore_mem>> -> memref<1x1x!tpu.dma_semaphore, #tpu.memory_space<semaphore_mem>>
        %dma_start3A_851 = tpu.memref_squeeze %dma_start3A_850 : memref<1x1x!tpu.dma_semaphore, #tpu.memory_space<semaphore_mem>> -> memref<!tpu.dma_semaphore, #tpu.memory_space<semaphore_mem>>
        %dma_start3A_852 = arith.constant 0 : i32
        %dma_start3A_853 = arith.constant 0 : i32
        %dma_start3A_854 = arith.constant 0 : i32
        %dma_start3A_855 = tpu.memref_slice %arg9[%dma_start3A_847, %dma_start3A_852, %dma_start3A_853, %dma_start3A_854] : memref<4x2x1024x128xf32, #tpu.memory_space<vmem>> -> memref<1x2x1024x128xf32, #tpu.memory_space<vmem>>
        %dma_start3A_856 = tpu.memref_squeeze %dma_start3A_855 : memref<1x2x1024x128xf32, #tpu.memory_space<vmem>> -> memref<2x1024x128xf32, #tpu.memory_space<vmem>>
        %dma_start3A_857 = arith.constant 0 : i32
        %dma_start3A_858 = arith.constant 0 : i32
        %dma_start3A_859 = tpu.memref_slice %arg4[%mul3A_846, %dma_start3A_857, %dma_start3A_858] : memref<64x1024x128xf32, #tpu.memory_space<any>> -> memref<2x1024x128xf32, #tpu.memory_space<any>>
        tpu.enqueue_dma source(%dma_start3A_859 : memref<2x1024x128xf32, #tpu.memory_space<any>>) target(%dma_start3A_856 : memref<2x1024x128xf32, #tpu.memory_space<vmem>>) target_semaphore(%dma_start3A_851 : memref<!tpu.dma_semaphore, #tpu.memory_space<semaphore_mem>>)
        %mul3A_860 = arith.constant 2 : i32
        %mul3A_861 = arith.muli %mul3A_860, %add3A_844 : i32
        %dma_start3A_862 = arith.constant 1 : i32
        %dma_start3A_863 = arith.constant 1 : i32
        %dma_start3A_864 = arith.constant 1 : i32
        %dma_start3A_865 = tpu.memref_slice %arg12[%dma_start3A_863, %dma_start3A_864] : memref<4x3x!tpu.dma_semaphore, #tpu.memory_space<semaphore_mem>> -> memref<1x1x!tpu.dma_semaphore, #tpu.memory_space<semaphore_mem>>
        %dma_start3A_866 = tpu.memref_squeeze %dma_start3A_865 : memref<1x1x!tpu.dma_semaphore, #tpu.memory_space<semaphore_mem>> -> memref<!tpu.dma_semaphore, #tpu.memory_space<semaphore_mem>>
        %dma_start3A_867 = arith.constant 0 : i32
        %dma_start3A_868 = arith.constant 0 : i32
        %dma_start3A_869 = arith.constant 0 : i32
        %dma_start3A_870 = tpu.memref_slice %arg10[%dma_start3A_862, %dma_start3A_867, %dma_start3A_868, %dma_start3A_869] : memref<4x2x1024x128xf32, #tpu.memory_space<vmem>> -> memref<1x2x1024x128xf32, #tpu.memory_space<vmem>>
        %dma_start3A_871 = tpu.memref_squeeze %dma_start3A_870 : memref<1x2x1024x128xf32, #tpu.memory_space<vmem>> -> memref<2x1024x128xf32, #tpu.memory_space<vmem>>
        %dma_start3A_872 = arith.constant 0 : i32
        %dma_start3A_873 = arith.constant 0 : i32
        %dma_start3A_874 = tpu.memref_slice %arg5[%mul3A_861, %dma_start3A_872, %dma_start3A_873] : memref<64x1024x128xf32, #tpu.memory_space<any>> -> memref<2x1024x128xf32, #tpu.memory_space<any>>
        tpu.enqueue_dma source(%dma_start3A_874 : memref<2x1024x128xf32, #tpu.memory_space<any>>) target(%dma_start3A_871 : memref<2x1024x128xf32, #tpu.memory_space<vmem>>) target_semaphore(%dma_start3A_866 : memref<!tpu.dma_semaphore, #tpu.memory_space<semaphore_mem>>)
        %mul3A_875 = arith.constant 2 : i32
        %mul3A_876 = arith.muli %mul3A_875, %add3A_844 : i32
        %dma_start3A_877 = arith.constant 1 : i32
        %dma_start3A_878 = arith.constant 1 : i32
        %dma_start3A_879 = arith.constant 2 : i32
        %dma_start3A_880 = tpu.memref_slice %arg12[%dma_start3A_878, %dma_start3A_879] : memref<4x3x!tpu.dma_semaphore, #tpu.memory_space<semaphore_mem>> -> memref<1x1x!tpu.dma_semaphore, #tpu.memory_space<semaphore_mem>>
        %dma_start3A_881 = tpu.memref_squeeze %dma_start3A_880 : memref<1x1x!tpu.dma_semaphore, #tpu.memory_space<semaphore_mem>> -> memref<!tpu.dma_semaphore, #tpu.memory_space<semaphore_mem>>
        %dma_start3A_882 = arith.constant 0 : i32
        %dma_start3A_883 = arith.constant 0 : i32
        %dma_start3A_884 = arith.constant 0 : i32
        %dma_start3A_885 = tpu.memref_slice %arg11[%dma_start3A_877, %dma_start3A_882, %dma_start3A_883, %dma_start3A_884] : memref<4x2x128x1024xf32, #tpu.memory_space<vmem>> -> memref<1x2x128x1024xf32, #tpu.memory_space<vmem>>
        %dma_start3A_886 = tpu.memref_squeeze %dma_start3A_885 : memref<1x2x128x1024xf32, #tpu.memory_space<vmem>> -> memref<2x128x1024xf32, #tpu.memory_space<vmem>>
        %dma_start3A_887 = arith.constant 0 : i32
        %dma_start3A_888 = arith.constant 0 : i32
        %dma_start3A_889 = tpu.memref_slice %arg6[%mul3A_876, %dma_start3A_887, %dma_start3A_888] : memref<64x128x1024xf32, #tpu.memory_space<any>> -> memref<2x128x1024xf32, #tpu.memory_space<any>>
        tpu.enqueue_dma source(%dma_start3A_889 : memref<2x128x1024xf32, #tpu.memory_space<any>>) target(%dma_start3A_886 : memref<2x128x1024xf32, #tpu.memory_space<vmem>>) target_semaphore(%dma_start3A_881 : memref<!tpu.dma_semaphore, #tpu.memory_space<semaphore_mem>>)
      } else {
      }
      %mul3A_490 = arith.constant 2 : i32
      %mul3A_491 = arith.muli %mul3A_490, %add3A_482 : i32
      %dma_wait3A_492 = arith.constant 2 : i32
      %dma_wait3A_493 = arith.constant 2 : i32
      %dma_wait3A_494 = arith.constant 0 : i32
      %dma_wait3A_495 = tpu.memref_slice %arg12[%dma_wait3A_493, %dma_wait3A_494] : memref<4x3x!tpu.dma_semaphore, #tpu.memory_space<semaphore_mem>> -> memref<1x1x!tpu.dma_semaphore, #tpu.memory_space<semaphore_mem>>
      %dma_wait3A_496 = tpu.memref_squeeze %dma_wait3A_495 : memref<1x1x!tpu.dma_semaphore, #tpu.memory_space<semaphore_mem>> -> memref<!tpu.dma_semaphore, #tpu.memory_space<semaphore_mem>>
      %dma_wait3A_497 = arith.constant 0 : i32
      %dma_wait3A_498 = arith.constant 0 : i32
      %dma_wait3A_499 = arith.constant 0 : i32
      %dma_wait3A_500 = tpu.memref_slice %arg9[%dma_wait3A_492, %dma_wait3A_497, %dma_wait3A_498, %dma_wait3A_499] : memref<4x2x1024x128xf32, #tpu.memory_space<vmem>> -> memref<1x2x1024x128xf32, #tpu.memory_space<vmem>>
      %dma_wait3A_501 = tpu.memref_squeeze %dma_wait3A_500 : memref<1x2x1024x128xf32, #tpu.memory_space<vmem>> -> memref<2x1024x128xf32, #tpu.memory_space<vmem>>
      %dma_wait3A_502 = arith.constant 0 : i32
      %dma_wait3A_503 = arith.constant 0 : i32
      %dma_wait3A_504 = tpu.memref_slice %arg4[%mul3A_491, %dma_wait3A_502, %dma_wait3A_503] : memref<64x1024x128xf32, #tpu.memory_space<any>> -> memref<2x1024x128xf32, #tpu.memory_space<any>>
      tpu.wait_dma2 semaphore(%dma_wait3A_496 : memref<!tpu.dma_semaphore, #tpu.memory_space<semaphore_mem>>) src(%dma_wait3A_504 : memref<2x1024x128xf32, #tpu.memory_space<any>>) dst(%dma_wait3A_501 : memref<2x1024x128xf32, #tpu.memory_space<vmem>>)
      %mul3A_505 = arith.constant 2 : i32
      %mul3A_506 = arith.muli %mul3A_505, %add3A_482 : i32
      %dma_wait3A_507 = arith.constant 2 : i32
      %dma_wait3A_508 = arith.constant 2 : i32
      %dma_wait3A_509 = arith.constant 1 : i32
      %dma_wait3A_510 = tpu.memref_slice %arg12[%dma_wait3A_508, %dma_wait3A_509] : memref<4x3x!tpu.dma_semaphore, #tpu.memory_space<semaphore_mem>> -> memref<1x1x!tpu.dma_semaphore, #tpu.memory_space<semaphore_mem>>
      %dma_wait3A_511 = tpu.memref_squeeze %dma_wait3A_510 : memref<1x1x!tpu.dma_semaphore, #tpu.memory_space<semaphore_mem>> -> memref<!tpu.dma_semaphore, #tpu.memory_space<semaphore_mem>>
      %dma_wait3A_512 = arith.constant 0 : i32
      %dma_wait3A_513 = arith.constant 0 : i32
      %dma_wait3A_514 = arith.constant 0 : i32
      %dma_wait3A_515 = tpu.memref_slice %arg10[%dma_wait3A_507, %dma_wait3A_512, %dma_wait3A_513, %dma_wait3A_514] : memref<4x2x1024x128xf32, #tpu.memory_space<vmem>> -> memref<1x2x1024x128xf32, #tpu.memory_space<vmem>>
      %dma_wait3A_516 = tpu.memref_squeeze %dma_wait3A_515 : memref<1x2x1024x128xf32, #tpu.memory_space<vmem>> -> memref<2x1024x128xf32, #tpu.memory_space<vmem>>
      %dma_wait3A_517 = arith.constant 0 : i32
      %dma_wait3A_518 = arith.constant 0 : i32
      %dma_wait3A_519 = tpu.memref_slice %arg5[%mul3A_506, %dma_wait3A_517, %dma_wait3A_518] : memref<64x1024x128xf32, #tpu.memory_space<any>> -> memref<2x1024x128xf32, #tpu.memory_space<any>>
      tpu.wait_dma2 semaphore(%dma_wait3A_511 : memref<!tpu.dma_semaphore, #tpu.memory_space<semaphore_mem>>) src(%dma_wait3A_519 : memref<2x1024x128xf32, #tpu.memory_space<any>>) dst(%dma_wait3A_516 : memref<2x1024x128xf32, #tpu.memory_space<vmem>>)
      %mul3A_520 = arith.constant 2 : i32
      %mul3A_521 = arith.muli %mul3A_520, %add3A_482 : i32
      %dma_wait3A_522 = arith.constant 2 : i32
      %dma_wait3A_523 = arith.constant 2 : i32
      %dma_wait3A_524 = arith.constant 2 : i32
      %dma_wait3A_525 = tpu.memref_slice %arg12[%dma_wait3A_523, %dma_wait3A_524] : memref<4x3x!tpu.dma_semaphore, #tpu.memory_space<semaphore_mem>> -> memref<1x1x!tpu.dma_semaphore, #tpu.memory_space<semaphore_mem>>
      %dma_wait3A_526 = tpu.memref_squeeze %dma_wait3A_525 : memref<1x1x!tpu.dma_semaphore, #tpu.memory_space<semaphore_mem>> -> memref<!tpu.dma_semaphore, #tpu.memory_space<semaphore_mem>>
      %dma_wait3A_527 = arith.constant 0 : i32
      %dma_wait3A_528 = arith.constant 0 : i32
      %dma_wait3A_529 = arith.constant 0 : i32
      %dma_wait3A_530 = tpu.memref_slice %arg11[%dma_wait3A_522, %dma_wait3A_527, %dma_wait3A_528, %dma_wait3A_529] : memref<4x2x128x1024xf32, #tpu.memory_space<vmem>> -> memref<1x2x128x1024xf32, #tpu.memory_space<vmem>>
      %dma_wait3A_531 = tpu.memref_squeeze %dma_wait3A_530 : memref<1x2x128x1024xf32, #tpu.memory_space<vmem>> -> memref<2x128x1024xf32, #tpu.memory_space<vmem>>
      %dma_wait3A_532 = arith.constant 0 : i32
      %dma_wait3A_533 = arith.constant 0 : i32
      %dma_wait3A_534 = tpu.memref_slice %arg6[%mul3A_521, %dma_wait3A_532, %dma_wait3A_533] : memref<64x128x1024xf32, #tpu.memory_space<any>> -> memref<2x128x1024xf32, #tpu.memory_space<any>>
      tpu.wait_dma2 semaphore(%dma_wait3A_526 : memref<!tpu.dma_semaphore, #tpu.memory_space<semaphore_mem>>) src(%dma_wait3A_534 : memref<2x128x1024xf32, #tpu.memory_space<any>>) dst(%dma_wait3A_531 : memref<2x128x1024xf32, #tpu.memory_space<vmem>>)
      %mul3A_535 = arith.constant 2 : i32
      %mul3A_536 = arith.muli %mul3A_535, %add3A_482 : i32
      %add3A_537 = arith.constant 0 : i32
      %add3A_538 = arith.addi %mul3A_536, %add3A_537 : i32
      %get3A_539 = arith.constant 2 : index
      %get3A_540 = arith.constant 0 : index
      %get3A_541 = arith.constant 0 : index
      %get3A_542 = arith.constant 0 : index
      %get3A_543 = vector.load %arg9[%get3A_539, %get3A_540, %get3A_541, %get3A_542] : memref<4x2x1024x128xf32, #tpu.memory_space<vmem>>, vector<1x1x1024x128xf32>
      %get3A_544 = vector.shape_cast %get3A_543 : vector<1x1x1024x128xf32> to vector<1024x128xf32>
      %get3A_545 = arith.constant 2 : index
      %get3A_546 = arith.constant 0 : index
      %get3A_547 = arith.constant 0 : index
      %get3A_548 = arith.constant 0 : index
      %get3A_549 = vector.load %arg10[%get3A_545, %get3A_546, %get3A_547, %get3A_548] : memref<4x2x1024x128xf32, #tpu.memory_space<vmem>>, vector<1x1x1024x128xf32>
      %get3A_550 = vector.shape_cast %get3A_549 : vector<1x1x1024x128xf32> to vector<1024x128xf32>
      %get3A_551 = arith.constant 2 : index
      %get3A_552 = arith.constant 0 : index
      %get3A_553 = arith.constant 0 : index
      %get3A_554 = arith.constant 0 : index
      %get3A_555 = vector.load %arg11[%get3A_551, %get3A_552, %get3A_553, %get3A_554] : memref<4x2x128x1024xf32, #tpu.memory_space<vmem>>, vector<1x1x128x1024xf32>
      %get3A_556 = vector.shape_cast %get3A_555 : vector<1x1x128x1024xf32> to vector<128x1024xf32>
      %get3A_557 = arith.index_cast %add3A_538 : i32 to index
      %get3A_558 = memref.load %arg0[%get3A_557] : memref<64xi32, #tpu.memory_space<smem>>
      %multiple_of3A_559 = tpu.assume_multiple %get3A_558, 8 : i32
      %get3A_560 = arith.index_cast %add3A_538 : i32 to index
      %get3A_561 = memref.load %arg1[%get3A_560] : memref<64xi32, #tpu.memory_space<smem>>
      %add3A_562 = arith.constant 63 : i32
      %add3A_563 = arith.addi %get3A_561, %add3A_562 : i32
      %jit3A_564 = arith.constant 64 : i32
      %div3A_565 = arith.divsi %add3A_563, %jit3A_564 : i32
      %sign3A_566 = arith.constant 0 : i32
      %sign3A_567 = arith.cmpi sgt, %add3A_563, %sign3A_566 : i32
      %sign3A_568 = arith.extui %sign3A_567 : i1 to i32
      %sign3A_569 = arith.constant 0 : i32
      %sign3A_570 = arith.cmpi slt, %add3A_563, %sign3A_569 : i32
      %sign3A_571 = arith.extui %sign3A_570 : i1 to i32
      %sign3A_572 = arith.subi %sign3A_568, %sign3A_571 : i32
      %sign3A_573 = arith.constant 0 : i32
      %sign3A_574 = arith.cmpi sgt, %jit3A_564, %sign3A_573 : i32
      %sign3A_575 = arith.extui %sign3A_574 : i1 to i32
      %sign3A_576 = arith.constant 0 : i32
      %sign3A_577 = arith.cmpi slt, %jit3A_564, %sign3A_576 : i32
      %sign3A_578 = arith.extui %sign3A_577 : i1 to i32
      %sign3A_579 = arith.subi %sign3A_575, %sign3A_578 : i32
      %ne3A_580 = arith.cmpi ne, %sign3A_572, %sign3A_579 : i32
      %rem3A_581 = arith.remsi %add3A_563, %jit3A_564 : i32
      %ne3A_582 = arith.constant 0 : i32
      %ne3A_583 = arith.cmpi ne, %rem3A_581, %ne3A_582 : i32
      %and3A_584 = arith.andi %ne3A_580, %ne3A_583 : i1
      %sub3A_585 = arith.constant 1 : i32
      %sub3A_586 = arith.subi %div3A_565, %sub3A_585 : i32
      %select_n3A_587 = arith.select %and3A_584, %sub3A_586, %div3A_565 : i32
      %while3A_588 = arith.constant 0 : i32
      %while3A_589 = arith.constant 0 : i32
      %while3A_590 = arith.subi %select_n3A_587, %while3A_589 : i32
      %while3A_591 = arith.addi %while3A_589, %while3A_590 : i32
      %while3A_592 = arith.constant 1 : i32
      %while3A_593 = arith.divsi %while3A_590, %while3A_592 : i32
      %while3A_594 = arith.muli %while3A_593, %while3A_592 : i32
      %while3A_595 = arith.addi %while3A_589, %while3A_594 : i32
      %while3A_596 = arith.constant 1 : i32
      scf.for %while3A_843 = %while3A_589 to %while3A_595 step %while3A_596  : i32 {
        %mul3A_844 = arith.constant 64 : i32
        %mul3A_845 = arith.muli %while3A_843, %mul3A_844 : i32
        %add3A_846 = arith.addi %multiple_of3A_559, %mul3A_845 : i32
        %get3A_847 = arith.index_cast %add3A_846 : i32 to index
        %get3A_848 = arith.constant 0 : index
        %get3A_849 = vector.load %arg8[%get3A_847, %get3A_848] : memref<2624x1024xf32, #tpu.memory_space<vmem>>, vector<64x1024xf32>
        %dot_general3A = arith.constant dense<0.000000e+00> : vector<64x128xf32>
        %dot_general3A_850 = tpu.matmul %get3A_849, %get3A_544, %dot_general3A {dimension_numbers = #tpu.dot_dimension_numbers<[1], [0], [0], [1], [0, 0, 1, 1], [], []>, transpose_lhs_hint = false} : vector<64x1024xf32>, vector<1024x128xf32>, vector<64x128xf32> -> vector<64x128xf32>
        %neg3A = arith.constant 0.000000e+00 : f32
        %neg3A_851 = vector.broadcast %neg3A : f32 to vector<64x128xf32>
        %neg3A_852 = arith.subf %neg3A_851, %dot_general3A_850 : vector<64x128xf32>
        %exp3A = math.exp %neg3A_852 : vector<64x128xf32>
        %add3A_853 = arith.constant 1.000000e+00 : f32
        %add3A_854 = vector.broadcast %add3A_853 : f32 to vector<64x128xf32>
        %add3A_855 = arith.addf %add3A_854, %exp3A : vector<64x128xf32>
        %div3A_856 = arith.constant 1.000000e+00 : f32
        %div3A_857 = vector.broadcast %div3A_856 : f32 to vector<64x128xf32>
        %div3A_858 = arith.divf %div3A_857, %add3A_855 : vector<64x128xf32>
        %mul3A_859 = arith.mulf %dot_general3A_850, %div3A_858 : vector<64x128xf32>
        %dot_general3A_860 = arith.constant dense<0.000000e+00> : vector<64x128xf32>
        %dot_general3A_861 = tpu.matmul %get3A_849, %get3A_550, %dot_general3A_860 {dimension_numbers = #tpu.dot_dimension_numbers<[1], [0], [0], [1], [0, 0, 1, 1], [], []>, transpose_lhs_hint = false} : vector<64x1024xf32>, vector<1024x128xf32>, vector<64x128xf32> -> vector<64x128xf32>
        %mul3A_862 = arith.mulf %mul3A_859, %dot_general3A_861 : vector<64x128xf32>
        %dot_general3A_863 = arith.constant dense<0.000000e+00> : vector<64x1024xf32>
        %dot_general3A_864 = tpu.matmul %mul3A_862, %get3A_556, %dot_general3A_863 {dimension_numbers = #tpu.dot_dimension_numbers<[1], [0], [0], [1], [0, 0, 1, 1], [], []>, transpose_lhs_hint = false} : vector<64x128xf32>, vector<128x1024xf32>, vector<64x1024xf32> -> vector<64x1024xf32>
        %mul3A_865 = vector.broadcast %get3A_125 : f32 to vector<64x1024xf32>
        %mul3A_866 = arith.mulf %dot_general3A_864, %mul3A_865 : vector<64x1024xf32>
        %swap3A = arith.index_cast %add3A_846 : i32 to index
        %swap3A_867 = arith.constant 0 : index
        %swap3A_868 = vector.load %arg7[%swap3A, %swap3A_867] : memref<2624x1024xf32, #tpu.memory_space<vmem>>, vector<64x1024xf32>
        tpu.vector_store %arg7[%swap3A, %swap3A_867], %mul3A_866 {strides = array<i32>} : memref<2624x1024xf32, #tpu.memory_space<vmem>>, vector<64x1024xf32>,
      }
      %while3A_597 = arith.constant 1 : i32
      scf.for %while3A_843 = %while3A_595 to %while3A_591 step %while3A_597  : i32 {
        %mul3A_844 = arith.constant 64 : i32
        %mul3A_845 = arith.muli %while3A_843, %mul3A_844 : i32
        %add3A_846 = arith.addi %multiple_of3A_559, %mul3A_845 : i32
        %get3A_847 = arith.index_cast %add3A_846 : i32 to index
        %get3A_848 = arith.constant 0 : index
        %get3A_849 = vector.load %arg8[%get3A_847, %get3A_848] : memref<2624x1024xf32, #tpu.memory_space<vmem>>, vector<64x1024xf32>
        %dot_general3A = arith.constant dense<0.000000e+00> : vector<64x128xf32>
        %dot_general3A_850 = tpu.matmul %get3A_849, %get3A_544, %dot_general3A {dimension_numbers = #tpu.dot_dimension_numbers<[1], [0], [0], [1], [0, 0, 1, 1], [], []>, transpose_lhs_hint = false} : vector<64x1024xf32>, vector<1024x128xf32>, vector<64x128xf32> -> vector<64x128xf32>
        %neg3A = arith.constant 0.000000e+00 : f32
        %neg3A_851 = vector.broadcast %neg3A : f32 to vector<64x128xf32>
        %neg3A_852 = arith.subf %neg3A_851, %dot_general3A_850 : vector<64x128xf32>
        %exp3A = math.exp %neg3A_852 : vector<64x128xf32>
        %add3A_853 = arith.constant 1.000000e+00 : f32
        %add3A_854 = vector.broadcast %add3A_853 : f32 to vector<64x128xf32>
        %add3A_855 = arith.addf %add3A_854, %exp3A : vector<64x128xf32>
        %div3A_856 = arith.constant 1.000000e+00 : f32
        %div3A_857 = vector.broadcast %div3A_856 : f32 to vector<64x128xf32>
        %div3A_858 = arith.divf %div3A_857, %add3A_855 : vector<64x128xf32>
        %mul3A_859 = arith.mulf %dot_general3A_850, %div3A_858 : vector<64x128xf32>
        %dot_general3A_860 = arith.constant dense<0.000000e+00> : vector<64x128xf32>
        %dot_general3A_861 = tpu.matmul %get3A_849, %get3A_550, %dot_general3A_860 {dimension_numbers = #tpu.dot_dimension_numbers<[1], [0], [0], [1], [0, 0, 1, 1], [], []>, transpose_lhs_hint = false} : vector<64x1024xf32>, vector<1024x128xf32>, vector<64x128xf32> -> vector<64x128xf32>
        %mul3A_862 = arith.mulf %mul3A_859, %dot_general3A_861 : vector<64x128xf32>
        %dot_general3A_863 = arith.constant dense<0.000000e+00> : vector<64x1024xf32>
        %dot_general3A_864 = tpu.matmul %mul3A_862, %get3A_556, %dot_general3A_863 {dimension_numbers = #tpu.dot_dimension_numbers<[1], [0], [0], [1], [0, 0, 1, 1], [], []>, transpose_lhs_hint = false} : vector<64x128xf32>, vector<128x1024xf32>, vector<64x1024xf32> -> vector<64x1024xf32>
        %mul3A_865 = vector.broadcast %get3A_125 : f32 to vector<64x1024xf32>
        %mul3A_866 = arith.mulf %dot_general3A_864, %mul3A_865 : vector<64x1024xf32>
        %swap3A = arith.index_cast %add3A_846 : i32 to index
        %swap3A_867 = arith.constant 0 : index
        %swap3A_868 = vector.load %arg7[%swap3A, %swap3A_867] : memref<2624x1024xf32, #tpu.memory_space<vmem>>, vector<64x1024xf32>
        tpu.vector_store %arg7[%swap3A, %swap3A_867], %mul3A_866 {strides = array<i32>} : memref<2624x1024xf32, #tpu.memory_space<vmem>>, vector<64x1024xf32>,
      }
      %mul3A_598 = arith.constant 2 : i32
      %mul3A_599 = arith.muli %mul3A_598, %add3A_482 : i32
      %add3A_600 = arith.constant 1 : i32
      %add3A_601 = arith.addi %mul3A_599, %add3A_600 : i32
      %get3A_602 = arith.constant 2 : index
      %get3A_603 = arith.constant 1 : index
      %get3A_604 = arith.constant 0 : index
      %get3A_605 = arith.constant 0 : index
      %get3A_606 = vector.load %arg9[%get3A_602, %get3A_603, %get3A_604, %get3A_605] : memref<4x2x1024x128xf32, #tpu.memory_space<vmem>>, vector<1x1x1024x128xf32>
      %get3A_607 = vector.shape_cast %get3A_606 : vector<1x1x1024x128xf32> to vector<1024x128xf32>
      %get3A_608 = arith.constant 2 : index
      %get3A_609 = arith.constant 1 : index
      %get3A_610 = arith.constant 0 : index
      %get3A_611 = arith.constant 0 : index
      %get3A_612 = vector.load %arg10[%get3A_608, %get3A_609, %get3A_610, %get3A_611] : memref<4x2x1024x128xf32, #tpu.memory_space<vmem>>, vector<1x1x1024x128xf32>
      %get3A_613 = vector.shape_cast %get3A_612 : vector<1x1x1024x128xf32> to vector<1024x128xf32>
      %get3A_614 = arith.constant 2 : index
      %get3A_615 = arith.constant 1 : index
      %get3A_616 = arith.constant 0 : index
      %get3A_617 = arith.constant 0 : index
      %get3A_618 = vector.load %arg11[%get3A_614, %get3A_615, %get3A_616, %get3A_617] : memref<4x2x128x1024xf32, #tpu.memory_space<vmem>>, vector<1x1x128x1024xf32>
      %get3A_619 = vector.shape_cast %get3A_618 : vector<1x1x128x1024xf32> to vector<128x1024xf32>
      %get3A_620 = arith.index_cast %add3A_601 : i32 to index
      %get3A_621 = memref.load %arg0[%get3A_620] : memref<64xi32, #tpu.memory_space<smem>>
      %multiple_of3A_622 = tpu.assume_multiple %get3A_621, 8 : i32
      %get3A_623 = arith.index_cast %add3A_601 : i32 to index
      %get3A_624 = memref.load %arg1[%get3A_623] : memref<64xi32, #tpu.memory_space<smem>>
      %add3A_625 = arith.constant 63 : i32
      %add3A_626 = arith.addi %get3A_624, %add3A_625 : i32
      %jit3A_627 = arith.constant 64 : i32
      %div3A_628 = arith.divsi %add3A_626, %jit3A_627 : i32
      %sign3A_629 = arith.constant 0 : i32
      %sign3A_630 = arith.cmpi sgt, %add3A_626, %sign3A_629 : i32
      %sign3A_631 = arith.extui %sign3A_630 : i1 to i32
      %sign3A_632 = arith.constant 0 : i32
      %sign3A_633 = arith.cmpi slt, %add3A_626, %sign3A_632 : i32
      %sign3A_634 = arith.extui %sign3A_633 : i1 to i32
      %sign3A_635 = arith.subi %sign3A_631, %sign3A_634 : i32
      %sign3A_636 = arith.constant 0 : i32
      %sign3A_637 = arith.cmpi sgt, %jit3A_627, %sign3A_636 : i32
      %sign3A_638 = arith.extui %sign3A_637 : i1 to i32
      %sign3A_639 = arith.constant 0 : i32
      %sign3A_640 = arith.cmpi slt, %jit3A_627, %sign3A_639 : i32
      %sign3A_641 = arith.extui %sign3A_640 : i1 to i32
      %sign3A_642 = arith.subi %sign3A_638, %sign3A_641 : i32
      %ne3A_643 = arith.cmpi ne, %sign3A_635, %sign3A_642 : i32
      %rem3A_644 = arith.remsi %add3A_626, %jit3A_627 : i32
      %ne3A_645 = arith.constant 0 : i32
      %ne3A_646 = arith.cmpi ne, %rem3A_644, %ne3A_645 : i32
      %and3A_647 = arith.andi %ne3A_643, %ne3A_646 : i1
      %sub3A_648 = arith.constant 1 : i32
      %sub3A_649 = arith.subi %div3A_628, %sub3A_648 : i32
      %select_n3A_650 = arith.select %and3A_647, %sub3A_649, %div3A_628 : i32
      %while3A_651 = arith.constant 0 : i32
      %while3A_652 = arith.constant 0 : i32
      %while3A_653 = arith.subi %select_n3A_650, %while3A_652 : i32
      %while3A_654 = arith.addi %while3A_652, %while3A_653 : i32
      %while3A_655 = arith.constant 1 : i32
      %while3A_656 = arith.divsi %while3A_653, %while3A_655 : i32
      %while3A_657 = arith.muli %while3A_656, %while3A_655 : i32
      %while3A_658 = arith.addi %while3A_652, %while3A_657 : i32
      %while3A_659 = arith.constant 1 : i32
      scf.for %while3A_843 = %while3A_652 to %while3A_658 step %while3A_659  : i32 {
        %mul3A_844 = arith.constant 64 : i32
        %mul3A_845 = arith.muli %while3A_843, %mul3A_844 : i32
        %add3A_846 = arith.addi %multiple_of3A_622, %mul3A_845 : i32
        %get3A_847 = arith.index_cast %add3A_846 : i32 to index
        %get3A_848 = arith.constant 0 : index
        %get3A_849 = vector.load %arg8[%get3A_847, %get3A_848] : memref<2624x1024xf32, #tpu.memory_space<vmem>>, vector<64x1024xf32>
        %dot_general3A = arith.constant dense<0.000000e+00> : vector<64x128xf32>
        %dot_general3A_850 = tpu.matmul %get3A_849, %get3A_607, %dot_general3A {dimension_numbers = #tpu.dot_dimension_numbers<[1], [0], [0], [1], [0, 0, 1, 1], [], []>, transpose_lhs_hint = false} : vector<64x1024xf32>, vector<1024x128xf32>, vector<64x128xf32> -> vector<64x128xf32>
        %neg3A = arith.constant 0.000000e+00 : f32
        %neg3A_851 = vector.broadcast %neg3A : f32 to vector<64x128xf32>
        %neg3A_852 = arith.subf %neg3A_851, %dot_general3A_850 : vector<64x128xf32>
        %exp3A = math.exp %neg3A_852 : vector<64x128xf32>
        %add3A_853 = arith.constant 1.000000e+00 : f32
        %add3A_854 = vector.broadcast %add3A_853 : f32 to vector<64x128xf32>
        %add3A_855 = arith.addf %add3A_854, %exp3A : vector<64x128xf32>
        %div3A_856 = arith.constant 1.000000e+00 : f32
        %div3A_857 = vector.broadcast %div3A_856 : f32 to vector<64x128xf32>
        %div3A_858 = arith.divf %div3A_857, %add3A_855 : vector<64x128xf32>
        %mul3A_859 = arith.mulf %dot_general3A_850, %div3A_858 : vector<64x128xf32>
        %dot_general3A_860 = arith.constant dense<0.000000e+00> : vector<64x128xf32>
        %dot_general3A_861 = tpu.matmul %get3A_849, %get3A_613, %dot_general3A_860 {dimension_numbers = #tpu.dot_dimension_numbers<[1], [0], [0], [1], [0, 0, 1, 1], [], []>, transpose_lhs_hint = false} : vector<64x1024xf32>, vector<1024x128xf32>, vector<64x128xf32> -> vector<64x128xf32>
        %mul3A_862 = arith.mulf %mul3A_859, %dot_general3A_861 : vector<64x128xf32>
        %dot_general3A_863 = arith.constant dense<0.000000e+00> : vector<64x1024xf32>
        %dot_general3A_864 = tpu.matmul %mul3A_862, %get3A_619, %dot_general3A_863 {dimension_numbers = #tpu.dot_dimension_numbers<[1], [0], [0], [1], [0, 0, 1, 1], [], []>, transpose_lhs_hint = false} : vector<64x128xf32>, vector<128x1024xf32>, vector<64x1024xf32> -> vector<64x1024xf32>
        %mul3A_865 = vector.broadcast %get3A_125 : f32 to vector<64x1024xf32>
        %mul3A_866 = arith.mulf %dot_general3A_864, %mul3A_865 : vector<64x1024xf32>
        %swap3A = arith.index_cast %add3A_846 : i32 to index
        %swap3A_867 = arith.constant 0 : index
        %swap3A_868 = vector.load %arg7[%swap3A, %swap3A_867] : memref<2624x1024xf32, #tpu.memory_space<vmem>>, vector<64x1024xf32>
        tpu.vector_store %arg7[%swap3A, %swap3A_867], %mul3A_866 {strides = array<i32>} : memref<2624x1024xf32, #tpu.memory_space<vmem>>, vector<64x1024xf32>,
      }
      %while3A_660 = arith.constant 1 : i32
      scf.for %while3A_843 = %while3A_658 to %while3A_654 step %while3A_660  : i32 {
        %mul3A_844 = arith.constant 64 : i32
        %mul3A_845 = arith.muli %while3A_843, %mul3A_844 : i32
        %add3A_846 = arith.addi %multiple_of3A_622, %mul3A_845 : i32
        %get3A_847 = arith.index_cast %add3A_846 : i32 to index
        %get3A_848 = arith.constant 0 : index
        %get3A_849 = vector.load %arg8[%get3A_847, %get3A_848] : memref<2624x1024xf32, #tpu.memory_space<vmem>>, vector<64x1024xf32>
        %dot_general3A = arith.constant dense<0.000000e+00> : vector<64x128xf32>
        %dot_general3A_850 = tpu.matmul %get3A_849, %get3A_607, %dot_general3A {dimension_numbers = #tpu.dot_dimension_numbers<[1], [0], [0], [1], [0, 0, 1, 1], [], []>, transpose_lhs_hint = false} : vector<64x1024xf32>, vector<1024x128xf32>, vector<64x128xf32> -> vector<64x128xf32>
        %neg3A = arith.constant 0.000000e+00 : f32
        %neg3A_851 = vector.broadcast %neg3A : f32 to vector<64x128xf32>
        %neg3A_852 = arith.subf %neg3A_851, %dot_general3A_850 : vector<64x128xf32>
        %exp3A = math.exp %neg3A_852 : vector<64x128xf32>
        %add3A_853 = arith.constant 1.000000e+00 : f32
        %add3A_854 = vector.broadcast %add3A_853 : f32 to vector<64x128xf32>
        %add3A_855 = arith.addf %add3A_854, %exp3A : vector<64x128xf32>
        %div3A_856 = arith.constant 1.000000e+00 : f32
        %div3A_857 = vector.broadcast %div3A_856 : f32 to vector<64x128xf32>
        %div3A_858 = arith.divf %div3A_857, %add3A_855 : vector<64x128xf32>
        %mul3A_859 = arith.mulf %dot_general3A_850, %div3A_858 : vector<64x128xf32>
        %dot_general3A_860 = arith.constant dense<0.000000e+00> : vector<64x128xf32>
        %dot_general3A_861 = tpu.matmul %get3A_849, %get3A_613, %dot_general3A_860 {dimension_numbers = #tpu.dot_dimension_numbers<[1], [0], [0], [1], [0, 0, 1, 1], [], []>, transpose_lhs_hint = false} : vector<64x1024xf32>, vector<1024x128xf32>, vector<64x128xf32> -> vector<64x128xf32>
        %mul3A_862 = arith.mulf %mul3A_859, %dot_general3A_861 : vector<64x128xf32>
        %dot_general3A_863 = arith.constant dense<0.000000e+00> : vector<64x1024xf32>
        %dot_general3A_864 = tpu.matmul %mul3A_862, %get3A_619, %dot_general3A_863 {dimension_numbers = #tpu.dot_dimension_numbers<[1], [0], [0], [1], [0, 0, 1, 1], [], []>, transpose_lhs_hint = false} : vector<64x128xf32>, vector<128x1024xf32>, vector<64x1024xf32> -> vector<64x1024xf32>
        %mul3A_865 = vector.broadcast %get3A_125 : f32 to vector<64x1024xf32>
        %mul3A_866 = arith.mulf %dot_general3A_864, %mul3A_865 : vector<64x1024xf32>
        %swap3A = arith.index_cast %add3A_846 : i32 to index
        %swap3A_867 = arith.constant 0 : index
        %swap3A_868 = vector.load %arg7[%swap3A, %swap3A_867] : memref<2624x1024xf32, #tpu.memory_space<vmem>>, vector<64x1024xf32>
        tpu.vector_store %arg7[%swap3A, %swap3A_867], %mul3A_866 {strides = array<i32>} : memref<2624x1024xf32, #tpu.memory_space<vmem>>, vector<64x1024xf32>,
      }
      %mul3A_661 = arith.constant 4 : i32
      %mul3A_662 = arith.muli %mul3A_661, %scan3A_130 : i32
      %add3A_663 = arith.constant 3 : i32
      %add3A_664 = arith.addi %mul3A_662, %add3A_663 : i32
      %add3A_665 = arith.constant 3 : i32
      %add3A_666 = arith.addi %add3A_664, %add3A_665 : i32
      %lt3A_667 = arith.constant 32 : i32
      %lt3A_668 = arith.cmpi slt, %add3A_666, %lt3A_667 : i32
      %convert_element_type3A_669 = arith.extui %lt3A_668 : i1 to i32
      %cond3A_670 = arith.constant 0 : i32
      %cond3A_671 = arith.cmpi ne, %convert_element_type3A_669, %cond3A_670 : i32
      scf.if %cond3A_671 {
        %add3A_843 = arith.constant 3 : i32
        %add3A_844 = arith.addi %add3A_664, %add3A_843 : i32
        %mul3A_845 = arith.constant 2 : i32
        %mul3A_846 = arith.muli %mul3A_845, %add3A_844 : i32
        %dma_start3A_847 = arith.constant 2 : i32
        %dma_start3A_848 = arith.constant 2 : i32
        %dma_start3A_849 = arith.constant 0 : i32
        %dma_start3A_850 = tpu.memref_slice %arg12[%dma_start3A_848, %dma_start3A_849] : memref<4x3x!tpu.dma_semaphore, #tpu.memory_space<semaphore_mem>> -> memref<1x1x!tpu.dma_semaphore, #tpu.memory_space<semaphore_mem>>
        %dma_start3A_851 = tpu.memref_squeeze %dma_start3A_850 : memref<1x1x!tpu.dma_semaphore, #tpu.memory_space<semaphore_mem>> -> memref<!tpu.dma_semaphore, #tpu.memory_space<semaphore_mem>>
        %dma_start3A_852 = arith.constant 0 : i32
        %dma_start3A_853 = arith.constant 0 : i32
        %dma_start3A_854 = arith.constant 0 : i32
        %dma_start3A_855 = tpu.memref_slice %arg9[%dma_start3A_847, %dma_start3A_852, %dma_start3A_853, %dma_start3A_854] : memref<4x2x1024x128xf32, #tpu.memory_space<vmem>> -> memref<1x2x1024x128xf32, #tpu.memory_space<vmem>>
        %dma_start3A_856 = tpu.memref_squeeze %dma_start3A_855 : memref<1x2x1024x128xf32, #tpu.memory_space<vmem>> -> memref<2x1024x128xf32, #tpu.memory_space<vmem>>
        %dma_start3A_857 = arith.constant 0 : i32
        %dma_start3A_858 = arith.constant 0 : i32
        %dma_start3A_859 = tpu.memref_slice %arg4[%mul3A_846, %dma_start3A_857, %dma_start3A_858] : memref<64x1024x128xf32, #tpu.memory_space<any>> -> memref<2x1024x128xf32, #tpu.memory_space<any>>
        tpu.enqueue_dma source(%dma_start3A_859 : memref<2x1024x128xf32, #tpu.memory_space<any>>) target(%dma_start3A_856 : memref<2x1024x128xf32, #tpu.memory_space<vmem>>) target_semaphore(%dma_start3A_851 : memref<!tpu.dma_semaphore, #tpu.memory_space<semaphore_mem>>)
        %mul3A_860 = arith.constant 2 : i32
        %mul3A_861 = arith.muli %mul3A_860, %add3A_844 : i32
        %dma_start3A_862 = arith.constant 2 : i32
        %dma_start3A_863 = arith.constant 2 : i32
        %dma_start3A_864 = arith.constant 1 : i32
        %dma_start3A_865 = tpu.memref_slice %arg12[%dma_start3A_863, %dma_start3A_864] : memref<4x3x!tpu.dma_semaphore, #tpu.memory_space<semaphore_mem>> -> memref<1x1x!tpu.dma_semaphore, #tpu.memory_space<semaphore_mem>>
        %dma_start3A_866 = tpu.memref_squeeze %dma_start3A_865 : memref<1x1x!tpu.dma_semaphore, #tpu.memory_space<semaphore_mem>> -> memref<!tpu.dma_semaphore, #tpu.memory_space<semaphore_mem>>
        %dma_start3A_867 = arith.constant 0 : i32
        %dma_start3A_868 = arith.constant 0 : i32
        %dma_start3A_869 = arith.constant 0 : i32
        %dma_start3A_870 = tpu.memref_slice %arg10[%dma_start3A_862, %dma_start3A_867, %dma_start3A_868, %dma_start3A_869] : memref<4x2x1024x128xf32, #tpu.memory_space<vmem>> -> memref<1x2x1024x128xf32, #tpu.memory_space<vmem>>
        %dma_start3A_871 = tpu.memref_squeeze %dma_start3A_870 : memref<1x2x1024x128xf32, #tpu.memory_space<vmem>> -> memref<2x1024x128xf32, #tpu.memory_space<vmem>>
        %dma_start3A_872 = arith.constant 0 : i32
        %dma_start3A_873 = arith.constant 0 : i32
        %dma_start3A_874 = tpu.memref_slice %arg5[%mul3A_861, %dma_start3A_872, %dma_start3A_873] : memref<64x1024x128xf32, #tpu.memory_space<any>> -> memref<2x1024x128xf32, #tpu.memory_space<any>>
        tpu.enqueue_dma source(%dma_start3A_874 : memref<2x1024x128xf32, #tpu.memory_space<any>>) target(%dma_start3A_871 : memref<2x1024x128xf32, #tpu.memory_space<vmem>>) target_semaphore(%dma_start3A_866 : memref<!tpu.dma_semaphore, #tpu.memory_space<semaphore_mem>>)
        %mul3A_875 = arith.constant 2 : i32
        %mul3A_876 = arith.muli %mul3A_875, %add3A_844 : i32
        %dma_start3A_877 = arith.constant 2 : i32
        %dma_start3A_878 = arith.constant 2 : i32
        %dma_start3A_879 = arith.constant 2 : i32
        %dma_start3A_880 = tpu.memref_slice %arg12[%dma_start3A_878, %dma_start3A_879] : memref<4x3x!tpu.dma_semaphore, #tpu.memory_space<semaphore_mem>> -> memref<1x1x!tpu.dma_semaphore, #tpu.memory_space<semaphore_mem>>
        %dma_start3A_881 = tpu.memref_squeeze %dma_start3A_880 : memref<1x1x!tpu.dma_semaphore, #tpu.memory_space<semaphore_mem>> -> memref<!tpu.dma_semaphore, #tpu.memory_space<semaphore_mem>>
        %dma_start3A_882 = arith.constant 0 : i32
        %dma_start3A_883 = arith.constant 0 : i32
        %dma_start3A_884 = arith.constant 0 : i32
        %dma_start3A_885 = tpu.memref_slice %arg11[%dma_start3A_877, %dma_start3A_882, %dma_start3A_883, %dma_start3A_884] : memref<4x2x128x1024xf32, #tpu.memory_space<vmem>> -> memref<1x2x128x1024xf32, #tpu.memory_space<vmem>>
        %dma_start3A_886 = tpu.memref_squeeze %dma_start3A_885 : memref<1x2x128x1024xf32, #tpu.memory_space<vmem>> -> memref<2x128x1024xf32, #tpu.memory_space<vmem>>
        %dma_start3A_887 = arith.constant 0 : i32
        %dma_start3A_888 = arith.constant 0 : i32
        %dma_start3A_889 = tpu.memref_slice %arg6[%mul3A_876, %dma_start3A_887, %dma_start3A_888] : memref<64x128x1024xf32, #tpu.memory_space<any>> -> memref<2x128x1024xf32, #tpu.memory_space<any>>
        tpu.enqueue_dma source(%dma_start3A_889 : memref<2x128x1024xf32, #tpu.memory_space<any>>) target(%dma_start3A_886 : memref<2x128x1024xf32, #tpu.memory_space<vmem>>) target_semaphore(%dma_start3A_881 : memref<!tpu.dma_semaphore, #tpu.memory_space<semaphore_mem>>)
      } else {
      }
      %mul3A_672 = arith.constant 2 : i32
      %mul3A_673 = arith.muli %mul3A_672, %add3A_664 : i32
      %dma_wait3A_674 = arith.constant 3 : i32
      %dma_wait3A_675 = arith.constant 3 : i32
      %dma_wait3A_676 = arith.constant 0 : i32
      %dma_wait3A_677 = tpu.memref_slice %arg12[%dma_wait3A_675, %dma_wait3A_676] : memref<4x3x!tpu.dma_semaphore, #tpu.memory_space<semaphore_mem>> -> memref<1x1x!tpu.dma_semaphore, #tpu.memory_space<semaphore_mem>>
      %dma_wait3A_678 = tpu.memref_squeeze %dma_wait3A_677 : memref<1x1x!tpu.dma_semaphore, #tpu.memory_space<semaphore_mem>> -> memref<!tpu.dma_semaphore, #tpu.memory_space<semaphore_mem>>
      %dma_wait3A_679 = arith.constant 0 : i32
      %dma_wait3A_680 = arith.constant 0 : i32
      %dma_wait3A_681 = arith.constant 0 : i32
      %dma_wait3A_682 = tpu.memref_slice %arg9[%dma_wait3A_674, %dma_wait3A_679, %dma_wait3A_680, %dma_wait3A_681] : memref<4x2x1024x128xf32, #tpu.memory_space<vmem>> -> memref<1x2x1024x128xf32, #tpu.memory_space<vmem>>
      %dma_wait3A_683 = tpu.memref_squeeze %dma_wait3A_682 : memref<1x2x1024x128xf32, #tpu.memory_space<vmem>> -> memref<2x1024x128xf32, #tpu.memory_space<vmem>>
      %dma_wait3A_684 = arith.constant 0 : i32
      %dma_wait3A_685 = arith.constant 0 : i32
      %dma_wait3A_686 = tpu.memref_slice %arg4[%mul3A_673, %dma_wait3A_684, %dma_wait3A_685] : memref<64x1024x128xf32, #tpu.memory_space<any>> -> memref<2x1024x128xf32, #tpu.memory_space<any>>
      tpu.wait_dma2 semaphore(%dma_wait3A_678 : memref<!tpu.dma_semaphore, #tpu.memory_space<semaphore_mem>>) src(%dma_wait3A_686 : memref<2x1024x128xf32, #tpu.memory_space<any>>) dst(%dma_wait3A_683 : memref<2x1024x128xf32, #tpu.memory_space<vmem>>)
      %mul3A_687 = arith.constant 2 : i32
      %mul3A_688 = arith.muli %mul3A_687, %add3A_664 : i32
      %dma_wait3A_689 = arith.constant 3 : i32
      %dma_wait3A_690 = arith.constant 3 : i32
      %dma_wait3A_691 = arith.constant 1 : i32
      %dma_wait3A_692 = tpu.memref_slice %arg12[%dma_wait3A_690, %dma_wait3A_691] : memref<4x3x!tpu.dma_semaphore, #tpu.memory_space<semaphore_mem>> -> memref<1x1x!tpu.dma_semaphore, #tpu.memory_space<semaphore_mem>>
      %dma_wait3A_693 = tpu.memref_squeeze %dma_wait3A_692 : memref<1x1x!tpu.dma_semaphore, #tpu.memory_space<semaphore_mem>> -> memref<!tpu.dma_semaphore, #tpu.memory_space<semaphore_mem>>
      %dma_wait3A_694 = arith.constant 0 : i32
      %dma_wait3A_695 = arith.constant 0 : i32
      %dma_wait3A_696 = arith.constant 0 : i32
      %dma_wait3A_697 = tpu.memref_slice %arg10[%dma_wait3A_689, %dma_wait3A_694, %dma_wait3A_695, %dma_wait3A_696] : memref<4x2x1024x128xf32, #tpu.memory_space<vmem>> -> memref<1x2x1024x128xf32, #tpu.memory_space<vmem>>
      %dma_wait3A_698 = tpu.memref_squeeze %dma_wait3A_697 : memref<1x2x1024x128xf32, #tpu.memory_space<vmem>> -> memref<2x1024x128xf32, #tpu.memory_space<vmem>>
      %dma_wait3A_699 = arith.constant 0 : i32
      %dma_wait3A_700 = arith.constant 0 : i32
      %dma_wait3A_701 = tpu.memref_slice %arg5[%mul3A_688, %dma_wait3A_699, %dma_wait3A_700] : memref<64x1024x128xf32, #tpu.memory_space<any>> -> memref<2x1024x128xf32, #tpu.memory_space<any>>
      tpu.wait_dma2 semaphore(%dma_wait3A_693 : memref<!tpu.dma_semaphore, #tpu.memory_space<semaphore_mem>>) src(%dma_wait3A_701 : memref<2x1024x128xf32, #tpu.memory_space<any>>) dst(%dma_wait3A_698 : memref<2x1024x128xf32, #tpu.memory_space<vmem>>)
      %mul3A_702 = arith.constant 2 : i32
      %mul3A_703 = arith.muli %mul3A_702, %add3A_664 : i32
      %dma_wait3A_704 = arith.constant 3 : i32
      %dma_wait3A_705 = arith.constant 3 : i32
      %dma_wait3A_706 = arith.constant 2 : i32
      %dma_wait3A_707 = tpu.memref_slice %arg12[%dma_wait3A_705, %dma_wait3A_706] : memref<4x3x!tpu.dma_semaphore, #tpu.memory_space<semaphore_mem>> -> memref<1x1x!tpu.dma_semaphore, #tpu.memory_space<semaphore_mem>>
      %dma_wait3A_708 = tpu.memref_squeeze %dma_wait3A_707 : memref<1x1x!tpu.dma_semaphore, #tpu.memory_space<semaphore_mem>> -> memref<!tpu.dma_semaphore, #tpu.memory_space<semaphore_mem>>
      %dma_wait3A_709 = arith.constant 0 : i32
      %dma_wait3A_710 = arith.constant 0 : i32
      %dma_wait3A_711 = arith.constant 0 : i32
      %dma_wait3A_712 = tpu.memref_slice %arg11[%dma_wait3A_704, %dma_wait3A_709, %dma_wait3A_710, %dma_wait3A_711] : memref<4x2x128x1024xf32, #tpu.memory_space<vmem>> -> memref<1x2x128x1024xf32, #tpu.memory_space<vmem>>
      %dma_wait3A_713 = tpu.memref_squeeze %dma_wait3A_712 : memref<1x2x128x1024xf32, #tpu.memory_space<vmem>> -> memref<2x128x1024xf32, #tpu.memory_space<vmem>>
      %dma_wait3A_714 = arith.constant 0 : i32
      %dma_wait3A_715 = arith.constant 0 : i32
      %dma_wait3A_716 = tpu.memref_slice %arg6[%mul3A_703, %dma_wait3A_714, %dma_wait3A_715] : memref<64x128x1024xf32, #tpu.memory_space<any>> -> memref<2x128x1024xf32, #tpu.memory_space<any>>
      tpu.wait_dma2 semaphore(%dma_wait3A_708 : memref<!tpu.dma_semaphore, #tpu.memory_space<semaphore_mem>>) src(%dma_wait3A_716 : memref<2x128x1024xf32, #tpu.memory_space<any>>) dst(%dma_wait3A_713 : memref<2x128x1024xf32, #tpu.memory_space<vmem>>)
      %mul3A_717 = arith.constant 2 : i32
      %mul3A_718 = arith.muli %mul3A_717, %add3A_664 : i32
      %add3A_719 = arith.constant 0 : i32
      %add3A_720 = arith.addi %mul3A_718, %add3A_719 : i32
      %get3A_721 = arith.constant 3 : index
      %get3A_722 = arith.constant 0 : index
      %get3A_723 = arith.constant 0 : index
      %get3A_724 = arith.constant 0 : index
      %get3A_725 = vector.load %arg9[%get3A_721, %get3A_722, %get3A_723, %get3A_724] : memref<4x2x1024x128xf32, #tpu.memory_space<vmem>>, vector<1x1x1024x128xf32>
      %get3A_726 = vector.shape_cast %get3A_725 : vector<1x1x1024x128xf32> to vector<1024x128xf32>
      %get3A_727 = arith.constant 3 : index
      %get3A_728 = arith.constant 0 : index
      %get3A_729 = arith.constant 0 : index
      %get3A_730 = arith.constant 0 : index
      %get3A_731 = vector.load %arg10[%get3A_727, %get3A_728, %get3A_729, %get3A_730] : memref<4x2x1024x128xf32, #tpu.memory_space<vmem>>, vector<1x1x1024x128xf32>
      %get3A_732 = vector.shape_cast %get3A_731 : vector<1x1x1024x128xf32> to vector<1024x128xf32>
      %get3A_733 = arith.constant 3 : index
      %get3A_734 = arith.constant 0 : index
      %get3A_735 = arith.constant 0 : index
      %get3A_736 = arith.constant 0 : index
      %get3A_737 = vector.load %arg11[%get3A_733, %get3A_734, %get3A_735, %get3A_736] : memref<4x2x128x1024xf32, #tpu.memory_space<vmem>>, vector<1x1x128x1024xf32>
      %get3A_738 = vector.shape_cast %get3A_737 : vector<1x1x128x1024xf32> to vector<128x1024xf32>
      %get3A_739 = arith.index_cast %add3A_720 : i32 to index
      %get3A_740 = memref.load %arg0[%get3A_739] : memref<64xi32, #tpu.memory_space<smem>>
      %multiple_of3A_741 = tpu.assume_multiple %get3A_740, 8 : i32
      %get3A_742 = arith.index_cast %add3A_720 : i32 to index
      %get3A_743 = memref.load %arg1[%get3A_742] : memref<64xi32, #tpu.memory_space<smem>>
      %add3A_744 = arith.constant 63 : i32
      %add3A_745 = arith.addi %get3A_743, %add3A_744 : i32
      %jit3A_746 = arith.constant 64 : i32
      %div3A_747 = arith.divsi %add3A_745, %jit3A_746 : i32
      %sign3A_748 = arith.constant 0 : i32
      %sign3A_749 = arith.cmpi sgt, %add3A_745, %sign3A_748 : i32
      %sign3A_750 = arith.extui %sign3A_749 : i1 to i32
      %sign3A_751 = arith.constant 0 : i32
      %sign3A_752 = arith.cmpi slt, %add3A_745, %sign3A_751 : i32
      %sign3A_753 = arith.extui %sign3A_752 : i1 to i32
      %sign3A_754 = arith.subi %sign3A_750, %sign3A_753 : i32
      %sign3A_755 = arith.constant 0 : i32
      %sign3A_756 = arith.cmpi sgt, %jit3A_746, %sign3A_755 : i32
      %sign3A_757 = arith.extui %sign3A_756 : i1 to i32
      %sign3A_758 = arith.constant 0 : i32
      %sign3A_759 = arith.cmpi slt, %jit3A_746, %sign3A_758 : i32
      %sign3A_760 = arith.extui %sign3A_759 : i1 to i32
      %sign3A_761 = arith.subi %sign3A_757, %sign3A_760 : i32
      %ne3A_762 = arith.cmpi ne, %sign3A_754, %sign3A_761 : i32
      %rem3A_763 = arith.remsi %add3A_745, %jit3A_746 : i32
      %ne3A_764 = arith.constant 0 : i32
      %ne3A_765 = arith.cmpi ne, %rem3A_763, %ne3A_764 : i32
      %and3A_766 = arith.andi %ne3A_762, %ne3A_765 : i1
      %sub3A_767 = arith.constant 1 : i32
      %sub3A_768 = arith.subi %div3A_747, %sub3A_767 : i32
      %select_n3A_769 = arith.select %and3A_766, %sub3A_768, %div3A_747 : i32
      %while3A_770 = arith.constant 0 : i32
      %while3A_771 = arith.constant 0 : i32
      %while3A_772 = arith.subi %select_n3A_769, %while3A_771 : i32
      %while3A_773 = arith.addi %while3A_771, %while3A_772 : i32
      %while3A_774 = arith.constant 1 : i32
      %while3A_775 = arith.divsi %while3A_772, %while3A_774 : i32
      %while3A_776 = arith.muli %while3A_775, %while3A_774 : i32
      %while3A_777 = arith.addi %while3A_771, %while3A_776 : i32
      %while3A_778 = arith.constant 1 : i32
      scf.for %while3A_843 = %while3A_771 to %while3A_777 step %while3A_778  : i32 {
        %mul3A_844 = arith.constant 64 : i32
        %mul3A_845 = arith.muli %while3A_843, %mul3A_844 : i32
        %add3A_846 = arith.addi %multiple_of3A_741, %mul3A_845 : i32
        %get3A_847 = arith.index_cast %add3A_846 : i32 to index
        %get3A_848 = arith.constant 0 : index
        %get3A_849 = vector.load %arg8[%get3A_847, %get3A_848] : memref<2624x1024xf32, #tpu.memory_space<vmem>>, vector<64x1024xf32>
        %dot_general3A = arith.constant dense<0.000000e+00> : vector<64x128xf32>
        %dot_general3A_850 = tpu.matmul %get3A_849, %get3A_726, %dot_general3A {dimension_numbers = #tpu.dot_dimension_numbers<[1], [0], [0], [1], [0, 0, 1, 1], [], []>, transpose_lhs_hint = false} : vector<64x1024xf32>, vector<1024x128xf32>, vector<64x128xf32> -> vector<64x128xf32>
        %neg3A = arith.constant 0.000000e+00 : f32
        %neg3A_851 = vector.broadcast %neg3A : f32 to vector<64x128xf32>
        %neg3A_852 = arith.subf %neg3A_851, %dot_general3A_850 : vector<64x128xf32>
        %exp3A = math.exp %neg3A_852 : vector<64x128xf32>
        %add3A_853 = arith.constant 1.000000e+00 : f32
        %add3A_854 = vector.broadcast %add3A_853 : f32 to vector<64x128xf32>
        %add3A_855 = arith.addf %add3A_854, %exp3A : vector<64x128xf32>
        %div3A_856 = arith.constant 1.000000e+00 : f32
        %div3A_857 = vector.broadcast %div3A_856 : f32 to vector<64x128xf32>
        %div3A_858 = arith.divf %div3A_857, %add3A_855 : vector<64x128xf32>
        %mul3A_859 = arith.mulf %dot_general3A_850, %div3A_858 : vector<64x128xf32>
        %dot_general3A_860 = arith.constant dense<0.000000e+00> : vector<64x128xf32>
        %dot_general3A_861 = tpu.matmul %get3A_849, %get3A_732, %dot_general3A_860 {dimension_numbers = #tpu.dot_dimension_numbers<[1], [0], [0], [1], [0, 0, 1, 1], [], []>, transpose_lhs_hint = false} : vector<64x1024xf32>, vector<1024x128xf32>, vector<64x128xf32> -> vector<64x128xf32>
        %mul3A_862 = arith.mulf %mul3A_859, %dot_general3A_861 : vector<64x128xf32>
        %dot_general3A_863 = arith.constant dense<0.000000e+00> : vector<64x1024xf32>
        %dot_general3A_864 = tpu.matmul %mul3A_862, %get3A_738, %dot_general3A_863 {dimension_numbers = #tpu.dot_dimension_numbers<[1], [0], [0], [1], [0, 0, 1, 1], [], []>, transpose_lhs_hint = false} : vector<64x128xf32>, vector<128x1024xf32>, vector<64x1024xf32> -> vector<64x1024xf32>
        %mul3A_865 = vector.broadcast %get3A_125 : f32 to vector<64x1024xf32>
        %mul3A_866 = arith.mulf %dot_general3A_864, %mul3A_865 : vector<64x1024xf32>
        %swap3A = arith.index_cast %add3A_846 : i32 to index
        %swap3A_867 = arith.constant 0 : index
        %swap3A_868 = vector.load %arg7[%swap3A, %swap3A_867] : memref<2624x1024xf32, #tpu.memory_space<vmem>>, vector<64x1024xf32>
        tpu.vector_store %arg7[%swap3A, %swap3A_867], %mul3A_866 {strides = array<i32>} : memref<2624x1024xf32, #tpu.memory_space<vmem>>, vector<64x1024xf32>,
      }
      %while3A_779 = arith.constant 1 : i32
      scf.for %while3A_843 = %while3A_777 to %while3A_773 step %while3A_779  : i32 {
        %mul3A_844 = arith.constant 64 : i32
        %mul3A_845 = arith.muli %while3A_843, %mul3A_844 : i32
        %add3A_846 = arith.addi %multiple_of3A_741, %mul3A_845 : i32
        %get3A_847 = arith.index_cast %add3A_846 : i32 to index
        %get3A_848 = arith.constant 0 : index
        %get3A_849 = vector.load %arg8[%get3A_847, %get3A_848] : memref<2624x1024xf32, #tpu.memory_space<vmem>>, vector<64x1024xf32>
        %dot_general3A = arith.constant dense<0.000000e+00> : vector<64x128xf32>
        %dot_general3A_850 = tpu.matmul %get3A_849, %get3A_726, %dot_general3A {dimension_numbers = #tpu.dot_dimension_numbers<[1], [0], [0], [1], [0, 0, 1, 1], [], []>, transpose_lhs_hint = false} : vector<64x1024xf32>, vector<1024x128xf32>, vector<64x128xf32> -> vector<64x128xf32>
        %neg3A = arith.constant 0.000000e+00 : f32
        %neg3A_851 = vector.broadcast %neg3A : f32 to vector<64x128xf32>
        %neg3A_852 = arith.subf %neg3A_851, %dot_general3A_850 : vector<64x128xf32>
        %exp3A = math.exp %neg3A_852 : vector<64x128xf32>
        %add3A_853 = arith.constant 1.000000e+00 : f32
        %add3A_854 = vector.broadcast %add3A_853 : f32 to vector<64x128xf32>
        %add3A_855 = arith.addf %add3A_854, %exp3A : vector<64x128xf32>
        %div3A_856 = arith.constant 1.000000e+00 : f32
        %div3A_857 = vector.broadcast %div3A_856 : f32 to vector<64x128xf32>
        %div3A_858 = arith.divf %div3A_857, %add3A_855 : vector<64x128xf32>
        %mul3A_859 = arith.mulf %dot_general3A_850, %div3A_858 : vector<64x128xf32>
        %dot_general3A_860 = arith.constant dense<0.000000e+00> : vector<64x128xf32>
        %dot_general3A_861 = tpu.matmul %get3A_849, %get3A_732, %dot_general3A_860 {dimension_numbers = #tpu.dot_dimension_numbers<[1], [0], [0], [1], [0, 0, 1, 1], [], []>, transpose_lhs_hint = false} : vector<64x1024xf32>, vector<1024x128xf32>, vector<64x128xf32> -> vector<64x128xf32>
        %mul3A_862 = arith.mulf %mul3A_859, %dot_general3A_861 : vector<64x128xf32>
        %dot_general3A_863 = arith.constant dense<0.000000e+00> : vector<64x1024xf32>
        %dot_general3A_864 = tpu.matmul %mul3A_862, %get3A_738, %dot_general3A_863 {dimension_numbers = #tpu.dot_dimension_numbers<[1], [0], [0], [1], [0, 0, 1, 1], [], []>, transpose_lhs_hint = false} : vector<64x128xf32>, vector<128x1024xf32>, vector<64x1024xf32> -> vector<64x1024xf32>
        %mul3A_865 = vector.broadcast %get3A_125 : f32 to vector<64x1024xf32>
        %mul3A_866 = arith.mulf %dot_general3A_864, %mul3A_865 : vector<64x1024xf32>
        %swap3A = arith.index_cast %add3A_846 : i32 to index
        %swap3A_867 = arith.constant 0 : index
        %swap3A_868 = vector.load %arg7[%swap3A, %swap3A_867] : memref<2624x1024xf32, #tpu.memory_space<vmem>>, vector<64x1024xf32>
        tpu.vector_store %arg7[%swap3A, %swap3A_867], %mul3A_866 {strides = array<i32>} : memref<2624x1024xf32, #tpu.memory_space<vmem>>, vector<64x1024xf32>,
      }
      %mul3A_780 = arith.constant 2 : i32
      %mul3A_781 = arith.muli %mul3A_780, %add3A_664 : i32
      %add3A_782 = arith.constant 1 : i32
      %add3A_783 = arith.addi %mul3A_781, %add3A_782 : i32
      %get3A_784 = arith.constant 3 : index
      %get3A_785 = arith.constant 1 : index
      %get3A_786 = arith.constant 0 : index
      %get3A_787 = arith.constant 0 : index
      %get3A_788 = vector.load %arg9[%get3A_784, %get3A_785, %get3A_786, %get3A_787] : memref<4x2x1024x128xf32, #tpu.memory_space<vmem>>, vector<1x1x1024x128xf32>
      %get3A_789 = vector.shape_cast %get3A_788 : vector<1x1x1024x128xf32> to vector<1024x128xf32>
      %get3A_790 = arith.constant 3 : index
      %get3A_791 = arith.constant 1 : index
      %get3A_792 = arith.constant 0 : index
      %get3A_793 = arith.constant 0 : index
      %get3A_794 = vector.load %arg10[%get3A_790, %get3A_791, %get3A_792, %get3A_793] : memref<4x2x1024x128xf32, #tpu.memory_space<vmem>>, vector<1x1x1024x128xf32>
      %get3A_795 = vector.shape_cast %get3A_794 : vector<1x1x1024x128xf32> to vector<1024x128xf32>
      %get3A_796 = arith.constant 3 : index
      %get3A_797 = arith.constant 1 : index
      %get3A_798 = arith.constant 0 : index
      %get3A_799 = arith.constant 0 : index
      %get3A_800 = vector.load %arg11[%get3A_796, %get3A_797, %get3A_798, %get3A_799] : memref<4x2x128x1024xf32, #tpu.memory_space<vmem>>, vector<1x1x128x1024xf32>
      %get3A_801 = vector.shape_cast %get3A_800 : vector<1x1x128x1024xf32> to vector<128x1024xf32>
      %get3A_802 = arith.index_cast %add3A_783 : i32 to index
      %get3A_803 = memref.load %arg0[%get3A_802] : memref<64xi32, #tpu.memory_space<smem>>
      %multiple_of3A_804 = tpu.assume_multiple %get3A_803, 8 : i32
      %get3A_805 = arith.index_cast %add3A_783 : i32 to index
      %get3A_806 = memref.load %arg1[%get3A_805] : memref<64xi32, #tpu.memory_space<smem>>
      %add3A_807 = arith.constant 63 : i32
      %add3A_808 = arith.addi %get3A_806, %add3A_807 : i32
      %jit3A_809 = arith.constant 64 : i32
      %div3A_810 = arith.divsi %add3A_808, %jit3A_809 : i32
      %sign3A_811 = arith.constant 0 : i32
      %sign3A_812 = arith.cmpi sgt, %add3A_808, %sign3A_811 : i32
      %sign3A_813 = arith.extui %sign3A_812 : i1 to i32
      %sign3A_814 = arith.constant 0 : i32
      %sign3A_815 = arith.cmpi slt, %add3A_808, %sign3A_814 : i32
      %sign3A_816 = arith.extui %sign3A_815 : i1 to i32
      %sign3A_817 = arith.subi %sign3A_813, %sign3A_816 : i32
      %sign3A_818 = arith.constant 0 : i32
      %sign3A_819 = arith.cmpi sgt, %jit3A_809, %sign3A_818 : i32
      %sign3A_820 = arith.extui %sign3A_819 : i1 to i32
      %sign3A_821 = arith.constant 0 : i32
      %sign3A_822 = arith.cmpi slt, %jit3A_809, %sign3A_821 : i32
      %sign3A_823 = arith.extui %sign3A_822 : i1 to i32
      %sign3A_824 = arith.subi %sign3A_820, %sign3A_823 : i32
      %ne3A_825 = arith.cmpi ne, %sign3A_817, %sign3A_824 : i32
      %rem3A_826 = arith.remsi %add3A_808, %jit3A_809 : i32
      %ne3A_827 = arith.constant 0 : i32
      %ne3A_828 = arith.cmpi ne, %rem3A_826, %ne3A_827 : i32
      %and3A_829 = arith.andi %ne3A_825, %ne3A_828 : i1
      %sub3A_830 = arith.constant 1 : i32
      %sub3A_831 = arith.subi %div3A_810, %sub3A_830 : i32
      %select_n3A_832 = arith.select %and3A_829, %sub3A_831, %div3A_810 : i32
      %while3A_833 = arith.constant 0 : i32
      %while3A_834 = arith.constant 0 : i32
      %while3A_835 = arith.subi %select_n3A_832, %while3A_834 : i32
      %while3A_836 = arith.addi %while3A_834, %while3A_835 : i32
      %while3A_837 = arith.constant 1 : i32
      %while3A_838 = arith.divsi %while3A_835, %while3A_837 : i32
      %while3A_839 = arith.muli %while3A_838, %while3A_837 : i32
      %while3A_840 = arith.addi %while3A_834, %while3A_839 : i32
      %while3A_841 = arith.constant 1 : i32
      scf.for %while3A_843 = %while3A_834 to %while3A_840 step %while3A_841  : i32 {
        %mul3A_844 = arith.constant 64 : i32
        %mul3A_845 = arith.muli %while3A_843, %mul3A_844 : i32
        %add3A_846 = arith.addi %multiple_of3A_804, %mul3A_845 : i32
        %get3A_847 = arith.index_cast %add3A_846 : i32 to index
        %get3A_848 = arith.constant 0 : index
        %get3A_849 = vector.load %arg8[%get3A_847, %get3A_848] : memref<2624x1024xf32, #tpu.memory_space<vmem>>, vector<64x1024xf32>
        %dot_general3A = arith.constant dense<0.000000e+00> : vector<64x128xf32>
        %dot_general3A_850 = tpu.matmul %get3A_849, %get3A_789, %dot_general3A {dimension_numbers = #tpu.dot_dimension_numbers<[1], [0], [0], [1], [0, 0, 1, 1], [], []>, transpose_lhs_hint = false} : vector<64x1024xf32>, vector<1024x128xf32>, vector<64x128xf32> -> vector<64x128xf32>
        %neg3A = arith.constant 0.000000e+00 : f32
        %neg3A_851 = vector.broadcast %neg3A : f32 to vector<64x128xf32>
        %neg3A_852 = arith.subf %neg3A_851, %dot_general3A_850 : vector<64x128xf32>
        %exp3A = math.exp %neg3A_852 : vector<64x128xf32>
        %add3A_853 = arith.constant 1.000000e+00 : f32
        %add3A_854 = vector.broadcast %add3A_853 : f32 to vector<64x128xf32>
        %add3A_855 = arith.addf %add3A_854, %exp3A : vector<64x128xf32>
        %div3A_856 = arith.constant 1.000000e+00 : f32
        %div3A_857 = vector.broadcast %div3A_856 : f32 to vector<64x128xf32>
        %div3A_858 = arith.divf %div3A_857, %add3A_855 : vector<64x128xf32>
        %mul3A_859 = arith.mulf %dot_general3A_850, %div3A_858 : vector<64x128xf32>
        %dot_general3A_860 = arith.constant dense<0.000000e+00> : vector<64x128xf32>
        %dot_general3A_861 = tpu.matmul %get3A_849, %get3A_795, %dot_general3A_860 {dimension_numbers = #tpu.dot_dimension_numbers<[1], [0], [0], [1], [0, 0, 1, 1], [], []>, transpose_lhs_hint = false} : vector<64x1024xf32>, vector<1024x128xf32>, vector<64x128xf32> -> vector<64x128xf32>
        %mul3A_862 = arith.mulf %mul3A_859, %dot_general3A_861 : vector<64x128xf32>
        %dot_general3A_863 = arith.constant dense<0.000000e+00> : vector<64x1024xf32>
        %dot_general3A_864 = tpu.matmul %mul3A_862, %get3A_801, %dot_general3A_863 {dimension_numbers = #tpu.dot_dimension_numbers<[1], [0], [0], [1], [0, 0, 1, 1], [], []>, transpose_lhs_hint = false} : vector<64x128xf32>, vector<128x1024xf32>, vector<64x1024xf32> -> vector<64x1024xf32>
        %mul3A_865 = vector.broadcast %get3A_125 : f32 to vector<64x1024xf32>
        %mul3A_866 = arith.mulf %dot_general3A_864, %mul3A_865 : vector<64x1024xf32>
        %swap3A = arith.index_cast %add3A_846 : i32 to index
        %swap3A_867 = arith.constant 0 : index
        %swap3A_868 = vector.load %arg7[%swap3A, %swap3A_867] : memref<2624x1024xf32, #tpu.memory_space<vmem>>, vector<64x1024xf32>
        tpu.vector_store %arg7[%swap3A, %swap3A_867], %mul3A_866 {strides = array<i32>} : memref<2624x1024xf32, #tpu.memory_space<vmem>>, vector<64x1024xf32>,
      }
      %while3A_842 = arith.constant 1 : i32
      scf.for %while3A_843 = %while3A_840 to %while3A_836 step %while3A_842  : i32 {
        %mul3A_844 = arith.constant 64 : i32
        %mul3A_845 = arith.muli %while3A_843, %mul3A_844 : i32
        %add3A_846 = arith.addi %multiple_of3A_804, %mul3A_845 : i32
        %get3A_847 = arith.index_cast %add3A_846 : i32 to index
        %get3A_848 = arith.constant 0 : index
        %get3A_849 = vector.load %arg8[%get3A_847, %get3A_848] : memref<2624x1024xf32, #tpu.memory_space<vmem>>, vector<64x1024xf32>
        %dot_general3A = arith.constant dense<0.000000e+00> : vector<64x128xf32>
        %dot_general3A_850 = tpu.matmul %get3A_849, %get3A_789, %dot_general3A {dimension_numbers = #tpu.dot_dimension_numbers<[1], [0], [0], [1], [0, 0, 1, 1], [], []>, transpose_lhs_hint = false} : vector<64x1024xf32>, vector<1024x128xf32>, vector<64x128xf32> -> vector<64x128xf32>
        %neg3A = arith.constant 0.000000e+00 : f32
        %neg3A_851 = vector.broadcast %neg3A : f32 to vector<64x128xf32>
        %neg3A_852 = arith.subf %neg3A_851, %dot_general3A_850 : vector<64x128xf32>
        %exp3A = math.exp %neg3A_852 : vector<64x128xf32>
        %add3A_853 = arith.constant 1.000000e+00 : f32
        %add3A_854 = vector.broadcast %add3A_853 : f32 to vector<64x128xf32>
        %add3A_855 = arith.addf %add3A_854, %exp3A : vector<64x128xf32>
        %div3A_856 = arith.constant 1.000000e+00 : f32
        %div3A_857 = vector.broadcast %div3A_856 : f32 to vector<64x128xf32>
        %div3A_858 = arith.divf %div3A_857, %add3A_855 : vector<64x128xf32>
        %mul3A_859 = arith.mulf %dot_general3A_850, %div3A_858 : vector<64x128xf32>
        %dot_general3A_860 = arith.constant dense<0.000000e+00> : vector<64x128xf32>
        %dot_general3A_861 = tpu.matmul %get3A_849, %get3A_795, %dot_general3A_860 {dimension_numbers = #tpu.dot_dimension_numbers<[1], [0], [0], [1], [0, 0, 1, 1], [], []>, transpose_lhs_hint = false} : vector<64x1024xf32>, vector<1024x128xf32>, vector<64x128xf32> -> vector<64x128xf32>
        %mul3A_862 = arith.mulf %mul3A_859, %dot_general3A_861 : vector<64x128xf32>
        %dot_general3A_863 = arith.constant dense<0.000000e+00> : vector<64x1024xf32>
        %dot_general3A_864 = tpu.matmul %mul3A_862, %get3A_801, %dot_general3A_863 {dimension_numbers = #tpu.dot_dimension_numbers<[1], [0], [0], [1], [0, 0, 1, 1], [], []>, transpose_lhs_hint = false} : vector<64x128xf32>, vector<128x1024xf32>, vector<64x1024xf32> -> vector<64x1024xf32>
        %mul3A_865 = vector.broadcast %get3A_125 : f32 to vector<64x1024xf32>
        %mul3A_866 = arith.mulf %dot_general3A_864, %mul3A_865 : vector<64x1024xf32>
        %swap3A = arith.index_cast %add3A_846 : i32 to index
        %swap3A_867 = arith.constant 0 : index
        %swap3A_868 = vector.load %arg7[%swap3A, %swap3A_867] : memref<2624x1024xf32, #tpu.memory_space<vmem>>, vector<64x1024xf32>
        tpu.vector_store %arg7[%swap3A, %swap3A_867], %mul3A_866 {strides = array<i32>} : memref<2624x1024xf32, #tpu.memory_space<vmem>>, vector<64x1024xf32>,
      }
    }
    %scan3A_129 = arith.constant 8 : i32
    return
  }
}

</mosaic_0001>

<sc_bundles>
// kernel: kernel.6.cloned.1.call-start
scs
__scs_entry_jumppad:
0x0: {  	(pc) =	sbr.rel $0x88, $3  }
0x1: {  	(tag) =	ssettag $0x0;
	lr =	simm.s32 $0x1  }
0x2: {  	[smem:$0x3F9B] =	sst lr;
	_ =	strace $0xD0000000  }
0x3: {  	_ = 	snop  }
0x4: {  	_ = 	snop  }
0x5: {  	_ = 	snop  }
0x6: {  	_ = 	snop  }
0x7: {  	_ = 	snop  }
__scs_overlays_trampoline_lowered:
0x8: {  	[smem:$0x3FAA] =	sst s0  }
0x9: {  	[smem:$0x3FAB] =	sst s1  }
0xa: {  	[smem:$0x3FAC] =	sst s2  }
0xb: {  	[smem:$0x3FAD] =	sst s3  }
0xc: {  	[smem:$0x3FAE] =	sst s4  }
0xd: {  	[smem:$0x3FAF] =	sst s5  }
0xe: {  	[smem:$0x3FB0] =	sst s6  }
0xf: {  	[smem:$0x3FB1] =	sst s7  }
0x10: {  	[smem:$0x3FB2] =	sst s8  }
0x11: {  	[smem:$0x3FB3] =	sst s9;
	s0 =	simm.s32 @!p0 $0x0  }
0x12: {  	s1 =	sld [smem:$0x3F99];
	s0 =	simm.s32 @p0 $0x1  }
0x13: {  	[smem:$0x3FB4] =	sst s0;
	s0 =	simm.s32 @!p1 $0x0  }
0x14: {  	s2 =	sld [smem:$0x3F98];
	s0 =	simm.s32 @p1 $0x1  }
0x15: {  	[smem:$0x3FB5] =	sst s0;
	s0 =	simm.s32 @!p2 $0x0  }
0x16: {  	s3 =	sld [smem:$0x3FDB];
	s0 =	simm.s32 @p2 $0x1  }
0x17: {  	s4 =	simm.s32 $0x1BF5;
	[smem:$0x3FB7] =	sst s0  }
0x18: {  	s0 =	sld [smem:$0x3F9A];
	_ =	swait.ge [sflag:s4], $0x0  }
0x19: {  	s7 =	sld [smem:$0x3F9B]  }
0x1a: {  	s8 =	sadd.s32 $0xFFFFE003, lr  }
0x1b: {  	s9 =	sadd.s32 $0xFFFFFEF7, lr;
	s5 =	simm.s32 $0xFFFFFFFF;
	p2 =	slt.u32 s8, $0xFFFFF086  }
0x1c: {  	p1 =	slt.u32 s9, $0xF7A;
	s5 =	simm.s32 @!p2 $0x0  }
0x1d: {  	s5 =	simm.s32 @p1 $0x1;
	p0 =	seq.s32 s7, s2  }
0x1e: {  	s7 =	smul.u32 @!p0 $0xF7A, s2;
	p2 =	seq.s32 @!p0 s5, $0x0  }
0x1f: {  	s9 =	smul.u32 $0xF7A, s1;
	s8 =	simm.s32 @!p0 $0x1BF5;
	p2 =	por !p2, p0  }
0x20: {  	[sflag:s8] =	ssyncset.s32 @!p0 $0xFFFFF086;
	s6 =	sadd.s32 @!p0 s3, s7;
	s7 =	simm.s32 @!p0 $0x108  }
0x21: {  	s3 =	sadd.s32 s3, s9;
	s6 =	sadd.s32 @!p0 $0x88, s6;
	s7 =	simm.s32 @p2 $0x1082  }
0x22: {  	[simem:s7], [sflag:s8] =	dma.local @!p0 [hbm:s6], $0xF7A  }
0x23: {  	s9 =	sor.u32 $0xD0000000, s2;
	s6 =	simm.s32 $0x108;
	_ =	swait.ge @!p0 [sflag:s8], $0x0  }
0x24: {  	s3 =	sadd.s32 $0x88, s3;
	s6 =	simm.s32 @!p1 $0x1082;
	[sflag:s4] =	ssyncset.s32 $0xFFFFF086  }
0x25: {  	[simem:s6], [sflag:s4] =	dma.local [hbm:s3], $0xF7A  }
0x26: {  	[smem:$0x3F9B] =	sst s1;
	(tag) =	ssettag s2;
	_ =	strace s9  }
0x27: {  	s1 =	sld [smem:$0x3FAB]  }
0x28: {  	s2 =	sld [smem:$0x3FAC]  }
0x29: {  	s4 =	sld [smem:$0x3FAE]  }
0x2a: {  	p0 =	seq.s32 s5, $0x0;
	s5 =	sld [smem:$0x3FAF]  }
0x2b: {  	s6 =	sld [smem:$0x3FB0]  }
0x2c: {  	s7 =	sld [smem:$0x3FB1]  }
0x2d: {  	s3 =	simm.s32 $0x108;
	s8 =	sld [smem:$0x3FB2]  }
0x2e: {  	s3 =	simm.s32 @!p0 $0x1082;
	s9 =	sld [smem:$0x3FB3]  }
0x2f: {  	lr =	sadd.s32 s0, s3;
	s0 =	sld [smem:$0x3FAA]  }
0x30: {  	s3 =	sld [smem:$0x3FAD]  }
0x31: {  	[smem:$0x3FB6] =	sst s10  }
0x32: {  	s10 =	sld [smem:$0x3FB4];
	_ =	sdelay $0x3  }
0x33: {  	p0 =	seq.s32 s10, $0x1;
	s10 =	sld [smem:$0x3FB6];
	_ =	sdelay $0x3  }
0x34: {  	[smem:$0x3FB6] =	sst s10  }
0x35: {  	s10 =	sld [smem:$0x3FB5];
	_ =	sdelay $0x3  }
0x36: {  	p1 =	seq.s32 s10, $0x1;
	s10 =	sld [smem:$0x3FB6];
	_ =	sdelay $0x3  }
0x37: {  	[smem:$0x3FB6] =	sst s10  }
0x38: {  	s10 =	sld [smem:$0x3FB7]  }
0x39: {  	_ = 	snop;
	(pc) =	sbr.ind lr, $3  }
0x3a: {  	_ = 	snop  }
0x3b: {  	_ = 	snop  }
0x3c: {  	p2 =	seq.s32 s10, $0x1;
	s10 =	sld [smem:$0x3FB6]  }
0x3d: {  	_ =	shalt  }
0x3e: {  	_ =	shalt  }
0x3f: {  	_ =	shalt  }
0x40: {  	_ =	shalt  }
0x41: {  	_ =	shalt  }
0x42: {  	_ =	shalt  }
0x43: {  	_ =	shalt  }
0x44: {  	_ =	shalt  }
0x45: {  	_ =	shalt  }
0x46: {  	_ =	shalt  }
0x47: {  	_ =	shalt  }
0x48: {  	_ =	shalt  }
0x49: {  	_ =	shalt  }
0x4a: {  	_ =	shalt  }
0x4b: {  	_ =	shalt  }
0x4c: {  	_ =	shalt  }
0x4d: {  	_ =	shalt  }
0x4e: {  	_ =	shalt  }
0x4f: {  	_ =	shalt  }
0x50: {  	_ =	shalt  }
0x51: {  	_ =	shalt  }
0x52: {  	_ =	shalt  }
0x53: {  	_ =	shalt  }
0x54: {  	_ =	shalt  }
0x55: {  	_ =	shalt  }
0x56: {  	_ =	shalt  }
0x57: {  	_ =	shalt  }
0x58: {  	_ =	shalt  }
0x59: {  	_ =	shalt  }
0x5a: {  	_ =	shalt  }
0x5b: {  	_ =	shalt  }
0x5c: {  	_ =	shalt  }
0x5d: {  	_ =	shalt  }
0x5e: {  	_ =	shalt  }
0x5f: {  	_ =	shalt  }
0x60: {  	_ =	shalt  }
0x61: {  	_ =	shalt  }
0x62: {  	_ =	shalt  }
0x63: {  	_ =	shalt  }
0x64: {  	_ =	shalt  }
0x65: {  	_ =	shalt  }
0x66: {  	_ =	shalt  }
0x67: {  	_ =	shalt  }
0x68: {  	_ =	shalt  }
0x69: {  	_ =	shalt  }
0x6a: {  	_ =	shalt  }
0x6b: {  	_ =	shalt  }
0x6c: {  	_ =	shalt  }
0x6d: {  	_ =	shalt  }
0x6e: {  	_ =	shalt  }
0x6f: {  	_ =	shalt  }
0x70: {  	_ =	shalt  }
0x71: {  	_ =	shalt  }
0x72: {  	_ =	shalt  }
0x73: {  	_ =	shalt  }
0x74: {  	_ =	shalt  }
0x75: {  	_ =	shalt  }
0x76: {  	_ =	shalt  }
0x77: {  	_ =	shalt  }
0x78: {  	_ =	shalt  }
0x79: {  	_ =	shalt  }
0x7a: {  	_ =	shalt  }
0x7b: {  	_ =	shalt  }
0x7c: {  	_ =	shalt  }
0x7d: {  	_ =	shalt  }
0x7e: {  	_ =	shalt  }
0x7f: {  	_ =	shalt  }
0x80: {  	_ =	shalt  }
0x81: {  	_ =	shalt  }
0x82: {  	_ =	shalt  }
0x83: {  	_ =	shalt  }
0x84: {  	_ =	shalt  }
0x85: {  	_ =	shalt  }
0x86: {  	_ =	shalt  }
0x87: {  	_ =	shalt  }
.Lfunc_end0:
.L_simem_size_0:
called_computation_lowered:
.L_overlay_start_0:
0x88: {  	s2 =	sld [smem:$0x3FD9]  }
0x89: {  	s3 =	sld [smem:$0x3FFE];
	_ =	sdelay $0x1  }
0x8a: {  	s1 =	srdreg.scid  }
0x8b: {  	s0 =	sand.u32 $0x1, s1  }
0x8c: {  	s17 =	sshll.u32 s0, $0xA;
	s2 =	sadd.s32 s3, s2  }
0x8d: {  	s2 =	sadd.s32 s2, s17  }
0x8e: {  	[smem:$0x3FC2] =	sst s2  }
0x8f: {  	_ = 	snop  }
0x90: {  	s2 =	sld [smem:$0x3FC9];
	(tm) =	ssettm $0x1  }
0x91: {  	s18 =	sld [smem:$0x3FFB];
	_ =	sdelay $0x3  }
0x92: {  	_ =	strace s18  }
0x93: {  	s3 =	sld [smem:$0x3FFC];
	_ =	sdelay $0x3  }
0x94: {  	_ =	strace s3  }
0x95: {  	s3 =	sld [smem:$0x3FFD];
	_ =	sdelay $0x3  }
0x96: {  	_ =	strace s3  }
0x97: {  	_ =	strace $0x8FFFFFFF  }
0x98: {  	s19 =	sld [smem:$0x3FDB];
	_ =	sdelay $0x1  }
0x99: {  	s4 =	simm.s32 $_scs_section_size  }
0x9a: {  	s5 =	simm.s32 $_size__tile_overlayer_lowered;
	s6 =	simm.s32 $_tile_overlayer_lowered  }
0x9b: {  	s22 =	simm.s32 $0x1BFF;
	s21 =	sshll.u32 s6, $0x1;
	s3 =	sadd.s32 s4, s19  }
0x9c: {  	s7 =	simm.s32 $0x0;
	s20 =	sshll.u32 s5, $0x1;
	s5 =	sadd.s32 s21, s3  }
0x9d: {  	[timem:s7], [sflag:s22] =	dma.local [hbm:s5], s20  }
0x9e: {  	_ =	swait.ge [sflag:s22], s20  }
0x9f: {  	s4 =	ssub.s32 $0x0, s20;
	[sflag:s22] =	ssyncset.done $0x0  }
0xa0: {  	[sflag:s22] =	ssyncadd.s32 s4;
	_ =	sdelay $0x1  }
0xa1: {  	s23 =	simm.s32 $0x1B8B  }
0xa2: {  	_ =	swait.ge [sflag:s23], $0x1  }
0xa3: {  	[sflag:s23] =	ssyncset.done $0x0  }
0xa4: {  	s25 =	simm.s32 $0x1B8E;
	s24 =	sld [smem:$0x3FFE];
	[sflag:s23] =	ssyncadd.s32 $0xFFFFFFFF  }
0xa5: {  	s26 =	simm.s32 $execute0_lowered;
	[smem:$0x3FD2] =	sst s25  }
0xa6: {  	s5 =	sshll.u32 s26, $0x1;
	_ =	strace $0x80000046;
	[dreg:$0x1] =	wrdreg $0xFFFFFFFF  }
0xa7: {  	s28 =	simm.s32 $_size_execute0_lowered;
	s3 =	sadd.s32 s3, s5;
	[dreg:$0x0] =	wrdreg $0x0  }
0xa8: {  	s5 =	sshll.u32 s28, $0x1;
	[dreg:$0x2] =	wrdreg s3  }
0xa9: {  	[dreg:$0x3] =	wrdreg s5  }
0xaa: {  	[dreg:$0x4] =	wrdreg $0xC0  }
0xab: {  	_ =	task [dreg:s7], $0x5FFFF  }
0xac: {  	[dreg:$0x1] =	wrdreg $0xFFFFFFFF  }
0xad: {  	[dreg:$0x0] =	wrdreg $0x60  }
0xae: {  	[dreg:$0x2] =	wrdreg s2  }
0xaf: {  	[dreg:$0x3] =	wrdreg s24  }
0xb0: {  	[dreg:$0x4] =	wrdreg $0x9  }
0xb1: {  	_ =	task.clear_ibuf [dreg:s7], $0x5FFFF;
	_ =	strace $0x90000046  }
0xb2: {  	s29 =	simm.s32 $0x9;
	_ =	strace $0x80000048  }
0xb3: {  	_ =	swait.ge [sflag:s29], $0x1  }
0xb4: {  	[sflag:s29] =	ssyncadd.s32 $0xFFFFFFFF  }
0xb5: {  	_ =	strace $0x90000048  }
0xb6: {  	_ =	sfence  }
0xb7: {  	s30 =	sld [smem:$0x0];
	_ =	sdelay $0x2  }
0xb8: {  	s31 =	sshll.u32 s1, $0xD;
	s1 =	sshrl.u32 s1, $0x2  }
0xb9: {  	s3 =	sand.u32 $0x4000, s31;
	s1 =	sadd.s32 s1, s30  }
0xba: {  	s0 =	sor.u32 s3, s0;
	s1 =	sshll.u32 s1, $0x11  }
0xbb: {  	s0 =	sor.u32 s1, s0  }
0xbc: {  	s0 =	sadd.s32 $0x8F2B, s0  }
0xbd: {  	[sflag:s0] =	ssyncadd.remote.s32 $0x1  }
0xbe: {  	_ =	sfence.sel $0xFFFF  }
0xbf: {  	[dreg:$0x0] =	wrdreg $0xFFFFFFFF;
	(pc) =	sbr.abs _section_cstart, $3  }
0xc0: {  	[dreg:$0x1] =	wrdreg $0xFFFFFFFF  }
0xc1: {  	_ =	task.clear_ibuf [dreg:s7], $0x2FFFF;
	_ =	strace $0x9FFFFFFF  }
0xc2: {  	(tm) =	ssettm $0x7FFFFFFF  }
0xc3: {  	_ =	shalt  }
tec
execute0_lowered:
.L_overlay_start_1:
0x0: {  	(tag) =	ssettag $0x1  }
0x1: {  	s1 =	srdreg.scid  }
0x2: {  	s0 =	stileid.u32;
	s3 =	rddreg [dreg:$0x0]  }
0x3: {  	s6 =	rddreg [dreg:$0x1];
	s18 =	simm.s32 $0x880;
	s19 =	simm.s32 $0x1080  }
0x4: {  	s20 =	simm.s32 $0x1880;
	s22 =	simm.s32 $0x2080;
	s23 =	simm.s32 $0x2880  }
0x5: {  	s7 =	simm.s32 $0x3080;
	s24 =	simm.s32 $0x3880;
	s8 =	simm.s32 $0x4080  }
0x6: {  	s25 =	simm.s32 $0x4880;
	s26 =	simm.s32 $0x5080;
	s1 =	sand.u32 $0x1, s1  }
0x7: {  	s9 =	simm.s32 $0x80;
	s2 =	sshll.u32 s0, $0x7;
	s4 =	sshll.u32 s1, $0x6  }
0x8: {  	s11 =	simm.s32 $0x6080;
	s4 =	sor.u32 s4, s2;
	s2 =	simm.s32 $0x0  }
0x9: {  	s12 =	simm.s32 $0x6880;
	s13 =	simm.s32 $0x7080;
	[smem:$0x7FF] =	sst s2  }
0xa: {  	s14 =	simm.s32 $0x7880;
	_ =	strace $0x80000047;
	[dreg:$0x5] =	wrdreg s18  }
0xb: {  	s15 =	simm.s32 $0x8080;
	s16 =	simm.s32 $0x8880;
	[dreg:$0x6] =	wrdreg s19  }
0xc: {  	s17 =	simm.s32 $0x9080;
	s28 =	simm.s32 $0xE080;
	[dreg:$0x7] =	wrdreg s20  }
0xd: {  	s29 =	simm.s32 $0xE880;
	s30 =	simm.s32 $0xF080;
	[dreg:$0x8] =	wrdreg s22  }
0xe: {  	s31 =	simm.s32 $0xF880;
	s1 =	ssub.s32 $0x2, s1;
	[dreg:$0x9] =	wrdreg s23  }
0xf: {  	s21 =	sshrl.u32 s1, $0x1;
	s5 =	sshrl.u32 s4, $0x3;
	[dreg:$0xa] =	wrdreg s7  }
0x10: {  	s4 =	sshll.u32 s4, $0x7;
	s1 =	ssub.s32 s1, s21;
	[dreg:$0xb] =	wrdreg s24  }
0x11: {  	s21 =	simm.s32 $0xB080;
	s5 =	sadd.s32 s5, s6;
	[dreg:$0xc] =	wrdreg s8  }
0x12: {  	s3 =	sadd.s32 s3, s4;
	s4 =	sadd.s32 $0x1100, s6;
	[dreg:$0xd] =	wrdreg s25  }
0x13: {  	s7 =	smax.u32 s1, $0x1;
	s8 =	simm.s32 $0x2;
	[dreg:$0xe] =	wrdreg s26  }
0x14: {  	s18 =	simm.s32 $0x9880;
	s19 =	simm.s32 $0xA080;
	s20 =	simm.s32 $0xA880  }
0x15: {  	s22 =	simm.s32 $0xB880;
	s23 =	simm.s32 $0xC080;
	s24 =	simm.s32 $0xC880  }
0x16: {  	v2 =	vlaneseq.u32;
	s25 =	simm.s32 $0xD080;
	s26 =	simm.s32 $0xD880;
	s1 =	simm.s32 $0x1  }
0x17: {  	vm0 =	vmmov $0xffff;
	v1 =	vshrl.u32 v2, $0x3;
	s5 =	sadd.s32 $0xE00, s5;
	[dreg:$0x4] =	wrdreg s3;
	s3 =	sadd.s32 $0x1000, s6  }
0x18: {  	v0 =	vand.u32 $0x7, v2;
	v2 =	vor.u32 $0x8, v2;
	v1 =	vmul.u32 $0x8, v1;
	[dreg:$0x3] =	wrdreg s5;
	s5 =	sadd.s32 $0x1200, s6;
	s6 =	sadd.s32 $0x1300, s6  }
.LBB2_1:
0x19: {  	s0 =	rddreg [dreg:$0x3]  }
0x1a: {  	[tilespmem:s2], [sflag:$0x2] =	stream.linear.gather [hbm4b:s0+s2], $0x40, $0x38;
	[tilespmem:$0x10080] =	vst v63  }
0x1b: {  	_ =	swait.ge [sflag:s8], $0x40  }
0x1c: {  	[sflag:s8] =	ssyncset.done $0x0  }
0x1d: {  	s10 =	rddreg [dreg:$0x4];
	[sflag:s8] =	ssyncadd.s32 $0xFFFFFFC0  }
0x1e: {  	[tilespmem:s9], [sflag:$0x2] =	stream.linear.gather [hbm4b:s10+s2], $0x10000, $0x38;
	[tilespmem:$0x10080] =	vst v63  }
0x1f: {  	_ =	swait.ge [sflag:s8], $0x10000  }
0x20: {  	[sflag:s8] =	ssyncset.done $0x0  }
0x21: {  	[sflag:s8] =	ssyncadd.s32 $0xFFFF0000  }
0x22: {  	v3 =	vld [tilespmem:$0x0];
	_ =	sdelay $0x4  }
0x23: {  	v4 =	vshll.u32 v3, $0x3  }
0x24: {  	v3 =	vand.u32 $0x7, v3;
	v4 =	vand.u32 $0xFFFFFFC0, v4  }
0x25: {  	v3 =	vor.u32 v3, v4  }
0x26: {  	v4 =	vperm.xlane v3, v0;
	_ =	sdelay $0x1  }
0x27: {  	v4 =	vadd.s32 v1, v4;
	_ =	sdelay $0x4  }
0x28: {  	[hbm4b:s3+s2] =	stream.indirect_vreg.scatter [tilespmem:s9], [sflag:$0x1], $0x80, v4, vm0, $0xb8;
	[tilespmem:$0x10080] =	vst v63  }
0x29: {  	s0 =	rddreg [dreg:$0x5];
	v3 =	vperm.xlane v3, v2  }
0x2a: {  	[hbm4b:s4+s2] =	stream.indirect_vreg.scatter [tilespmem:s0], [sflag:$0x1], $0x80, v4, vm0, $0xb8;
	[tilespmem:$0x10080] =	vst v63  }
0x2b: {  	s10 =	rddreg [dreg:$0x6];
	v3 =	vadd.s32 v1, v3  }
0x2c: {  	[hbm4b:s5+s2] =	stream.indirect_vreg.scatter [tilespmem:s10], [sflag:$0x1], $0x80, v4, vm0, $0xb8;
	[tilespmem:$0x10080] =	vst v63  }
0x2d: {  	s0 =	rddreg [dreg:$0x7]  }
0x2e: {  	[hbm4b:s6+s2] =	stream.indirect_vreg.scatter [tilespmem:s0], [sflag:$0x1], $0x80, v4, vm0, $0xb8;
	[tilespmem:$0x10080] =	vst v63  }
0x2f: {  	s10 =	rddreg [dreg:$0x8]  }
0x30: {  	[hbm4b:s3+s2] =	stream.indirect_vreg.scatter [tilespmem:s10], [sflag:$0x1], $0x80, v3, vm0, $0xb8;
	[tilespmem:$0x10080] =	vst v63  }
0x31: {  	s0 =	rddreg [dreg:$0x9]  }
0x32: {  	[hbm4b:s4+s2] =	stream.indirect_vreg.scatter [tilespmem:s0], [sflag:$0x1], $0x80, v3, vm0, $0xb8;
	[tilespmem:$0x10080] =	vst v63  }
0x33: {  	s10 =	rddreg [dreg:$0xa]  }
0x34: {  	[hbm4b:s5+s2] =	stream.indirect_vreg.scatter [tilespmem:s10], [sflag:$0x1], $0x80, v3, vm0, $0xb8;
	[tilespmem:$0x10080] =	vst v63  }
0x35: {  	s0 =	rddreg [dreg:$0xb]  }
0x36: {  	[hbm4b:s6+s2] =	stream.indirect_vreg.scatter [tilespmem:s0], [sflag:$0x1], $0x80, v3, vm0, $0xb8;
	[tilespmem:$0x10080] =	vst v63  }
0x37: {  	v3 =	vld [tilespmem:$0x10];
	_ =	sdelay $0x4  }
0x38: {  	v61 =	vshll.u32 v3, $0x3  }
0x39: {  	v3 =	vand.u32 $0x7, v3;
	v4 =	vand.u32 $0xFFFFFFC0, v61  }
0x3a: {  	v3 =	vor.u32 v3, v4  }
0x3b: {  	v4 =	vperm.xlane v3, v0;
	_ =	sdelay $0x1  }
0x3c: {  	v4 =	vadd.s32 v1, v4;
	_ =	sdelay $0x3  }
0x3d: {  	s0 =	rddreg [dreg:$0xc]  }
0x3e: {  	[hbm4b:s3+s2] =	stream.indirect_vreg.scatter [tilespmem:s0], [sflag:$0x1], $0x80, v4, vm0, $0xb8;
	[tilespmem:$0x10080] =	vst v63  }
0x3f: {  	s10 =	rddreg [dreg:$0xd];
	v3 =	vperm.xlane v3, v2  }
0x40: {  	[hbm4b:s4+s2] =	stream.indirect_vreg.scatter [tilespmem:s10], [sflag:$0x1], $0x80, v4, vm0, $0xb8;
	[tilespmem:$0x10080] =	vst v63  }
0x41: {  	v3 =	vadd.s32 v1, v3;
	s0 =	rddreg [dreg:$0xe]  }
0x42: {  	[hbm4b:s5+s2] =	stream.indirect_vreg.scatter [tilespmem:s0], [sflag:$0x1], $0x80, v4, vm0, $0xb8;
	[tilespmem:$0x10080] =	vst v63  }
0x43: {  	s10 =	simm.s32 $0x5880  }
0x44: {  	[hbm4b:s6+s2] =	stream.indirect_vreg.scatter [tilespmem:s10], [sflag:$0x1], $0x80, v4, vm0, $0xb8;
	[tilespmem:$0x10080] =	vst v63  }
0x45: {  	_ = 	snop  }
0x46: {  	[hbm4b:s3+s2] =	stream.indirect_vreg.scatter [tilespmem:s11], [sflag:$0x1], $0x80, v3, vm0, $0xb8;
	[tilespmem:$0x10080] =	vst v63  }
0x47: {  	_ = 	snop  }
0x48: {  	[hbm4b:s4+s2] =	stream.indirect_vreg.scatter [tilespmem:s12], [sflag:$0x1], $0x80, v3, vm0, $0xb8;
	[tilespmem:$0x10080] =	vst v63  }
0x49: {  	_ = 	snop  }
0x4a: {  	[hbm4b:s5+s2] =	stream.indirect_vreg.scatter [tilespmem:s13], [sflag:$0x1], $0x80, v3, vm0, $0xb8;
	[tilespmem:$0x10080] =	vst v63  }
0x4b: {  	_ = 	snop  }
0x4c: {  	[hbm4b:s6+s2] =	stream.indirect_vreg.scatter [tilespmem:s14], [sflag:$0x1], $0x80, v3, vm0, $0xb8;
	[tilespmem:$0x10080] =	vst v63  }
0x4d: {  	v3 =	vld [tilespmem:$0x20];
	_ =	sdelay $0x4  }
0x4e: {  	v62 =	vshll.u32 v3, $0x3  }
0x4f: {  	v3 =	vand.u32 $0x7, v3;
	v4 =	vand.u32 $0xFFFFFFC0, v62  }
0x50: {  	v3 =	vor.u32 v3, v4  }
0x51: {  	v4 =	vperm.xlane v3, v0;
	_ =	sdelay $0x1  }
0x52: {  	v4 =	vadd.s32 v1, v4;
	_ =	sdelay $0x4  }
0x53: {  	[hbm4b:s3+s2] =	stream.indirect_vreg.scatter [tilespmem:s15], [sflag:$0x1], $0x80, v4, vm0, $0xb8;
	[tilespmem:$0x10080] =	vst v63  }
0x54: {  	v3 =	vperm.xlane v3, v2  }
0x55: {  	[hbm4b:s4+s2] =	stream.indirect_vreg.scatter [tilespmem:s16], [sflag:$0x1], $0x80, v4, vm0, $0xb8;
	[tilespmem:$0x10080] =	vst v63  }
0x56: {  	v3 =	vadd.s32 v1, v3  }
0x57: {  	[hbm4b:s5+s2] =	stream.indirect_vreg.scatter [tilespmem:s17], [sflag:$0x1], $0x80, v4, vm0, $0xb8;
	[tilespmem:$0x10080] =	vst v63  }
0x58: {  	_ = 	snop  }
0x59: {  	[hbm4b:s6+s2] =	stream.indirect_vreg.scatter [tilespmem:s18], [sflag:$0x1], $0x80, v4, vm0, $0xb8;
	[tilespmem:$0x10080] =	vst v63  }
0x5a: {  	_ = 	snop  }
0x5b: {  	[hbm4b:s3+s2] =	stream.indirect_vreg.scatter [tilespmem:s19], [sflag:$0x1], $0x80, v3, vm0, $0xb8;
	[tilespmem:$0x10080] =	vst v63  }
0x5c: {  	_ = 	snop  }
0x5d: {  	[hbm4b:s4+s2] =	stream.indirect_vreg.scatter [tilespmem:s20], [sflag:$0x1], $0x80, v3, vm0, $0xb8;
	[tilespmem:$0x10080] =	vst v63  }
0x5e: {  	_ = 	snop  }
0x5f: {  	[hbm4b:s5+s2] =	stream.indirect_vreg.scatter [tilespmem:s21], [sflag:$0x1], $0x80, v3, vm0, $0xb8;
	[tilespmem:$0x10080] =	vst v63  }
0x60: {  	_ = 	snop  }
0x61: {  	[hbm4b:s6+s2] =	stream.indirect_vreg.scatter [tilespmem:s22], [sflag:$0x1], $0x80, v3, vm0, $0xb8;
	[tilespmem:$0x10080] =	vst v63  }
0x62: {  	v3 =	vld [tilespmem:$0x30];
	_ =	sdelay $0x4  }
0x63: {  	v63 =	vshll.u32 v3, $0x3  }
0x64: {  	v3 =	vand.u32 $0x7, v3;
	v4 =	vand.u32 $0xFFFFFFC0, v63  }
0x65: {  	v3 =	vor.u32 v3, v4  }
0x66: {  	v4 =	vperm.xlane v3, v0;
	_ =	sdelay $0x1  }
0x67: {  	v4 =	vadd.s32 v1, v4;
	_ =	sdelay $0x4  }
0x68: {  	[hbm4b:s3+s2] =	stream.indirect_vreg.scatter [tilespmem:s23], [sflag:$0x1], $0x80, v4, vm0, $0xb8;
	[tilespmem:$0x10080] =	vst v63  }
0x69: {  	v3 =	vperm.xlane v3, v2  }
0x6a: {  	[hbm4b:s4+s2] =	stream.indirect_vreg.scatter [tilespmem:s24], [sflag:$0x1], $0x80, v4, vm0, $0xb8;
	[tilespmem:$0x10080] =	vst v63  }
0x6b: {  	v3 =	vadd.s32 v1, v3  }
0x6c: {  	[hbm4b:s5+s2] =	stream.indirect_vreg.scatter [tilespmem:s25], [sflag:$0x1], $0x80, v4, vm0, $0xb8;
	[tilespmem:$0x10080] =	vst v63  }
0x6d: {  	_ = 	snop  }
0x6e: {  	[hbm4b:s6+s2] =	stream.indirect_vreg.scatter [tilespmem:s26], [sflag:$0x1], $0x80, v4, vm0, $0xb8;
	[tilespmem:$0x10080] =	vst v63  }
0x6f: {  	_ = 	snop  }
0x70: {  	[hbm4b:s3+s2] =	stream.indirect_vreg.scatter [tilespmem:s28], [sflag:$0x1], $0x80, v3, vm0, $0xb8;
	[tilespmem:$0x10080] =	vst v63  }
0x71: {  	_ = 	snop  }
0x72: {  	[hbm4b:s4+s2] =	stream.indirect_vreg.scatter [tilespmem:s29], [sflag:$0x1], $0x80, v3, vm0, $0xb8;
	[tilespmem:$0x10080] =	vst v63  }
0x73: {  	p0 =	sne.s32 s7, $0x1  }
0x74: {  	[hbm4b:s5+s2] =	stream.indirect_vreg.scatter [tilespmem:s30], [sflag:$0x1], $0x80, v3, vm0, $0xb8;
	[tilespmem:$0x10080] =	vst v63  }
.Ltmp0:
0x75: {  	_ = 	snop;
	(pc) =	sbr.rel @p0 .LBB2_1-.Ltmp0, $4  }
0x76: {  	[hbm4b:s6+s2] =	stream.indirect_vreg.scatter [tilespmem:s31], [sflag:$0x1], $0x80, v3, vm0, $0xb8;
	[tilespmem:$0x10080] =	vst v63  }
0x77: {  	_ =	swait.ge [sflag:s1], $0x10000  }
0x78: {  	[sflag:s1] =	ssyncset.done $0x0  }
0x79: {  	s7 =	sadd.s32 $0xFFFFFFFF, s7;
	[sflag:s1] =	ssyncadd.s32 $0xFFFF0000  }
0x7a: {  	_ =	sfence.sel $0x180000  }
0x7b: {  	[bflag:$0x0] =	sbarrier.arrive $0xFFFF  }
0x7c: {  	_ =	strace $0x90000047  }
0x7d: {  	s0 =	stileid.u32;
	[bflag:$0x2] =	sbarrier.arrive $0xFFFF  }
0x7e: {  	p0 =	sne.s32 s0, $0x0;
	s0 =	rddreg [dreg:$0x2]  }
0x7f: {  	s0 =	sadd.s32 @!p0 $0x100000, s0  }
0x80: {  	[sflag:s0] =	ssyncadd.tile.s32 @!p0 $0x1;
	_ =	shalt  }
.Lfunc_end2:
_tile_overlayer_lowered:
.L_overlay_start_2:
0x81: {  	(tag) =	ssettag $0x2  }
0x82: {  	s0 =	rddreg [dreg:$0x0];
	s2 =	stileid.u32  }
0x83: {  	s1 =	rddreg [dreg:$0x1];
	p0 =	sne.s32 s2, $0x0  }
0x84: {  	s3 =	rddreg [dreg:$0x2];
	[bflag:$0x3] =	sbarrier.arrive $0xFFFF;
	s2 =	simm.s32 @!p0 $0x1C02  }
0x85: {  	[timem:s3], [sflag:s2] =	dma.local @!p0 [hbm:s0], s1  }
0x86: {  	s0 =	simm.s32 @!p0 $0x2  }
0x87: {  	_ =	swait.ge @!p0 [sflag:s0], s1  }
0x88: {  	s1 =	ssub.s32 @!p0 $0x0, s1;
	[sflag:s0] =	ssyncset.done @!p0 $0x0  }
0x89: {  	[sflag:s0] =	ssyncadd.s32 @!p0 s1  }
0x8a: {  	[bflag:$0x3] =	sbarrier.arrive $0xFFFF  }
0x8b: {  	_ =	shalt  }

// kernel: kernel.9.cloned.1.call-start
scs
__scs_entry_jumppad:
0x0: {  	(pc) =	sbr.rel $0x88, $3  }
0x1: {  	(tag) =	ssettag $0x0;
	lr =	simm.s32 $0x1  }
0x2: {  	[smem:$0x3F9B] =	sst lr;
	_ =	strace $0xD0000000  }
0x3: {  	_ = 	snop  }
0x4: {  	_ = 	snop  }
0x5: {  	_ = 	snop  }
0x6: {  	_ = 	snop  }
0x7: {  	_ = 	snop  }
__scs_overlays_trampoline_lowered:
0x8: {  	[smem:$0x3FAA] =	sst s0  }
0x9: {  	[smem:$0x3FAB] =	sst s1  }
0xa: {  	[smem:$0x3FAC] =	sst s2  }
0xb: {  	[smem:$0x3FAD] =	sst s3  }
0xc: {  	[smem:$0x3FAE] =	sst s4  }
0xd: {  	[smem:$0x3FAF] =	sst s5  }
0xe: {  	[smem:$0x3FB0] =	sst s6  }
0xf: {  	[smem:$0x3FB1] =	sst s7  }
0x10: {  	[smem:$0x3FB2] =	sst s8  }
0x11: {  	[smem:$0x3FB3] =	sst s9;
	s0 =	simm.s32 @!p0 $0x0  }
0x12: {  	s1 =	sld [smem:$0x3F99];
	s0 =	simm.s32 @p0 $0x1  }
0x13: {  	[smem:$0x3FB4] =	sst s0;
	s0 =	simm.s32 @!p1 $0x0  }
0x14: {  	s2 =	sld [smem:$0x3F98];
	s0 =	simm.s32 @p1 $0x1  }
0x15: {  	[smem:$0x3FB5] =	sst s0;
	s0 =	simm.s32 @!p2 $0x0  }
0x16: {  	s3 =	sld [smem:$0x3FDB];
	s0 =	simm.s32 @p2 $0x1  }
0x17: {  	s4 =	simm.s32 $0x1BF5;
	[smem:$0x3FB7] =	sst s0  }
0x18: {  	s0 =	sld [smem:$0x3F9A];
	_ =	swait.ge [sflag:s4], $0x0  }
0x19: {  	s7 =	sld [smem:$0x3F9B]  }
0x1a: {  	s8 =	sadd.s32 $0xFFFFE003, lr  }
0x1b: {  	s9 =	sadd.s32 $0xFFFFFEF7, lr;
	s5 =	simm.s32 $0xFFFFFFFF;
	p2 =	slt.u32 s8, $0xFFFFF086  }
0x1c: {  	p1 =	slt.u32 s9, $0xF7A;
	s5 =	simm.s32 @!p2 $0x0  }
0x1d: {  	s5 =	simm.s32 @p1 $0x1;
	p0 =	seq.s32 s7, s2  }
0x1e: {  	s7 =	smul.u32 @!p0 $0xF7A, s2;
	p2 =	seq.s32 @!p0 s5, $0x0  }
0x1f: {  	s9 =	smul.u32 $0xF7A, s1;
	s8 =	simm.s32 @!p0 $0x1BF5;
	p2 =	por !p2, p0  }
0x20: {  	[sflag:s8] =	ssyncset.s32 @!p0 $0xFFFFF086;
	s6 =	sadd.s32 @!p0 s3, s7;
	s7 =	simm.s32 @!p0 $0x108  }
0x21: {  	s3 =	sadd.s32 s3, s9;
	s6 =	sadd.s32 @!p0 $0x88, s6;
	s7 =	simm.s32 @p2 $0x1082  }
0x22: {  	[simem:s7], [sflag:s8] =	dma.local @!p0 [hbm:s6], $0xF7A  }
0x23: {  	s9 =	sor.u32 $0xD0000000, s2;
	s6 =	simm.s32 $0x108;
	_ =	swait.ge @!p0 [sflag:s8], $0x0  }
0x24: {  	s3 =	sadd.s32 $0x88, s3;
	s6 =	simm.s32 @!p1 $0x1082;
	[sflag:s4] =	ssyncset.s32 $0xFFFFF086  }
0x25: {  	[simem:s6], [sflag:s4] =	dma.local [hbm:s3], $0xF7A  }
0x26: {  	[smem:$0x3F9B] =	sst s1;
	(tag) =	ssettag s2;
	_ =	strace s9  }
0x27: {  	s1 =	sld [smem:$0x3FAB]  }
0x28: {  	s2 =	sld [smem:$0x3FAC]  }
0x29: {  	s4 =	sld [smem:$0x3FAE]  }
0x2a: {  	p0 =	seq.s32 s5, $0x0;
	s5 =	sld [smem:$0x3FAF]  }
0x2b: {  	s6 =	sld [smem:$0x3FB0]  }
0x2c: {  	s7 =	sld [smem:$0x3FB1]  }
0x2d: {  	s3 =	simm.s32 $0x108;
	s8 =	sld [smem:$0x3FB2]  }
0x2e: {  	s3 =	simm.s32 @!p0 $0x1082;
	s9 =	sld [smem:$0x3FB3]  }
0x2f: {  	lr =	sadd.s32 s0, s3;
	s0 =	sld [smem:$0x3FAA]  }
0x30: {  	s3 =	sld [smem:$0x3FAD]  }
0x31: {  	[smem:$0x3FB6] =	sst s10  }
0x32: {  	s10 =	sld [smem:$0x3FB4];
	_ =	sdelay $0x3  }
0x33: {  	p0 =	seq.s32 s10, $0x1;
	s10 =	sld [smem:$0x3FB6];
	_ =	sdelay $0x3  }
0x34: {  	[smem:$0x3FB6] =	sst s10  }
0x35: {  	s10 =	sld [smem:$0x3FB5];
	_ =	sdelay $0x3  }
0x36: {  	p1 =	seq.s32 s10, $0x1;
	s10 =	sld [smem:$0x3FB6];
	_ =	sdelay $0x3  }
0x37: {  	[smem:$0x3FB6] =	sst s10  }
0x38: {  	s10 =	sld [smem:$0x3FB7]  }
0x39: {  	_ = 	snop;
	(pc) =	sbr.ind lr, $3  }
0x3a: {  	_ = 	snop  }
0x3b: {  	_ = 	snop  }
0x3c: {  	p2 =	seq.s32 s10, $0x1;
	s10 =	sld [smem:$0x3FB6]  }
0x3d: {  	_ =	shalt  }
0x3e: {  	_ =	shalt  }
0x3f: {  	_ =	shalt  }
0x40: {  	_ =	shalt  }
0x41: {  	_ =	shalt  }
0x42: {  	_ =	shalt  }
0x43: {  	_ =	shalt  }
0x44: {  	_ =	shalt  }
0x45: {  	_ =	shalt  }
0x46: {  	_ =	shalt  }
0x47: {  	_ =	shalt  }
0x48: {  	_ =	shalt  }
0x49: {  	_ =	shalt  }
0x4a: {  	_ =	shalt  }
0x4b: {  	_ =	shalt  }
0x4c: {  	_ =	shalt  }
0x4d: {  	_ =	shalt  }
0x4e: {  	_ =	shalt  }
0x4f: {  	_ =	shalt  }
0x50: {  	_ =	shalt  }
0x51: {  	_ =	shalt  }
0x52: {  	_ =	shalt  }
0x53: {  	_ =	shalt  }
0x54: {  	_ =	shalt  }
0x55: {  	_ =	shalt  }
0x56: {  	_ =	shalt  }
0x57: {  	_ =	shalt  }
0x58: {  	_ =	shalt  }
0x59: {  	_ =	shalt  }
0x5a: {  	_ =	shalt  }
0x5b: {  	_ =	shalt  }
0x5c: {  	_ =	shalt  }
0x5d: {  	_ =	shalt  }
0x5e: {  	_ =	shalt  }
0x5f: {  	_ =	shalt  }
0x60: {  	_ =	shalt  }
0x61: {  	_ =	shalt  }
0x62: {  	_ =	shalt  }
0x63: {  	_ =	shalt  }
0x64: {  	_ =	shalt  }
0x65: {  	_ =	shalt  }
0x66: {  	_ =	shalt  }
0x67: {  	_ =	shalt  }
0x68: {  	_ =	shalt  }
0x69: {  	_ =	shalt  }
0x6a: {  	_ =	shalt  }
0x6b: {  	_ =	shalt  }
0x6c: {  	_ =	shalt  }
0x6d: {  	_ =	shalt  }
0x6e: {  	_ =	shalt  }
0x6f: {  	_ =	shalt  }
0x70: {  	_ =	shalt  }
0x71: {  	_ =	shalt  }
0x72: {  	_ =	shalt  }
0x73: {  	_ =	shalt  }
0x74: {  	_ =	shalt  }
0x75: {  	_ =	shalt  }
0x76: {  	_ =	shalt  }
0x77: {  	_ =	shalt  }
0x78: {  	_ =	shalt  }
0x79: {  	_ =	shalt  }
0x7a: {  	_ =	shalt  }
0x7b: {  	_ =	shalt  }
0x7c: {  	_ =	shalt  }
0x7d: {  	_ =	shalt  }
0x7e: {  	_ =	shalt  }
0x7f: {  	_ =	shalt  }
0x80: {  	_ =	shalt  }
0x81: {  	_ =	shalt  }
0x82: {  	_ =	shalt  }
0x83: {  	_ =	shalt  }
0x84: {  	_ =	shalt  }
0x85: {  	_ =	shalt  }
0x86: {  	_ =	shalt  }
0x87: {  	_ =	shalt  }
.Lfunc_end0:
.L_simem_size_0:
called_computation.1_lowered:
.L_overlay_start_0:
0x88: {  	s2 =	sld [smem:$0x3FD9]  }
0x89: {  	s3 =	sld [smem:$0x3FFE];
	_ =	sdelay $0x1  }
0x8a: {  	s1 =	srdreg.scid  }
0x8b: {  	s0 =	sand.u32 $0x1, s1  }
0x8c: {  	s17 =	sshll.u32 s0, $0xA;
	s2 =	sadd.s32 s3, s2  }
0x8d: {  	s2 =	sadd.s32 s2, s17  }
0x8e: {  	[smem:$0x3FC2] =	sst s2  }
0x8f: {  	_ = 	snop  }
0x90: {  	s2 =	sld [smem:$0x3FD0];
	(tm) =	ssettm $0x1  }
0x91: {  	s18 =	sld [smem:$0x3FFB];
	_ =	sdelay $0x3  }
0x92: {  	_ =	strace s18  }
0x93: {  	s3 =	sld [smem:$0x3FFC];
	_ =	sdelay $0x3  }
0x94: {  	_ =	strace s3  }
0x95: {  	s3 =	sld [smem:$0x3FFD];
	_ =	sdelay $0x3  }
0x96: {  	_ =	strace s3  }
0x97: {  	_ =	strace $0x8FFFFFFF  }
0x98: {  	s19 =	sld [smem:$0x3FDB];
	_ =	sdelay $0x1  }
0x99: {  	s4 =	simm.s32 $_scs_section_size  }
0x9a: {  	s5 =	simm.s32 $_size__tile_overlayer_lowered;
	s6 =	simm.s32 $_tile_overlayer_lowered  }
0x9b: {  	s22 =	simm.s32 $0x1BFF;
	s21 =	sshll.u32 s6, $0x1;
	s3 =	sadd.s32 s4, s19  }
0x9c: {  	s7 =	simm.s32 $0x0;
	s20 =	sshll.u32 s5, $0x1;
	s5 =	sadd.s32 s21, s3  }
0x9d: {  	[timem:s7], [sflag:s22] =	dma.local [hbm:s5], s20  }
0x9e: {  	_ =	swait.ge [sflag:s22], s20  }
0x9f: {  	s4 =	ssub.s32 $0x0, s20;
	[sflag:s22] =	ssyncset.done $0x0  }
0xa0: {  	[sflag:s22] =	ssyncadd.s32 s4;
	_ =	sdelay $0x1  }
0xa1: {  	s23 =	simm.s32 $0x1B8B  }
0xa2: {  	_ =	swait.ge [sflag:s23], $0x1  }
0xa3: {  	[sflag:s23] =	ssyncset.done $0x0  }
0xa4: {  	s25 =	simm.s32 $0x1B8E;
	s24 =	sld [smem:$0x3FFE];
	[sflag:s23] =	ssyncadd.s32 $0xFFFFFFFF  }
0xa5: {  	s26 =	simm.s32 $execute0_lowered;
	[smem:$0x3FD2] =	sst s25  }
0xa6: {  	s5 =	sshll.u32 s26, $0x1;
	_ =	strace $0x80000049;
	[dreg:$0x1] =	wrdreg $0xFFFFFFFF  }
0xa7: {  	s28 =	simm.s32 $_size_execute0_lowered;
	s3 =	sadd.s32 s3, s5;
	[dreg:$0x0] =	wrdreg $0x0  }
0xa8: {  	s5 =	sshll.u32 s28, $0x1;
	[dreg:$0x2] =	wrdreg s3  }
0xa9: {  	[dreg:$0x3] =	wrdreg s5  }
0xaa: {  	[dreg:$0x4] =	wrdreg $0xC0  }
0xab: {  	_ =	task [dreg:s7], $0x5FFFF  }
0xac: {  	[dreg:$0x1] =	wrdreg $0xFFFFFFFF  }
0xad: {  	[dreg:$0x0] =	wrdreg $0x60  }
0xae: {  	[dreg:$0x2] =	wrdreg s24  }
0xaf: {  	[dreg:$0x3] =	wrdreg s2  }
0xb0: {  	[dreg:$0x4] =	wrdreg $0x9  }
0xb1: {  	_ =	task.clear_ibuf [dreg:s7], $0x5FFFF;
	_ =	strace $0x90000049  }
0xb2: {  	s29 =	simm.s32 $0x9;
	_ =	strace $0x8000004B  }
0xb3: {  	_ =	swait.ge [sflag:s29], $0x1  }
0xb4: {  	[sflag:s29] =	ssyncadd.s32 $0xFFFFFFFF  }
0xb5: {  	_ =	strace $0x9000004B  }
0xb6: {  	_ =	sfence  }
0xb7: {  	s30 =	sld [smem:$0x0];
	_ =	sdelay $0x2  }
0xb8: {  	s31 =	sshll.u32 s1, $0xD;
	s1 =	sshrl.u32 s1, $0x2  }
0xb9: {  	s3 =	sand.u32 $0x4000, s31;
	s1 =	sadd.s32 s1, s30  }
0xba: {  	s0 =	sor.u32 s3, s0;
	s1 =	sshll.u32 s1, $0x11  }
0xbb: {  	s0 =	sor.u32 s1, s0  }
0xbc: {  	s0 =	sadd.s32 $0x8F2B, s0  }
0xbd: {  	[sflag:s0] =	ssyncadd.remote.s32 $0x1  }
0xbe: {  	_ =	sfence.sel $0xFFFF  }
0xbf: {  	[dreg:$0x0] =	wrdreg $0xFFFFFFFF;
	(pc) =	sbr.abs _section_cstart, $3  }
0xc0: {  	[dreg:$0x1] =	wrdreg $0xFFFFFFFF  }
0xc1: {  	_ =	task.clear_ibuf [dreg:s7], $0x2FFFF;
	_ =	strace $0x9FFFFFFF  }
0xc2: {  	(tm) =	ssettm $0x7FFFFFFF  }
0xc3: {  	_ =	shalt  }
tec
execute0_lowered:
.L_overlay_start_1:
0x0: {  	(tag) =	ssettag $0x1  }
0x1: {  	s1 =	srdreg.scid  }
0x2: {  	s0 =	stileid.u32;
	s6 =	rddreg [dreg:$0x0]  }
0x3: {  	s4 =	rddreg [dreg:$0x1];
	s18 =	simm.s32 $0x880;
	s19 =	simm.s32 $0x1080  }
0x4: {  	s20 =	simm.s32 $0x1880;
	s22 =	simm.s32 $0x2080;
	s23 =	simm.s32 $0x2880  }
0x5: {  	s7 =	simm.s32 $0x3080;
	s24 =	simm.s32 $0x3880;
	s8 =	simm.s32 $0x4080  }
0x6: {  	s25 =	simm.s32 $0x4880;
	s26 =	simm.s32 $0x5080;
	s1 =	sand.u32 $0x1, s1  }
0x7: {  	s9 =	simm.s32 $0x80;
	s2 =	sshll.u32 s0, $0x7;
	s3 =	sshll.u32 s1, $0x6  }
0x8: {  	s11 =	simm.s32 $0x6080;
	s3 =	sor.u32 s3, s2;
	s2 =	simm.s32 $0x0  }
0x9: {  	s12 =	simm.s32 $0x6880;
	s13 =	simm.s32 $0x7080;
	[smem:$0x7FF] =	sst s2  }
0xa: {  	s14 =	simm.s32 $0x7880;
	_ =	strace $0x8000004A;
	[dreg:$0x5] =	wrdreg s18  }
0xb: {  	s15 =	simm.s32 $0x8080;
	s16 =	simm.s32 $0x8880;
	[dreg:$0x6] =	wrdreg s19  }
0xc: {  	s17 =	simm.s32 $0x9080;
	s28 =	simm.s32 $0xE080;
	[dreg:$0x7] =	wrdreg s20  }
0xd: {  	s29 =	simm.s32 $0xE880;
	s30 =	simm.s32 $0xF080;
	[dreg:$0x8] =	wrdreg s22  }
0xe: {  	s31 =	simm.s32 $0xF880;
	s1 =	ssub.s32 $0x2, s1;
	[dreg:$0x9] =	wrdreg s23  }
0xf: {  	s21 =	sshrl.u32 s1, $0x1;
	s5 =	sshrl.u32 s3, $0x3;
	[dreg:$0xa] =	wrdreg s7  }
0x10: {  	s3 =	sshll.u32 s3, $0x7;
	s1 =	ssub.s32 s1, s21;
	[dreg:$0xb] =	wrdreg s24  }
0x11: {  	s21 =	simm.s32 $0xB080;
	s5 =	sadd.s32 s5, s6;
	[dreg:$0xc] =	wrdreg s8  }
0x12: {  	s3 =	sadd.s32 s4, s3;
	s4 =	sadd.s32 $0x1100, s6;
	[dreg:$0xd] =	wrdreg s25  }
0x13: {  	s7 =	smax.u32 s1, $0x1;
	s8 =	simm.s32 $0x2;
	[dreg:$0xe] =	wrdreg s26  }
0x14: {  	s18 =	simm.s32 $0x9880;
	s19 =	simm.s32 $0xA080;
	s20 =	simm.s32 $0xA880  }
0x15: {  	s22 =	simm.s32 $0xB880;
	s23 =	simm.s32 $0xC080;
	s24 =	simm.s32 $0xC880  }
0x16: {  	v2 =	vlaneseq.u32;
	s25 =	simm.s32 $0xD080;
	s26 =	simm.s32 $0xD880;
	s1 =	simm.s32 $0x1  }
0x17: {  	vm0 =	vmmov $0xffff;
	v1 =	vshrl.u32 v2, $0x3;
	s5 =	sadd.s32 $0xE00, s5;
	[dreg:$0x4] =	wrdreg s3;
	s3 =	sadd.s32 $0x1000, s6  }
0x18: {  	v0 =	vand.u32 $0x7, v2;
	v2 =	vor.u32 $0x8, v2;
	v1 =	vmul.u32 $0x8, v1;
	[dreg:$0x3] =	wrdreg s5;
	s5 =	sadd.s32 $0x1200, s6;
	s6 =	sadd.s32 $0x1300, s6  }
.LBB2_1:
0x19: {  	s0 =	rddreg [dreg:$0x3]  }
0x1a: {  	[tilespmem:s2], [sflag:$0x2] =	stream.linear.gather [hbm4b:s0+s2], $0x40, $0x38;
	[tilespmem:$0x10080] =	vst v63  }
0x1b: {  	_ =	swait.ge [sflag:s8], $0x40  }
0x1c: {  	[sflag:s8] =	ssyncset.done $0x0  }
0x1d: {  	[sflag:s8] =	ssyncadd.s32 $0xFFFFFFC0  }
0x1e: {  	v3 =	vld [tilespmem:$0x0];
	_ =	sdelay $0x4  }
0x1f: {  	v4 =	vshll.u32 v3, $0x3  }
0x20: {  	v3 =	vand.u32 $0x7, v3;
	v4 =	vand.u32 $0xFFFFFFC0, v4  }
0x21: {  	v3 =	vor.u32 v3, v4  }
0x22: {  	v4 =	vperm.xlane v3, v0;
	_ =	sdelay $0x1  }
0x23: {  	v4 =	vadd.s32 v1, v4;
	_ =	sdelay $0x4  }
0x24: {  	[tilespmem:s9], [sflag:$0x1] =	stream.indirect_vreg.gather [hbm4b:s3+s2], $0x80, v4, vm0, $0xb8;
	[tilespmem:$0x10080] =	vst v63  }
0x25: {  	s0 =	rddreg [dreg:$0x5];
	v3 =	vperm.xlane v3, v2  }
0x26: {  	[tilespmem:s0], [sflag:$0x1] =	stream.indirect_vreg.gather [hbm4b:s4+s2], $0x80, v4, vm0, $0xb8;
	[tilespmem:$0x10080] =	vst v63  }
0x27: {  	s10 =	rddreg [dreg:$0x6];
	v3 =	vadd.s32 v1, v3  }
0x28: {  	[tilespmem:s10], [sflag:$0x1] =	stream.indirect_vreg.gather [hbm4b:s5+s2], $0x80, v4, vm0, $0xb8;
	[tilespmem:$0x10080] =	vst v63  }
0x29: {  	s0 =	rddreg [dreg:$0x7]  }
0x2a: {  	[tilespmem:s0], [sflag:$0x1] =	stream.indirect_vreg.gather [hbm4b:s6+s2], $0x80, v4, vm0, $0xb8;
	[tilespmem:$0x10080] =	vst v63  }
0x2b: {  	s10 =	rddreg [dreg:$0x8]  }
0x2c: {  	[tilespmem:s10], [sflag:$0x1] =	stream.indirect_vreg.gather [hbm4b:s3+s2], $0x80, v3, vm0, $0xb8;
	[tilespmem:$0x10080] =	vst v63  }
0x2d: {  	s0 =	rddreg [dreg:$0x9]  }
0x2e: {  	[tilespmem:s0], [sflag:$0x1] =	stream.indirect_vreg.gather [hbm4b:s4+s2], $0x80, v3, vm0, $0xb8;
	[tilespmem:$0x10080] =	vst v63  }
0x2f: {  	s10 =	rddreg [dreg:$0xa]  }
0x30: {  	[tilespmem:s10], [sflag:$0x1] =	stream.indirect_vreg.gather [hbm4b:s5+s2], $0x80, v3, vm0, $0xb8;
	[tilespmem:$0x10080] =	vst v63  }
0x31: {  	s0 =	rddreg [dreg:$0xb]  }
0x32: {  	[tilespmem:s0], [sflag:$0x1] =	stream.indirect_vreg.gather [hbm4b:s6+s2], $0x80, v3, vm0, $0xb8;
	[tilespmem:$0x10080] =	vst v63  }
0x33: {  	v3 =	vld [tilespmem:$0x10];
	_ =	sdelay $0x4  }
0x34: {  	v61 =	vshll.u32 v3, $0x3  }
0x35: {  	v3 =	vand.u32 $0x7, v3;
	v4 =	vand.u32 $0xFFFFFFC0, v61  }
0x36: {  	v3 =	vor.u32 v3, v4  }
0x37: {  	v4 =	vperm.xlane v3, v0;
	_ =	sdelay $0x1  }
0x38: {  	v4 =	vadd.s32 v1, v4;
	_ =	sdelay $0x3  }
0x39: {  	s0 =	rddreg [dreg:$0xc]  }
0x3a: {  	[tilespmem:s0], [sflag:$0x1] =	stream.indirect_vreg.gather [hbm4b:s3+s2], $0x80, v4, vm0, $0xb8;
	[tilespmem:$0x10080] =	vst v63  }
0x3b: {  	s10 =	rddreg [dreg:$0xd];
	v3 =	vperm.xlane v3, v2  }
0x3c: {  	[tilespmem:s10], [sflag:$0x1] =	stream.indirect_vreg.gather [hbm4b:s4+s2], $0x80, v4, vm0, $0xb8;
	[tilespmem:$0x10080] =	vst v63  }
0x3d: {  	v3 =	vadd.s32 v1, v3;
	s0 =	rddreg [dreg:$0xe]  }
0x3e: {  	[tilespmem:s0], [sflag:$0x1] =	stream.indirect_vreg.gather [hbm4b:s5+s2], $0x80, v4, vm0, $0xb8;
	[tilespmem:$0x10080] =	vst v63  }
0x3f: {  	s10 =	simm.s32 $0x5880  }
0x40: {  	[tilespmem:s10], [sflag:$0x1] =	stream.indirect_vreg.gather [hbm4b:s6+s2], $0x80, v4, vm0, $0xb8;
	[tilespmem:$0x10080] =	vst v63  }
0x41: {  	_ = 	snop  }
0x42: {  	[tilespmem:s11], [sflag:$0x1] =	stream.indirect_vreg.gather [hbm4b:s3+s2], $0x80, v3, vm0, $0xb8;
	[tilespmem:$0x10080] =	vst v63  }
0x43: {  	_ = 	snop  }
0x44: {  	[tilespmem:s12], [sflag:$0x1] =	stream.indirect_vreg.gather [hbm4b:s4+s2], $0x80, v3, vm0, $0xb8;
	[tilespmem:$0x10080] =	vst v63  }
0x45: {  	_ = 	snop  }
0x46: {  	[tilespmem:s13], [sflag:$0x1] =	stream.indirect_vreg.gather [hbm4b:s5+s2], $0x80, v3, vm0, $0xb8;
	[tilespmem:$0x10080] =	vst v63  }
0x47: {  	_ = 	snop  }
0x48: {  	[tilespmem:s14], [sflag:$0x1] =	stream.indirect_vreg.gather [hbm4b:s6+s2], $0x80, v3, vm0, $0xb8;
	[tilespmem:$0x10080] =	vst v63  }
0x49: {  	v3 =	vld [tilespmem:$0x20];
	_ =	sdelay $0x4  }
0x4a: {  	v62 =	vshll.u32 v3, $0x3  }
0x4b: {  	v3 =	vand.u32 $0x7, v3;
	v4 =	vand.u32 $0xFFFFFFC0, v62  }
0x4c: {  	v3 =	vor.u32 v3, v4  }
0x4d: {  	v4 =	vperm.xlane v3, v0;
	_ =	sdelay $0x1  }
0x4e: {  	v4 =	vadd.s32 v1, v4;
	_ =	sdelay $0x4  }
0x4f: {  	[tilespmem:s15], [sflag:$0x1] =	stream.indirect_vreg.gather [hbm4b:s3+s2], $0x80, v4, vm0, $0xb8;
	[tilespmem:$0x10080] =	vst v63  }
0x50: {  	v3 =	vperm.xlane v3, v2  }
0x51: {  	[tilespmem:s16], [sflag:$0x1] =	stream.indirect_vreg.gather [hbm4b:s4+s2], $0x80, v4, vm0, $0xb8;
	[tilespmem:$0x10080] =	vst v63  }
0x52: {  	v3 =	vadd.s32 v1, v3  }
0x53: {  	[tilespmem:s17], [sflag:$0x1] =	stream.indirect_vreg.gather [hbm4b:s5+s2], $0x80, v4, vm0, $0xb8;
	[tilespmem:$0x10080] =	vst v63  }
0x54: {  	_ = 	snop  }
0x55: {  	[tilespmem:s18], [sflag:$0x1] =	stream.indirect_vreg.gather [hbm4b:s6+s2], $0x80, v4, vm0, $0xb8;
	[tilespmem:$0x10080] =	vst v63  }
0x56: {  	_ = 	snop  }
0x57: {  	[tilespmem:s19], [sflag:$0x1] =	stream.indirect_vreg.gather [hbm4b:s3+s2], $0x80, v3, vm0, $0xb8;
	[tilespmem:$0x10080] =	vst v63  }
0x58: {  	_ = 	snop  }
0x59: {  	[tilespmem:s20], [sflag:$0x1] =	stream.indirect_vreg.gather [hbm4b:s4+s2], $0x80, v3, vm0, $0xb8;
	[tilespmem:$0x10080] =	vst v63  }
0x5a: {  	_ = 	snop  }
0x5b: {  	[tilespmem:s21], [sflag:$0x1] =	stream.indirect_vreg.gather [hbm4b:s5+s2], $0x80, v3, vm0, $0xb8;
	[tilespmem:$0x10080] =	vst v63  }
0x5c: {  	_ = 	snop  }
0x5d: {  	[tilespmem:s22], [sflag:$0x1] =	stream.indirect_vreg.gather [hbm4b:s6+s2], $0x80, v3, vm0, $0xb8;
	[tilespmem:$0x10080] =	vst v63  }
0x5e: {  	v3 =	vld [tilespmem:$0x30];
	_ =	sdelay $0x4  }
0x5f: {  	v63 =	vshll.u32 v3, $0x3  }
0x60: {  	v3 =	vand.u32 $0x7, v3;
	v4 =	vand.u32 $0xFFFFFFC0, v63  }
0x61: {  	v3 =	vor.u32 v3, v4  }
0x62: {  	v4 =	vperm.xlane v3, v0;
	_ =	sdelay $0x1  }
0x63: {  	v4 =	vadd.s32 v1, v4;
	_ =	sdelay $0x4  }
0x64: {  	[tilespmem:s23], [sflag:$0x1] =	stream.indirect_vreg.gather [hbm4b:s3+s2], $0x80, v4, vm0, $0xb8;
	[tilespmem:$0x10080] =	vst v63  }
0x65: {  	v3 =	vperm.xlane v3, v2  }
0x66: {  	[tilespmem:s24], [sflag:$0x1] =	stream.indirect_vreg.gather [hbm4b:s4+s2], $0x80, v4, vm0, $0xb8;
	[tilespmem:$0x10080] =	vst v63  }
0x67: {  	v3 =	vadd.s32 v1, v3  }
0x68: {  	[tilespmem:s25], [sflag:$0x1] =	stream.indirect_vreg.gather [hbm4b:s5+s2], $0x80, v4, vm0, $0xb8;
	[tilespmem:$0x10080] =	vst v63  }
0x69: {  	_ = 	snop  }
0x6a: {  	[tilespmem:s26], [sflag:$0x1] =	stream.indirect_vreg.gather [hbm4b:s6+s2], $0x80, v4, vm0, $0xb8;
	[tilespmem:$0x10080] =	vst v63  }
0x6b: {  	_ = 	snop  }
0x6c: {  	[tilespmem:s28], [sflag:$0x1] =	stream.indirect_vreg.gather [hbm4b:s3+s2], $0x80, v3, vm0, $0xb8;
	[tilespmem:$0x10080] =	vst v63  }
0x6d: {  	_ = 	snop  }
0x6e: {  	[tilespmem:s29], [sflag:$0x1] =	stream.indirect_vreg.gather [hbm4b:s4+s2], $0x80, v3, vm0, $0xb8;
	[tilespmem:$0x10080] =	vst v63  }
0x6f: {  	_ = 	snop  }
0x70: {  	[tilespmem:s30], [sflag:$0x1] =	stream.indirect_vreg.gather [hbm4b:s5+s2], $0x80, v3, vm0, $0xb8;
	[tilespmem:$0x10080] =	vst v63  }
0x71: {  	_ = 	snop  }
0x72: {  	[tilespmem:s31], [sflag:$0x1] =	stream.indirect_vreg.gather [hbm4b:s6+s2], $0x80, v3, vm0, $0xb8;
	[tilespmem:$0x10080] =	vst v63  }
0x73: {  	_ =	swait.ge [sflag:s1], $0x10000  }
0x74: {  	p0 =	sne.s32 s7, $0x1;
	[sflag:s1] =	ssyncset.done $0x0  }
.Ltmp0:
0x75: {  	s10 =	rddreg [dreg:$0x4];
	[sflag:s1] =	ssyncadd.s32 $0xFFFF0000;
	(pc) =	sbr.rel @p0 .LBB2_1-.Ltmp0, $4  }
0x76: {  	[hbm4b:s10+s2] =	stream.linear.scatter [tilespmem:s9], [sflag:$0x2], $0x10000, $0x38;
	[tilespmem:$0x10080] =	vst v63  }
0x77: {  	_ =	swait.ge [sflag:s8], $0x10000  }
0x78: {  	[sflag:s8] =	ssyncset.done $0x0  }
0x79: {  	s7 =	sadd.s32 $0xFFFFFFFF, s7;
	[sflag:s8] =	ssyncadd.s32 $0xFFFF0000  }
0x7a: {  	_ =	sfence.sel $0x180000  }
0x7b: {  	[bflag:$0x0] =	sbarrier.arrive $0xFFFF  }
0x7c: {  	_ =	strace $0x9000004A  }
0x7d: {  	s0 =	stileid.u32;
	[bflag:$0x2] =	sbarrier.arrive $0xFFFF  }
0x7e: {  	p0 =	sne.s32 s0, $0x0;
	s0 =	rddreg [dreg:$0x2]  }
0x7f: {  	s0 =	sadd.s32 @!p0 $0x100000, s0  }
0x80: {  	[sflag:s0] =	ssyncadd.tile.s32 @!p0 $0x1;
	_ =	shalt  }
.Lfunc_end2:
_tile_overlayer_lowered:
.L_overlay_start_2:
0x81: {  	(tag) =	ssettag $0x2  }
0x82: {  	s0 =	rddreg [dreg:$0x0];
	s2 =	stileid.u32  }
0x83: {  	s1 =	rddreg [dreg:$0x1];
	p0 =	sne.s32 s2, $0x0  }
0x84: {  	s3 =	rddreg [dreg:$0x2];
	[bflag:$0x3] =	sbarrier.arrive $0xFFFF;
	s2 =	simm.s32 @!p0 $0x1C02  }
0x85: {  	[timem:s3], [sflag:s2] =	dma.local @!p0 [hbm:s0], s1  }
0x86: {  	s0 =	simm.s32 @!p0 $0x2  }
0x87: {  	_ =	swait.ge @!p0 [sflag:s0], s1  }
0x88: {  	s1 =	ssub.s32 @!p0 $0x0, s1;
	[sflag:s0] =	ssyncset.done @!p0 $0x0  }
0x89: {  	[sflag:s0] =	ssyncadd.s32 @!p0 s1  }
0x8a: {  	[bflag:$0x3] =	sbarrier.arrive $0xFFFF  }
0x8b: {  	_ =	shalt  }

</sc_bundles>
